<compile_context>
chip_gen: v7x
topology: tpu7x:2x2x1
jax: 0.10.2.dev20260603
libtpu: 0.0.44.dev20260713+nightly
codegen_flags: <defaults>
</compile_context>

<pallas_src>
import math
import functools
import numpy as np
import jax
import jax.numpy as jnp
from jax import lax
from jax.experimental import pallas as pl
from jax.experimental.pallas import tpu as pltpu
from jax.experimental.pallas import tpu_sc as plsc

_B = 32
_NT = 64
_NS = 1024
_C = 768
_TOPK = 3
_HID2 = 4 * _C
_HID = 2 * _C
_NSMP = _B * _TOPK
_ROWS = _NSMP * 16
_SB = 4
_KB = 6
_BK = _HID2 // _KB
_BR = _ROWS // _SB
_GR = _NSMP * 4 // _SB


def _resize_matrix():
    r1 = np.zeros((4, 2), np.float64)
    for i in range(4):
        src = (i + 0.5) / 2.0 - 0.5
        w0 = max(0.0, 1.0 - abs(src))
        w1 = max(0.0, 1.0 - abs(src - 1.0))
        r1[i] = [w0 / (w0 + w1), w1 / (w0 + w1)]
    m = np.zeros((16, 4), np.float32)
    for i in range(4):
        for j in range(4):
            for a in range(2):
                for b in range(2):
                    m[i * 4 + j, a * 2 + b] = r1[i, a] * r1[j, b]
    return m


_MBIG = np.kron(np.eye(_BR // 16, dtype=np.float32), _resize_matrix())


def _irfft_basis():
    t = np.zeros((16, 24), np.float32)
    for k1 in range(4):
        for k2 in range(3):
            for p in range(2):
                e = np.zeros((4, 3), np.complex128)
                e[k1, k2] = 1.0 if p == 0 else 1j
                h = np.fft.irfft2(e, s=(4, 4))
                t[:, (k1 * 3 + k2) * 2 + p] = h.reshape(16)
    return t


_T2D = _irfft_basis()

_NBK = 4096


def _scores_body(zn_ref, x_ref, n_ref, o_ref):
    xn = x_ref[...] / n_ref[...]
    simt = lax.dot_general(zn_ref[...], xn, (((1,), (1,)), ((), ())),
                           preferred_element_type=jnp.float32)
    p = simt + pltpu.roll(simt, _NBK - 1, 1)
    q = p + pltpu.roll(p, _NBK - 32, 1)
    o_ref[...] = q * 0.25


def _scores(zn2d, x2d, nrm2d):
    return pl.pallas_call(
        _scores_body,
        grid=(_B * _NS // _NBK,),
        in_specs=[
            pl.BlockSpec((_B, _C), lambda nb: (0, 0)),
            pl.BlockSpec((_NBK, _C), lambda nb: (nb, 0)),
            pl.BlockSpec((_NBK, 1), lambda nb: (nb, 0)),
        ],
        out_specs=pl.BlockSpec((_B, _NBK), lambda nb: (0, nb)),
        out_shape=jax.ShapeDtypeStruct((_B, _B * _NS), jnp.float32),
    )(zn2d, x2d, nrm2d)


def _bcast_lane(v, lane_idx):
    idx = jnp.full((16, 1), lane_idx, jnp.int32)
    dnums = lax.GatherDimensionNumbers(
        offset_dims=(), collapsed_slice_dims=(0,), start_index_map=(0,))
    return lax.gather(v, idx, dnums, (1,),
                      mode=lax.GatherScatterMode.PROMISE_IN_BOUNDS)


def _topk_gather_body(wsc_hbm, x_hbm, out_hbm, sc_v, rows_v, sem):
    b = lax.axis_index("s") * 2 + lax.axis_index("c")
    pltpu.sync_copy(wsc_hbm.at[b, b], sc_v)
    lane = lax.broadcasted_iota(jnp.int32, (16,), 0)
    vregs = [v for v in range(64) if (v // 2) % 2 == 0]
    valid = (lane % 2) == 0
    rows = []
    ids = []
    for v in vregs:
        rows.append(jnp.where(valid, sc_v[pl.ds(v * 16, 16)], -1e30))
        ids.append(16 * (v // 4) + 8 * (v % 2) + lane // 2)
    wids = []
    for _ in range(_TOPK):
        m = rows[0]
        mid = ids[0]
        for i in range(1, len(rows)):
            upd = rows[i] > m
            m = jnp.where(upd, rows[i], m)
            mid = jnp.where(upd, ids[i], mid)
        s_all = _bcast_lane(plsc.cummax(m), 15)
        cand = jnp.where(m == s_all, mid, 4096)
        wid = -_bcast_lane(plsc.cummax(-cand), 15)
        wids.append(wid)
        for i in range(len(rows)):
            rows[i] = jnp.where(ids[i] == wid, -1e30, rows[i])
    t00s = [(w // 16) * 64 + (w % 16) * 2 for w in wids]
    jl = lane % 4
    off = (jl % 2) + 32 * (jl // 2)
    t00v = jnp.where(lane < 4, t00s[0], jnp.where(lane < 8, t00s[1], t00s[2]))
    idx = b * _NS + t00v + off
    pltpu.async_copy(x_hbm.at[idx], rows_v, sem).wait()
    pltpu.sync_copy(rows_v, out_hbm.at[b])


@functools.partial(jax.jit, static_argnums=())
def _topk_gather(wsc, x2d):
    mesh = plsc.VectorSubcoreMesh(core_axis_name="c", subcore_axis_name="s")
    return pl.kernel(
        _topk_gather_body,
        out_type=jax.ShapeDtypeStruct((_B, 16, _C), jnp.float32),
        mesh=mesh,
        scratch_types=[
            pltpu.VMEM((_NS,), jnp.float32),
            pltpu.VMEM((16, _C), jnp.float32),
            pltpu.SemaphoreType.DMA,
        ],
        compiler_params=pltpu.CompilerParams(needs_layout_passes=False),
    )(wsc, x2d)


def _weights_body(cw_ref, t2d_ref, xyz_ref, scal_ref, rot_ref, feat_ref,
                  opac_ref, wp_ref, bp_ref, h_ref, gs_ref):
    h_ref[...] = jnp.dot(t2d_ref[...], cw_ref[...],
                         preferred_element_type=jnp.float32)
    xy = jnp.tanh(xyz_ref[...])
    mean_x = 0.5 * (xy[0:1] + 1.0) * 4.0
    mean_y = 0.5 * (xy[1:2] + 1.0) * 4.0
    scale = jnp.abs(scal_ref[...] + 0.5)
    s0sq = scale[0:1] * scale[0:1]
    s1sq = scale[1:2] * scale[1:2]
    theta = jax.nn.sigmoid(rot_ref[...]) * (2.0 * math.pi)
    cs = jnp.cos(theta)
    sn = jnp.sin(theta)
    a = cs * cs * s0sq + sn * sn * s1sq
    bb = cs * sn * (s0sq - s1sq)
    c = sn * sn * s0sq + cs * cs * s1sq
    det = jnp.maximum(a * c - bb * bb, 1e-12)
    ca = c / det
    cb = -bb / det
    cc = a / det
    srow = lax.broadcasted_iota(jnp.int32, (16, 9), 0)
    xs = (srow % 4).astype(jnp.float32) + 0.5
    ys = (srow // 4).astype(jnp.float32) + 0.5
    dx = xs - mean_x
    dy = ys - mean_y
    power = -0.5 * (ca * dx * dx + 2.0 * cb * dx * dy + cc * dy * dy)
    alpha = opac_ref[...] * jnp.exp(power)
    img = jnp.clip(jnp.dot(alpha, feat_ref[...],
                           preferred_element_type=jnp.float32), 0.0, 1.0)
    gs_ref[...] = jnp.dot(img, wp_ref[...],
                          preferred_element_type=jnp.float32) + bp_ref[...]


def _weights(cw2d, t2d, xyz_t, scal_t, rot_t, feats, opac_t, wp_t, bp):
    return pl.pallas_call(
        _weights_body,
        in_specs=[pl.BlockSpec(a.shape, lambda: tuple(0 for _ in a.shape))
                  for a in (cw2d, t2d, xyz_t, scal_t, rot_t, feats, opac_t,
                            wp_t, bp)],
        out_specs=[
            pl.BlockSpec((16, _HID2), lambda: (0, 0)),
            pl.BlockSpec((16, _C), lambda: (0, 0)),
        ],
        out_shape=[
            jax.ShapeDtypeStruct((16, _HID2), jnp.float32),
            jax.ShapeDtypeStruct((16, _C), jnp.float32),
        ],
    )(cw2d, t2d, xyz_t, scal_t, rot_t, feats, opac_t, wp_t, bp)


def _dense_body(g_ref, mbig_ref, lng_ref, lnb_ref, w1_ref, b1_ref, h_ref,
                w2_ref, b2_ref, gs_ref, o_ref, acc_ref, xr_ref, xn_ref):
    kb = pl.program_id(0)
    sb = pl.program_id(1)

    @pl.when(kb == 0)
    def _():
        xr = jnp.dot(mbig_ref[...], g_ref[...],
                     preferred_element_type=jnp.float32)
        mu = jnp.mean(xr, axis=1, keepdims=True)
        d = xr - mu
        var = jnp.mean(d * d, axis=1, keepdims=True)
        xr_ref[sb] = xr
        xn_ref[sb] = d * lax.rsqrt(var + 1e-5) * lng_ref[...] + lnb_ref[...]

    y = lax.dot_general(xn_ref[sb], w1_ref[...], (((1,), (1,)), ((), ())),
                        preferred_element_type=jnp.float32) + b1_ref[...]
    y3 = y.reshape(_BR // 16, 16, _BK)
    h = h_ref[...]
    jmask = (lax.broadcasted_iota(jnp.int32, (1, 16, 1), 1) % 4)
    conv = None
    for m in range(16):
        if m == 0:
            cm = y3
        else:
            cm = jnp.concatenate([y3[:, 16 - m:, :], y3[:, :16 - m, :]],
                                 axis=1)
        da1, db1 = m // 4, m % 4
        da0 = (da1 + 1) % 4
        ha = h[da1 * 4 + db1].reshape(1, 1, _BK)
        hb = h[da0 * 4 + db1].reshape(1, 1, _BK)
        gm = jnp.where(jmask >= db1, ha, hb)
        term = cm * gm
        conv = term if conv is None else conv + term
    conv2 = conv.reshape(_BR, _BK)
    part = lax.dot_general(conv2, w2_ref[...], (((1,), (1,)), ((), ())),
                           preferred_element_type=jnp.float32)

    @pl.when(kb == 0)
    def _():
        acc_ref[sb] = part

    @pl.when(kb > 0)
    def _():
        acc_ref[sb] += part

    @pl.when(kb == _KB - 1)
    def _():
        t = acc_ref[sb] + b2_ref[...]
        x1 = t[:, :_C]
        x2 = t[:, _C:]
        glu = 0.5 * x1 * (1.0 + lax.erf(x1 * (1.0 / math.sqrt(2.0)))) * x2
        o_ref[...] = glu + xr_ref[sb] + gs_ref[...]


def _dense(g, mbig, lng, lnb, w1t, b1, h, w2t, b2, gs_t):
    return pl.pallas_call(
        _dense_body,
        grid=(_KB, _SB),
        in_specs=[
            pl.BlockSpec((_GR, _C), lambda kb, sb: (sb, 0)),
            pl.BlockSpec((_BR, _GR), lambda kb, sb: (0, 0)),
            pl.BlockSpec((1, _C), lambda kb, sb: (0, 0)),
            pl.BlockSpec((1, _C), lambda kb, sb: (0, 0)),
            pl.BlockSpec((_BK, _C), lambda kb, sb: (kb, 0)),
            pl.BlockSpec((1, _BK), lambda kb, sb: (0, kb)),
            pl.BlockSpec((16, _BK), lambda kb, sb: (0, kb)),
            pl.BlockSpec((_HID, _BK), lambda kb, sb: (0, kb)),
            pl.BlockSpec((1, _HID), lambda kb, sb: (0, 0)),
            pl.BlockSpec((_BR, _C), lambda kb, sb: (0, 0)),
        ],
        out_specs=pl.BlockSpec((_BR, _C), lambda kb, sb: (sb, 0)),
        out_shape=jax.ShapeDtypeStruct((_ROWS, _C), jnp.float32),
        scratch_shapes=[pltpu.VMEM((_SB, _BR, _HID), jnp.float32),
                        pltpu.VMEM((_SB, _BR, _C), jnp.float32),
                        pltpu.VMEM((_SB, _BR, _C), jnp.float32)],
        compiler_params=pltpu.CompilerParams(
            dimension_semantics=("arbitrary", "arbitrary")),
    )(g, mbig, lng, lnb, w1t, b1, h, w2t, b2, gs_t)


def kernel(z, x, ln_gamma, ln_beta, w_in, b_in, complex_weight, w_mid, b_mid,
           gs_xyz, gs_scaling, gs_rotation, gs_features, gs_opacity, w_proj,
           b_proj):
    z_center = jnp.transpose(z, (0, 2, 1)).reshape(_B, _C, 8, 8)
    z_max = jnp.max(z_center, axis=(2, 3)).reshape(_B, 1, _C)
    zn = z_max / jnp.clip(jnp.linalg.norm(z_max, axis=-1, keepdims=True),
                          1e-12)
    nrm = jnp.clip(jnp.linalg.norm(x, axis=-1, keepdims=True), 1e-12)
    wsc = _scores(zn.reshape(_B, _C), x.reshape(_B * _NS, _C),
                  nrm.reshape(_B * _NS, 1))
    wsc = wsc.reshape(_B, _B, _NS)
    rows = _topk_gather(wsc, x.reshape(_B * _NS, _C))[:, :12]
    cw2d = jnp.transpose(complex_weight, (0, 1, 3, 2)).reshape(24, _HID2)
    h, gs16 = _weights(
        cw2d, jnp.asarray(_T2D),
        gs_xyz.T, gs_scaling.T, gs_rotation.T, gs_features,
        gs_opacity.T, w_proj.T, b_proj.reshape(1, _C))
    g = rows.reshape(_NSMP * 4, _C)
    gs_t = jnp.tile(gs16, (_BR // 16, 1))
    out = _dense(g, jnp.asarray(_MBIG), ln_gamma.reshape(1, _C),
                 ln_beta.reshape(1, _C), w_in, b_in.reshape(1, _HID2), h,
                 w_mid, b_mid.reshape(1, _HID), gs_t)
    return out.reshape(_B, _TOPK * 16, _C)

# --- scband reference (transcript-rebuilt; emitter-appended) ---
"""Pipeline reference for scband-token-generation-19224273617588 (READ-ONLY COPY).

The authoritative reference and input builder live on the scoring server;
editing this copy changes nothing except your own understanding.
"""

import math
import jax, jax.numpy as jnp
import numpy as np

B = 32
NT = 64
NS = 1024
DIM = 768
TOPK = 3

def _layernorm(x, g, b):
    mu = jnp.mean(x, axis=-1, keepdims=True)
    var = jnp.var(x, axis=-1, keepdims=True)
    return (x - mu) / jnp.sqrt(var + 1e-5) * g + b

def _spectral_filter(x, g, b, w_in, b_in, cw, w_mid, b_mid):
    xn = _layernorm(x, g, b)
    y = jnp.einsum('nhwc,oc->nhwo', xn, w_in) + b_in
    yf = jnp.fft.rfft2(y, axes=(1, 2), norm='ortho')
    wt = cw[..., 0] + 1j * cw[..., 1]
    yf = yf * wt
    a, bdim = x.shape[1], x.shape[2]
    y = jnp.fft.irfft2(yf, s=(a, bdim), axes=(1, 2), norm='ortho')
    y = jnp.einsum('nhwc,oc->nhwo', y, w_mid) + b_mid
    ch = y.shape[-1] // 2
    x1, x2 = y[..., :ch], y[..., ch:]
    out = jax.nn.gelu(x1, approximate=False) * x2
    return jnp.transpose(out, (0, 3, 1, 2))

def _gaussian_image(xyz_p, scaling_p, rotation_p, feats, opacity, w_proj, b_proj, C):
    H = W = 4
    xy = jnp.tanh(xyz_p)
    scale = jnp.abs(scaling_p + jnp.array([[0.5, 0.5]], dtype=xyz_p.dtype))
    theta = jax.nn.sigmoid(rotation_p)[:, 0] * 2.0 * math.pi
    means = 0.5 * (xy + 1.0) * jnp.array([W, H], dtype=xy.dtype)
    cos, sin = jnp.cos(theta), jnp.sin(theta)
    R = jnp.stack([jnp.stack([cos, -sin], -1), jnp.stack([sin, cos], -1)], -2)
    M = R * scale[:, None, :]
    cov = M @ jnp.swapaxes(M, -1, -2)
    a = cov[:, 0, 0]; bb = cov[:, 0, 1]; c = cov[:, 1, 1]
    det = jnp.maximum(a * c - bb * bb, 1e-12)
    ca, cb, cc = c / det, -bb / det, a / det
    ys, xs = jnp.meshgrid(jnp.arange(H, dtype=xy.dtype) + 0.5, jnp.arange(W, dtype=xy.dtype) + 0.5, indexing='ij')
    dx = xs.reshape(-1, 1) - means[:, 0][None, :]
    dy = ys.reshape(-1, 1) - means[:, 1][None, :]
    power = -0.5 * (ca * dx * dx + 2.0 * cb * dx * dy + cc * dy * dy)
    alpha = opacity[:, 0][None, :] * jnp.exp(power)
    img = alpha @ feats
    img = jnp.clip(img, 0.0, 1.0).reshape(1, H * W, 3)
    out = img @ w_proj.T + b_proj
    return jnp.transpose(out, (0, 2, 1)).reshape(1, C, H, W)

def setup_inputs(seed: int = 0):
    key = jax.random.key(seed)
    ks = jax.random.split(key, 12)
    C = DIM; hid = 2 * C
    inp = {}
    inp['z'] = jax.random.normal(ks[0], (B, NT, C), jnp.float32)
    inp['x'] = jax.random.normal(ks[1], (B, NS, C), jnp.float32)
    inp['ln_gamma'] = jnp.ones((C,), jnp.float32)
    inp['ln_beta'] = jnp.zeros((C,), jnp.float32)
    inp['w_in'] = jax.random.normal(ks[2], (2 * hid, C), jnp.float32) * 0.02
    inp['b_in'] = jnp.zeros((2 * hid,), jnp.float32)
    inp['complex_weight'] = jax.random.normal(ks[3], (4, 3, 2 * hid, 2), jnp.float32) * 0.02
    inp['w_mid'] = jax.random.normal(ks[4], (hid, 2 * hid), jnp.float32) * 0.02
    inp['b_mid'] = jnp.zeros((hid,), jnp.float32)
    u = jnp.clip(2.0 * (jax.random.uniform(ks[5], (9, 2), dtype=jnp.float32) - 0.5), -0.999, 0.999)
    inp['gs_xyz'] = jnp.arctanh(u)
    inp['gs_scaling'] = jax.random.uniform(ks[6], (9, 2), dtype=jnp.float32)
    inp['gs_rotation'] = jax.random.uniform(ks[7], (9, 1), dtype=jnp.float32)
    inp['gs_features'] = jax.random.uniform(ks[8], (9, 3), dtype=jnp.float32)
    inp['gs_opacity'] = jnp.ones((9, 1), jnp.float32)
    inp['w_proj'] = jax.random.normal(ks[9], (DIM, 3), jnp.float32) * 0.02
    inp['b_proj'] = jnp.zeros((DIM,), jnp.float32)
    return inp

def _forward(z, x, ln_gamma, ln_beta, w_in, b_in, complex_weight, w_mid, b_mid, gs_xyz, gs_scaling, gs_rotation, gs_features, gs_opacity, w_proj, b_proj):
    Bb, N_t, C = z.shape
    h_t = int(math.sqrt(N_t))
    z_center = jnp.transpose(z, (0, 2, 1)).reshape(Bb, C, h_t, h_t)
    z_max = jnp.max(z_center, axis=(2, 3)).reshape(Bb, 1, C)
    N_s = x.shape[1]; h_s = int(math.sqrt(N_s))
    winSize = 2; wsa = winSize * winSize; wnh = h_s // winSize
    zn = z_max / jnp.clip(jnp.linalg.norm(z_max, axis=-1, keepdims=True), 1e-12)
    xn = x / jnp.clip(jnp.linalg.norm(x, axis=-1, keepdims=True), 1e-12)
    sim = jnp.matmul(zn, jnp.transpose(xn, (0, 2, 1))).reshape(Bb, N_s)
    sim = sim.reshape(Bb, wnh, winSize, wnh, winSize)
    sim = jnp.transpose(sim, (0, 1, 3, 2, 4)).reshape(Bb, -1, wsa).mean(-1)
    _, idx = jax.lax.top_k(sim, TOPK)
    x_ext = x.reshape(Bb, wnh, winSize, wnh, winSize, C)
    x_ext = jnp.transpose(x_ext, (0, 1, 3, 2, 4, 5)).reshape(Bb, -1, wsa, C)
    idx_e = jnp.broadcast_to(idx[:, :, None, None], (Bb, TOPK, wsa, C))
    x_ext = jnp.take_along_axis(x_ext, idx_e, axis=1)
    x_ext = jnp.transpose(x_ext, (0, 1, 3, 2)).reshape(Bb * TOPK, C, winSize, winSize)
    x_ext = jax.image.resize(x_ext, (Bb * TOPK, C, 4, 4), method='bilinear')
    xf = _spectral_filter(jnp.transpose(x_ext, (0, 2, 3, 1)), ln_gamma, ln_beta, w_in, b_in, complex_weight, w_mid, b_mid)
    x_ext = xf + x_ext
    gs = _gaussian_image(gs_xyz, gs_scaling, gs_rotation, gs_features, gs_opacity, w_proj, b_proj, C)
    x_ext = (gs + x_ext).reshape(Bb, TOPK, C, -1)
    x_ext = jnp.transpose(x_ext, (0, 1, 3, 2)).reshape(Bb, -1, C)
    return x_ext

def reference(z, x, ln_gamma, ln_beta, w_in, b_in, complex_weight, w_mid, b_mid, gs_xyz, gs_scaling, gs_rotation, gs_features, gs_opacity, w_proj, b_proj):
    return _forward(z, x, ln_gamma, ln_beta, w_in, b_in, complex_weight, w_mid, b_mid, gs_xyz, gs_scaling, gs_rotation, gs_features, gs_opacity, w_proj, b_proj)

if __name__ == "__main__":
    import jax
    _d = setup_inputs()
    print(jax.jit(kernel)(*tuple(_d.values())))

</pallas_src>

<mosaic_0001>
#map = affine_map<(d0, d1) -> (0, 0, 0)>
#map1 = affine_map<(d0, d1) -> (0, 0)>
module attributes {stable_mosaic.version = 14 : i64} {
  func.func @_topk_gather_body(%arg0: i32, %arg1: i32, %arg2: memref<32x32x1024xf32, #tpu.memory_space<hbm>>, %arg3: memref<32768x768xf32, #tpu.memory_space<hbm>>, %arg4: memref<32x16x768xf32, #tpu.memory_space<hbm>>, %arg5: memref<1024xf32, #tpu.memory_space<vmem>>, %arg6: memref<16x768xf32, #tpu.memory_space<vmem>>, %arg7: memref<!tpu.dma_semaphore, #tpu.memory_space<semaphore_mem>>) attributes {dimension_semantics = [#tpu.dimension_semantics<core_parallel>, #tpu.dimension_semantics<subcore_parallel>], iteration_bounds = array<i64: 2, 16>, scalar_prefetch = 0 : i64, scratch_operands = 3 : i64, tpu.core_type = #tpu.core_type<sc_vector_subcore>, window_params = [{transform_indices = #map}, {transform_indices = #map1}, {transform_indices = #map}]} {
    %mul3A = arith.constant 2 : i32
    %mul3A_0 = arith.muli %arg1, %mul3A : i32
    %add3A = arith.addi %mul3A_0, %arg0 : i32
    "tpu.region"() ({
      %run_scoped3A = tpu.sem_alloc : memref<!tpu.dma_semaphore, #tpu.memory_space<semaphore_mem>>
      %dma_start3A_2281 = arith.constant 0 : i32
      %dma_start3A_2282 = tpu.memref_slice %arg2[%add3A, %add3A, %dma_start3A_2281] : memref<32x32x1024xf32, #tpu.memory_space<hbm>> -> memref<1x1x1024xf32, #tpu.memory_space<hbm>>
      %dma_start3A_2283 = tpu.memref_squeeze %dma_start3A_2282 : memref<1x1x1024xf32, #tpu.memory_space<hbm>> -> memref<1024xf32, #tpu.memory_space<hbm>>
      %dma_start3A_2284 = arith.constant 0 : i32
      %dma_start3A_2285 = tpu.memref_slice %arg2[%add3A, %add3A, %dma_start3A_2284] : memref<32x32x1024xf32, #tpu.memory_space<hbm>> -> memref<1x1x1024xf32, #tpu.memory_space<hbm>>
      %dma_start3A_2286 = tpu.memref_squeeze %dma_start3A_2285 : memref<1x1x1024xf32, #tpu.memory_space<hbm>> -> memref<1024xf32, #tpu.memory_space<hbm>>
      tpu.enqueue_dma source(%dma_start3A_2286 : memref<1024xf32, #tpu.memory_space<hbm>>) target(%arg5 : memref<1024xf32, #tpu.memory_space<vmem>>) target_semaphore(%run_scoped3A : memref<!tpu.dma_semaphore, #tpu.memory_space<semaphore_mem>>)
      %dma_wait3A_2287 = arith.constant 0 : i32
      %dma_wait3A_2288 = tpu.memref_slice %arg2[%add3A, %add3A, %dma_wait3A_2287] : memref<32x32x1024xf32, #tpu.memory_space<hbm>> -> memref<1x1x1024xf32, #tpu.memory_space<hbm>>
      %dma_wait3A_2289 = tpu.memref_squeeze %dma_wait3A_2288 : memref<1x1x1024xf32, #tpu.memory_space<hbm>> -> memref<1024xf32, #tpu.memory_space<hbm>>
      %dma_wait3A_2290 = arith.constant 0 : i32
      %dma_wait3A_2291 = tpu.memref_slice %arg2[%add3A, %add3A, %dma_wait3A_2290] : memref<32x32x1024xf32, #tpu.memory_space<hbm>> -> memref<1x1x1024xf32, #tpu.memory_space<hbm>>
      %dma_wait3A_2292 = tpu.memref_squeeze %dma_wait3A_2291 : memref<1x1x1024xf32, #tpu.memory_space<hbm>> -> memref<1024xf32, #tpu.memory_space<hbm>>
      tpu.wait_dma2 semaphore(%run_scoped3A : memref<!tpu.dma_semaphore, #tpu.memory_space<semaphore_mem>>) src(%dma_wait3A_2292 : memref<1024xf32, #tpu.memory_space<hbm>>) dst(%arg5 : memref<1024xf32, #tpu.memory_space<vmem>>)
      tpu.yield
    }) : () -> ()
    %iota3A = tpu.iota {dimensions = array<i32: 0>} : vector<16xi32>
    %jit3A = arith.constant 2 : i32
    %eq3A = arith.constant 0 : i32
    %eq3A_1 = arith.cmpi eq, %jit3A, %eq3A : i32
    %jit3A_2 = arith.constant 1 : i32
    %select_n3A = arith.select %eq3A_1, %jit3A_2, %jit3A : i32
    %rem3A = vector.broadcast %select_n3A : i32 to vector<16xi32>
    %rem3A_3 = arith.remsi %iota3A, %rem3A : vector<16xi32>
    %ne3A = arith.constant 0 : i32
    %ne3A_4 = vector.broadcast %ne3A : i32 to vector<16xi32>
    %ne3A_5 = arith.cmpi ne, %rem3A_3, %ne3A_4 : vector<16xi32>
    %lt3A = arith.constant 0 : i32
    %lt3A_6 = vector.broadcast %lt3A : i32 to vector<16xi32>
    %lt3A_7 = arith.cmpi slt, %rem3A_3, %lt3A_6 : vector<16xi32>
    %lt3A_8 = arith.constant 0 : i32
    %lt3A_9 = arith.cmpi slt, %select_n3A, %lt3A_8 : i32
    %ne3A_10 = vector.broadcast %lt3A_9 : i1 to vector<16xi1>
    %ne3A_11 = vector.broadcast %ne3A_10 : vector<16xi1> to vector<16xi1>
    %ne3A_12 = arith.xori %lt3A_7, %ne3A_11 : vector<16xi1>
    %and3A = arith.andi %ne3A_12, %ne3A_5 : vector<16xi1>
    %add3A_13 = vector.broadcast %select_n3A : i32 to vector<16xi32>
    %add3A_14 = arith.addi %rem3A_3, %add3A_13 : vector<16xi32>
    %select_n3A_15 = arith.select %and3A, %add3A_14, %rem3A_3 : vector<16xi1>, vector<16xi32>
    %eq3A_16 = arith.constant 0 : i32
    %eq3A_17 = vector.broadcast %eq3A_16 : i32 to vector<16xi32>
    %eq3A_18 = arith.cmpi eq, %select_n3A_15, %eq3A_17 : vector<16xi32>
    %get3A = arith.constant 0 : index
    %get3A_19 = tpu.vector_load %arg5[%get3A] {strides = array<i32>} : memref<1024xf32, #tpu.memory_space<vmem>>, vector<16xf32>,
    %jit3A_20 = arith.constant -1.000000e+30 : f32
    %broadcast_in_dim3A = vector.broadcast %jit3A_20 : f32 to vector<16xf32>
    %select_n3A_21 = arith.select %eq3A_18, %get3A_19, %broadcast_in_dim3A : vector<16xi1>, vector<16xf32>
    %jit3A_22 = arith.constant 2 : i32
    %div3A = vector.broadcast %jit3A_22 : i32 to vector<16xi32>
    %div3A_23 = arith.divsi %iota3A, %div3A : vector<16xi32>
    %sign3A = arith.constant 0 : i32
    %sign3A_24 = vector.broadcast %sign3A : i32 to vector<16xi32>
    %sign3A_25 = arith.cmpi sgt, %iota3A, %sign3A_24 : vector<16xi32>
    %sign3A_26 = arith.extui %sign3A_25 : vector<16xi1> to vector<16xi32>
    %sign3A_27 = arith.constant 0 : i32
    %sign3A_28 = vector.broadcast %sign3A_27 : i32 to vector<16xi32>
    %sign3A_29 = arith.cmpi slt, %iota3A, %sign3A_28 : vector<16xi32>
    %sign3A_30 = arith.extui %sign3A_29 : vector<16xi1> to vector<16xi32>
    %sign3A_31 = arith.subi %sign3A_26, %sign3A_30 : vector<16xi32>
    %sign3A_32 = arith.constant 0 : i32
    %sign3A_33 = arith.cmpi sgt, %jit3A_22, %sign3A_32 : i32
    %sign3A_34 = arith.extui %sign3A_33 : i1 to i32
    %sign3A_35 = arith.constant 0 : i32
    %sign3A_36 = arith.cmpi slt, %jit3A_22, %sign3A_35 : i32
    %sign3A_37 = arith.extui %sign3A_36 : i1 to i32
    %sign3A_38 = arith.subi %sign3A_34, %sign3A_37 : i32
    %ne3A_39 = vector.broadcast %sign3A_38 : i32 to vector<16xi32>
    %ne3A_40 = arith.cmpi ne, %sign3A_31, %ne3A_39 : vector<16xi32>
    %rem3A_41 = vector.broadcast %jit3A_22 : i32 to vector<16xi32>
    %rem3A_42 = arith.remsi %iota3A, %rem3A_41 : vector<16xi32>
    %ne3A_43 = arith.constant 0 : i32
    %ne3A_44 = vector.broadcast %ne3A_43 : i32 to vector<16xi32>
    %ne3A_45 = arith.cmpi ne, %rem3A_42, %ne3A_44 : vector<16xi32>
    %and3A_46 = arith.andi %ne3A_40, %ne3A_45 : vector<16xi1>
    %sub3A = arith.constant 1 : i32
    %sub3A_47 = vector.broadcast %sub3A : i32 to vector<16xi32>
    %sub3A_48 = arith.subi %div3A_23, %sub3A_47 : vector<16xi32>
    %select_n3A_49 = arith.select %and3A_46, %sub3A_48, %div3A_23 : vector<16xi1>, vector<16xi32>
    %add3A_50 = arith.constant 0 : i32
    %add3A_51 = vector.broadcast %add3A_50 : i32 to vector<16xi32>
    %add3A_52 = arith.addi %add3A_51, %select_n3A_49 : vector<16xi32>
    %get3A_53 = arith.constant 16 : index
    %get3A_54 = tpu.vector_load %arg5[%get3A_53] {strides = array<i32>} : memref<1024xf32, #tpu.memory_space<vmem>>, vector<16xf32>,
    %jit3A_55 = arith.constant -1.000000e+30 : f32
    %broadcast_in_dim3A_56 = vector.broadcast %jit3A_55 : f32 to vector<16xf32>
    %select_n3A_57 = arith.select %eq3A_18, %get3A_54, %broadcast_in_dim3A_56 : vector<16xi1>, vector<16xf32>
    %jit3A_58 = arith.constant 2 : i32
    %div3A_59 = vector.broadcast %jit3A_58 : i32 to vector<16xi32>
    %div3A_60 = arith.divsi %iota3A, %div3A_59 : vector<16xi32>
    %sign3A_61 = arith.constant 0 : i32
    %sign3A_62 = vector.broadcast %sign3A_61 : i32 to vector<16xi32>
    %sign3A_63 = arith.cmpi sgt, %iota3A, %sign3A_62 : vector<16xi32>
    %sign3A_64 = arith.extui %sign3A_63 : vector<16xi1> to vector<16xi32>
    %sign3A_65 = arith.constant 0 : i32
    %sign3A_66 = vector.broadcast %sign3A_65 : i32 to vector<16xi32>
    %sign3A_67 = arith.cmpi slt, %iota3A, %sign3A_66 : vector<16xi32>
    %sign3A_68 = arith.extui %sign3A_67 : vector<16xi1> to vector<16xi32>
    %sign3A_69 = arith.subi %sign3A_64, %sign3A_68 : vector<16xi32>
    %sign3A_70 = arith.constant 0 : i32
    %sign3A_71 = arith.cmpi sgt, %jit3A_58, %sign3A_70 : i32
    %sign3A_72 = arith.extui %sign3A_71 : i1 to i32
    %sign3A_73 = arith.constant 0 : i32
    %sign3A_74 = arith.cmpi slt, %jit3A_58, %sign3A_73 : i32
    %sign3A_75 = arith.extui %sign3A_74 : i1 to i32
    %sign3A_76 = arith.subi %sign3A_72, %sign3A_75 : i32
    %ne3A_77 = vector.broadcast %sign3A_76 : i32 to vector<16xi32>
    %ne3A_78 = arith.cmpi ne, %sign3A_69, %ne3A_77 : vector<16xi32>
    %rem3A_79 = vector.broadcast %jit3A_58 : i32 to vector<16xi32>
    %rem3A_80 = arith.remsi %iota3A, %rem3A_79 : vector<16xi32>
    %ne3A_81 = arith.constant 0 : i32
    %ne3A_82 = vector.broadcast %ne3A_81 : i32 to vector<16xi32>
    %ne3A_83 = arith.cmpi ne, %rem3A_80, %ne3A_82 : vector<16xi32>
    %and3A_84 = arith.andi %ne3A_78, %ne3A_83 : vector<16xi1>
    %sub3A_85 = arith.constant 1 : i32
    %sub3A_86 = vector.broadcast %sub3A_85 : i32 to vector<16xi32>
    %sub3A_87 = arith.subi %div3A_60, %sub3A_86 : vector<16xi32>
    %select_n3A_88 = arith.select %and3A_84, %sub3A_87, %div3A_60 : vector<16xi1>, vector<16xi32>
    %add3A_89 = arith.constant 8 : i32
    %add3A_90 = vector.broadcast %add3A_89 : i32 to vector<16xi32>
    %add3A_91 = arith.addi %add3A_90, %select_n3A_88 : vector<16xi32>
    %get3A_92 = arith.constant 64 : index
    %get3A_93 = tpu.vector_load %arg5[%get3A_92] {strides = array<i32>} : memref<1024xf32, #tpu.memory_space<vmem>>, vector<16xf32>,
    %jit3A_94 = arith.constant -1.000000e+30 : f32
    %broadcast_in_dim3A_95 = vector.broadcast %jit3A_94 : f32 to vector<16xf32>
    %select_n3A_96 = arith.select %eq3A_18, %get3A_93, %broadcast_in_dim3A_95 : vector<16xi1>, vector<16xf32>
    %jit3A_97 = arith.constant 2 : i32
    %div3A_98 = vector.broadcast %jit3A_97 : i32 to vector<16xi32>
    %div3A_99 = arith.divsi %iota3A, %div3A_98 : vector<16xi32>
    %sign3A_100 = arith.constant 0 : i32
    %sign3A_101 = vector.broadcast %sign3A_100 : i32 to vector<16xi32>
    %sign3A_102 = arith.cmpi sgt, %iota3A, %sign3A_101 : vector<16xi32>
    %sign3A_103 = arith.extui %sign3A_102 : vector<16xi1> to vector<16xi32>
    %sign3A_104 = arith.constant 0 : i32
    %sign3A_105 = vector.broadcast %sign3A_104 : i32 to vector<16xi32>
    %sign3A_106 = arith.cmpi slt, %iota3A, %sign3A_105 : vector<16xi32>
    %sign3A_107 = arith.extui %sign3A_106 : vector<16xi1> to vector<16xi32>
    %sign3A_108 = arith.subi %sign3A_103, %sign3A_107 : vector<16xi32>
    %sign3A_109 = arith.constant 0 : i32
    %sign3A_110 = arith.cmpi sgt, %jit3A_97, %sign3A_109 : i32
    %sign3A_111 = arith.extui %sign3A_110 : i1 to i32
    %sign3A_112 = arith.constant 0 : i32
    %sign3A_113 = arith.cmpi slt, %jit3A_97, %sign3A_112 : i32
    %sign3A_114 = arith.extui %sign3A_113 : i1 to i32
    %sign3A_115 = arith.subi %sign3A_111, %sign3A_114 : i32
    %ne3A_116 = vector.broadcast %sign3A_115 : i32 to vector<16xi32>
    %ne3A_117 = arith.cmpi ne, %sign3A_108, %ne3A_116 : vector<16xi32>
    %rem3A_118 = vector.broadcast %jit3A_97 : i32 to vector<16xi32>
    %rem3A_119 = arith.remsi %iota3A, %rem3A_118 : vector<16xi32>
    %ne3A_120 = arith.constant 0 : i32
    %ne3A_121 = vector.broadcast %ne3A_120 : i32 to vector<16xi32>
    %ne3A_122 = arith.cmpi ne, %rem3A_119, %ne3A_121 : vector<16xi32>
    %and3A_123 = arith.andi %ne3A_117, %ne3A_122 : vector<16xi1>
    %sub3A_124 = arith.constant 1 : i32
    %sub3A_125 = vector.broadcast %sub3A_124 : i32 to vector<16xi32>
    %sub3A_126 = arith.subi %div3A_99, %sub3A_125 : vector<16xi32>
    %select_n3A_127 = arith.select %and3A_123, %sub3A_126, %div3A_99 : vector<16xi1>, vector<16xi32>
    %add3A_128 = arith.constant 16 : i32
    %add3A_129 = vector.broadcast %add3A_128 : i32 to vector<16xi32>
    %add3A_130 = arith.addi %add3A_129, %select_n3A_127 : vector<16xi32>
    %get3A_131 = arith.constant 80 : index
    %get3A_132 = tpu.vector_load %arg5[%get3A_131] {strides = array<i32>} : memref<1024xf32, #tpu.memory_space<vmem>>, vector<16xf32>,
    %jit3A_133 = arith.constant -1.000000e+30 : f32
    %broadcast_in_dim3A_134 = vector.broadcast %jit3A_133 : f32 to vector<16xf32>
    %select_n3A_135 = arith.select %eq3A_18, %get3A_132, %broadcast_in_dim3A_134 : vector<16xi1>, vector<16xf32>
    %jit3A_136 = arith.constant 2 : i32
    %div3A_137 = vector.broadcast %jit3A_136 : i32 to vector<16xi32>
    %div3A_138 = arith.divsi %iota3A, %div3A_137 : vector<16xi32>
    %sign3A_139 = arith.constant 0 : i32
    %sign3A_140 = vector.broadcast %sign3A_139 : i32 to vector<16xi32>
    %sign3A_141 = arith.cmpi sgt, %iota3A, %sign3A_140 : vector<16xi32>
    %sign3A_142 = arith.extui %sign3A_141 : vector<16xi1> to vector<16xi32>
    %sign3A_143 = arith.constant 0 : i32
    %sign3A_144 = vector.broadcast %sign3A_143 : i32 to vector<16xi32>
    %sign3A_145 = arith.cmpi slt, %iota3A, %sign3A_144 : vector<16xi32>
    %sign3A_146 = arith.extui %sign3A_145 : vector<16xi1> to vector<16xi32>
    %sign3A_147 = arith.subi %sign3A_142, %sign3A_146 : vector<16xi32>
    %sign3A_148 = arith.constant 0 : i32
    %sign3A_149 = arith.cmpi sgt, %jit3A_136, %sign3A_148 : i32
    %sign3A_150 = arith.extui %sign3A_149 : i1 to i32
    %sign3A_151 = arith.constant 0 : i32
    %sign3A_152 = arith.cmpi slt, %jit3A_136, %sign3A_151 : i32
    %sign3A_153 = arith.extui %sign3A_152 : i1 to i32
    %sign3A_154 = arith.subi %sign3A_150, %sign3A_153 : i32
    %ne3A_155 = vector.broadcast %sign3A_154 : i32 to vector<16xi32>
    %ne3A_156 = arith.cmpi ne, %sign3A_147, %ne3A_155 : vector<16xi32>
    %rem3A_157 = vector.broadcast %jit3A_136 : i32 to vector<16xi32>
    %rem3A_158 = arith.remsi %iota3A, %rem3A_157 : vector<16xi32>
    %ne3A_159 = arith.constant 0 : i32
    %ne3A_160 = vector.broadcast %ne3A_159 : i32 to vector<16xi32>
    %ne3A_161 = arith.cmpi ne, %rem3A_158, %ne3A_160 : vector<16xi32>
    %and3A_162 = arith.andi %ne3A_156, %ne3A_161 : vector<16xi1>
    %sub3A_163 = arith.constant 1 : i32
    %sub3A_164 = vector.broadcast %sub3A_163 : i32 to vector<16xi32>
    %sub3A_165 = arith.subi %div3A_138, %sub3A_164 : vector<16xi32>
    %select_n3A_166 = arith.select %and3A_162, %sub3A_165, %div3A_138 : vector<16xi1>, vector<16xi32>
    %add3A_167 = arith.constant 24 : i32
    %add3A_168 = vector.broadcast %add3A_167 : i32 to vector<16xi32>
    %add3A_169 = arith.addi %add3A_168, %select_n3A_166 : vector<16xi32>
    %get3A_170 = arith.constant 128 : index
    %get3A_171 = tpu.vector_load %arg5[%get3A_170] {strides = array<i32>} : memref<1024xf32, #tpu.memory_space<vmem>>, vector<16xf32>,
    %jit3A_172 = arith.constant -1.000000e+30 : f32
    %broadcast_in_dim3A_173 = vector.broadcast %jit3A_172 : f32 to vector<16xf32>
    %select_n3A_174 = arith.select %eq3A_18, %get3A_171, %broadcast_in_dim3A_173 : vector<16xi1>, vector<16xf32>
    %jit3A_175 = arith.constant 2 : i32
    %div3A_176 = vector.broadcast %jit3A_175 : i32 to vector<16xi32>
    %div3A_177 = arith.divsi %iota3A, %div3A_176 : vector<16xi32>
    %sign3A_178 = arith.constant 0 : i32
    %sign3A_179 = vector.broadcast %sign3A_178 : i32 to vector<16xi32>
    %sign3A_180 = arith.cmpi sgt, %iota3A, %sign3A_179 : vector<16xi32>
    %sign3A_181 = arith.extui %sign3A_180 : vector<16xi1> to vector<16xi32>
    %sign3A_182 = arith.constant 0 : i32
    %sign3A_183 = vector.broadcast %sign3A_182 : i32 to vector<16xi32>
    %sign3A_184 = arith.cmpi slt, %iota3A, %sign3A_183 : vector<16xi32>
    %sign3A_185 = arith.extui %sign3A_184 : vector<16xi1> to vector<16xi32>
    %sign3A_186 = arith.subi %sign3A_181, %sign3A_185 : vector<16xi32>
    %sign3A_187 = arith.constant 0 : i32
    %sign3A_188 = arith.cmpi sgt, %jit3A_175, %sign3A_187 : i32
    %sign3A_189 = arith.extui %sign3A_188 : i1 to i32
    %sign3A_190 = arith.constant 0 : i32
    %sign3A_191 = arith.cmpi slt, %jit3A_175, %sign3A_190 : i32
    %sign3A_192 = arith.extui %sign3A_191 : i1 to i32
    %sign3A_193 = arith.subi %sign3A_189, %sign3A_192 : i32
    %ne3A_194 = vector.broadcast %sign3A_193 : i32 to vector<16xi32>
    %ne3A_195 = arith.cmpi ne, %sign3A_186, %ne3A_194 : vector<16xi32>
    %rem3A_196 = vector.broadcast %jit3A_175 : i32 to vector<16xi32>
    %rem3A_197 = arith.remsi %iota3A, %rem3A_196 : vector<16xi32>
    %ne3A_198 = arith.constant 0 : i32
    %ne3A_199 = vector.broadcast %ne3A_198 : i32 to vector<16xi32>
    %ne3A_200 = arith.cmpi ne, %rem3A_197, %ne3A_199 : vector<16xi32>
    %and3A_201 = arith.andi %ne3A_195, %ne3A_200 : vector<16xi1>
    %sub3A_202 = arith.constant 1 : i32
    %sub3A_203 = vector.broadcast %sub3A_202 : i32 to vector<16xi32>
    %sub3A_204 = arith.subi %div3A_177, %sub3A_203 : vector<16xi32>
    %select_n3A_205 = arith.select %and3A_201, %sub3A_204, %div3A_177 : vector<16xi1>, vector<16xi32>
    %add3A_206 = arith.constant 32 : i32
    %add3A_207 = vector.broadcast %add3A_206 : i32 to vector<16xi32>
    %add3A_208 = arith.addi %add3A_207, %select_n3A_205 : vector<16xi32>
    %get3A_209 = arith.constant 144 : index
    %get3A_210 = tpu.vector_load %arg5[%get3A_209] {strides = array<i32>} : memref<1024xf32, #tpu.memory_space<vmem>>, vector<16xf32>,
    %jit3A_211 = arith.constant -1.000000e+30 : f32
    %broadcast_in_dim3A_212 = vector.broadcast %jit3A_211 : f32 to vector<16xf32>
    %select_n3A_213 = arith.select %eq3A_18, %get3A_210, %broadcast_in_dim3A_212 : vector<16xi1>, vector<16xf32>
    %jit3A_214 = arith.constant 2 : i32
    %div3A_215 = vector.broadcast %jit3A_214 : i32 to vector<16xi32>
    %div3A_216 = arith.divsi %iota3A, %div3A_215 : vector<16xi32>
    %sign3A_217 = arith.constant 0 : i32
    %sign3A_218 = vector.broadcast %sign3A_217 : i32 to vector<16xi32>
    %sign3A_219 = arith.cmpi sgt, %iota3A, %sign3A_218 : vector<16xi32>
    %sign3A_220 = arith.extui %sign3A_219 : vector<16xi1> to vector<16xi32>
    %sign3A_221 = arith.constant 0 : i32
    %sign3A_222 = vector.broadcast %sign3A_221 : i32 to vector<16xi32>
    %sign3A_223 = arith.cmpi slt, %iota3A, %sign3A_222 : vector<16xi32>
    %sign3A_224 = arith.extui %sign3A_223 : vector<16xi1> to vector<16xi32>
    %sign3A_225 = arith.subi %sign3A_220, %sign3A_224 : vector<16xi32>
    %sign3A_226 = arith.constant 0 : i32
    %sign3A_227 = arith.cmpi sgt, %jit3A_214, %sign3A_226 : i32
    %sign3A_228 = arith.extui %sign3A_227 : i1 to i32
    %sign3A_229 = arith.constant 0 : i32
    %sign3A_230 = arith.cmpi slt, %jit3A_214, %sign3A_229 : i32
    %sign3A_231 = arith.extui %sign3A_230 : i1 to i32
    %sign3A_232 = arith.subi %sign3A_228, %sign3A_231 : i32
    %ne3A_233 = vector.broadcast %sign3A_232 : i32 to vector<16xi32>
    %ne3A_234 = arith.cmpi ne, %sign3A_225, %ne3A_233 : vector<16xi32>
    %rem3A_235 = vector.broadcast %jit3A_214 : i32 to vector<16xi32>
    %rem3A_236 = arith.remsi %iota3A, %rem3A_235 : vector<16xi32>
    %ne3A_237 = arith.constant 0 : i32
    %ne3A_238 = vector.broadcast %ne3A_237 : i32 to vector<16xi32>
    %ne3A_239 = arith.cmpi ne, %rem3A_236, %ne3A_238 : vector<16xi32>
    %and3A_240 = arith.andi %ne3A_234, %ne3A_239 : vector<16xi1>
    %sub3A_241 = arith.constant 1 : i32
    %sub3A_242 = vector.broadcast %sub3A_241 : i32 to vector<16xi32>
    %sub3A_243 = arith.subi %div3A_216, %sub3A_242 : vector<16xi32>
    %select_n3A_244 = arith.select %and3A_240, %sub3A_243, %div3A_216 : vector<16xi1>, vector<16xi32>
    %add3A_245 = arith.constant 40 : i32
    %add3A_246 = vector.broadcast %add3A_245 : i32 to vector<16xi32>
    %add3A_247 = arith.addi %add3A_246, %select_n3A_244 : vector<16xi32>
    %get3A_248 = arith.constant 192 : index
    %get3A_249 = tpu.vector_load %arg5[%get3A_248] {strides = array<i32>} : memref<1024xf32, #tpu.memory_space<vmem>>, vector<16xf32>,
    %jit3A_250 = arith.constant -1.000000e+30 : f32
    %broadcast_in_dim3A_251 = vector.broadcast %jit3A_250 : f32 to vector<16xf32>
    %select_n3A_252 = arith.select %eq3A_18, %get3A_249, %broadcast_in_dim3A_251 : vector<16xi1>, vector<16xf32>
    %jit3A_253 = arith.constant 2 : i32
    %div3A_254 = vector.broadcast %jit3A_253 : i32 to vector<16xi32>
    %div3A_255 = arith.divsi %iota3A, %div3A_254 : vector<16xi32>
    %sign3A_256 = arith.constant 0 : i32
    %sign3A_257 = vector.broadcast %sign3A_256 : i32 to vector<16xi32>
    %sign3A_258 = arith.cmpi sgt, %iota3A, %sign3A_257 : vector<16xi32>
    %sign3A_259 = arith.extui %sign3A_258 : vector<16xi1> to vector<16xi32>
    %sign3A_260 = arith.constant 0 : i32
    %sign3A_261 = vector.broadcast %sign3A_260 : i32 to vector<16xi32>
    %sign3A_262 = arith.cmpi slt, %iota3A, %sign3A_261 : vector<16xi32>
    %sign3A_263 = arith.extui %sign3A_262 : vector<16xi1> to vector<16xi32>
    %sign3A_264 = arith.subi %sign3A_259, %sign3A_263 : vector<16xi32>
    %sign3A_265 = arith.constant 0 : i32
    %sign3A_266 = arith.cmpi sgt, %jit3A_253, %sign3A_265 : i32
    %sign3A_267 = arith.extui %sign3A_266 : i1 to i32
    %sign3A_268 = arith.constant 0 : i32
    %sign3A_269 = arith.cmpi slt, %jit3A_253, %sign3A_268 : i32
    %sign3A_270 = arith.extui %sign3A_269 : i1 to i32
    %sign3A_271 = arith.subi %sign3A_267, %sign3A_270 : i32
    %ne3A_272 = vector.broadcast %sign3A_271 : i32 to vector<16xi32>
    %ne3A_273 = arith.cmpi ne, %sign3A_264, %ne3A_272 : vector<16xi32>
    %rem3A_274 = vector.broadcast %jit3A_253 : i32 to vector<16xi32>
    %rem3A_275 = arith.remsi %iota3A, %rem3A_274 : vector<16xi32>
    %ne3A_276 = arith.constant 0 : i32
    %ne3A_277 = vector.broadcast %ne3A_276 : i32 to vector<16xi32>
    %ne3A_278 = arith.cmpi ne, %rem3A_275, %ne3A_277 : vector<16xi32>
    %and3A_279 = arith.andi %ne3A_273, %ne3A_278 : vector<16xi1>
    %sub3A_280 = arith.constant 1 : i32
    %sub3A_281 = vector.broadcast %sub3A_280 : i32 to vector<16xi32>
    %sub3A_282 = arith.subi %div3A_255, %sub3A_281 : vector<16xi32>
    %select_n3A_283 = arith.select %and3A_279, %sub3A_282, %div3A_255 : vector<16xi1>, vector<16xi32>
    %add3A_284 = arith.constant 48 : i32
    %add3A_285 = vector.broadcast %add3A_284 : i32 to vector<16xi32>
    %add3A_286 = arith.addi %add3A_285, %select_n3A_283 : vector<16xi32>
    %get3A_287 = arith.constant 208 : index
    %get3A_288 = tpu.vector_load %arg5[%get3A_287] {strides = array<i32>} : memref<1024xf32, #tpu.memory_space<vmem>>, vector<16xf32>,
    %jit3A_289 = arith.constant -1.000000e+30 : f32
    %broadcast_in_dim3A_290 = vector.broadcast %jit3A_289 : f32 to vector<16xf32>
    %select_n3A_291 = arith.select %eq3A_18, %get3A_288, %broadcast_in_dim3A_290 : vector<16xi1>, vector<16xf32>
    %jit3A_292 = arith.constant 2 : i32
    %div3A_293 = vector.broadcast %jit3A_292 : i32 to vector<16xi32>
    %div3A_294 = arith.divsi %iota3A, %div3A_293 : vector<16xi32>
    %sign3A_295 = arith.constant 0 : i32
    %sign3A_296 = vector.broadcast %sign3A_295 : i32 to vector<16xi32>
    %sign3A_297 = arith.cmpi sgt, %iota3A, %sign3A_296 : vector<16xi32>
    %sign3A_298 = arith.extui %sign3A_297 : vector<16xi1> to vector<16xi32>
    %sign3A_299 = arith.constant 0 : i32
    %sign3A_300 = vector.broadcast %sign3A_299 : i32 to vector<16xi32>
    %sign3A_301 = arith.cmpi slt, %iota3A, %sign3A_300 : vector<16xi32>
    %sign3A_302 = arith.extui %sign3A_301 : vector<16xi1> to vector<16xi32>
    %sign3A_303 = arith.subi %sign3A_298, %sign3A_302 : vector<16xi32>
    %sign3A_304 = arith.constant 0 : i32
    %sign3A_305 = arith.cmpi sgt, %jit3A_292, %sign3A_304 : i32
    %sign3A_306 = arith.extui %sign3A_305 : i1 to i32
    %sign3A_307 = arith.constant 0 : i32
    %sign3A_308 = arith.cmpi slt, %jit3A_292, %sign3A_307 : i32
    %sign3A_309 = arith.extui %sign3A_308 : i1 to i32
    %sign3A_310 = arith.subi %sign3A_306, %sign3A_309 : i32
    %ne3A_311 = vector.broadcast %sign3A_310 : i32 to vector<16xi32>
    %ne3A_312 = arith.cmpi ne, %sign3A_303, %ne3A_311 : vector<16xi32>
    %rem3A_313 = vector.broadcast %jit3A_292 : i32 to vector<16xi32>
    %rem3A_314 = arith.remsi %iota3A, %rem3A_313 : vector<16xi32>
    %ne3A_315 = arith.constant 0 : i32
    %ne3A_316 = vector.broadcast %ne3A_315 : i32 to vector<16xi32>
    %ne3A_317 = arith.cmpi ne, %rem3A_314, %ne3A_316 : vector<16xi32>
    %and3A_318 = arith.andi %ne3A_312, %ne3A_317 : vector<16xi1>
    %sub3A_319 = arith.constant 1 : i32
    %sub3A_320 = vector.broadcast %sub3A_319 : i32 to vector<16xi32>
    %sub3A_321 = arith.subi %div3A_294, %sub3A_320 : vector<16xi32>
    %select_n3A_322 = arith.select %and3A_318, %sub3A_321, %div3A_294 : vector<16xi1>, vector<16xi32>
    %add3A_323 = arith.constant 56 : i32
    %add3A_324 = vector.broadcast %add3A_323 : i32 to vector<16xi32>
    %add3A_325 = arith.addi %add3A_324, %select_n3A_322 : vector<16xi32>
    %get3A_326 = arith.constant 256 : index
    %get3A_327 = tpu.vector_load %arg5[%get3A_326] {strides = array<i32>} : memref<1024xf32, #tpu.memory_space<vmem>>, vector<16xf32>,
    %jit3A_328 = arith.constant -1.000000e+30 : f32
    %broadcast_in_dim3A_329 = vector.broadcast %jit3A_328 : f32 to vector<16xf32>
    %select_n3A_330 = arith.select %eq3A_18, %get3A_327, %broadcast_in_dim3A_329 : vector<16xi1>, vector<16xf32>
    %jit3A_331 = arith.constant 2 : i32
    %div3A_332 = vector.broadcast %jit3A_331 : i32 to vector<16xi32>
    %div3A_333 = arith.divsi %iota3A, %div3A_332 : vector<16xi32>
    %sign3A_334 = arith.constant 0 : i32
    %sign3A_335 = vector.broadcast %sign3A_334 : i32 to vector<16xi32>
    %sign3A_336 = arith.cmpi sgt, %iota3A, %sign3A_335 : vector<16xi32>
    %sign3A_337 = arith.extui %sign3A_336 : vector<16xi1> to vector<16xi32>
    %sign3A_338 = arith.constant 0 : i32
    %sign3A_339 = vector.broadcast %sign3A_338 : i32 to vector<16xi32>
    %sign3A_340 = arith.cmpi slt, %iota3A, %sign3A_339 : vector<16xi32>
    %sign3A_341 = arith.extui %sign3A_340 : vector<16xi1> to vector<16xi32>
    %sign3A_342 = arith.subi %sign3A_337, %sign3A_341 : vector<16xi32>
    %sign3A_343 = arith.constant 0 : i32
    %sign3A_344 = arith.cmpi sgt, %jit3A_331, %sign3A_343 : i32
    %sign3A_345 = arith.extui %sign3A_344 : i1 to i32
    %sign3A_346 = arith.constant 0 : i32
    %sign3A_347 = arith.cmpi slt, %jit3A_331, %sign3A_346 : i32
    %sign3A_348 = arith.extui %sign3A_347 : i1 to i32
    %sign3A_349 = arith.subi %sign3A_345, %sign3A_348 : i32
    %ne3A_350 = vector.broadcast %sign3A_349 : i32 to vector<16xi32>
    %ne3A_351 = arith.cmpi ne, %sign3A_342, %ne3A_350 : vector<16xi32>
    %rem3A_352 = vector.broadcast %jit3A_331 : i32 to vector<16xi32>
    %rem3A_353 = arith.remsi %iota3A, %rem3A_352 : vector<16xi32>
    %ne3A_354 = arith.constant 0 : i32
    %ne3A_355 = vector.broadcast %ne3A_354 : i32 to vector<16xi32>
    %ne3A_356 = arith.cmpi ne, %rem3A_353, %ne3A_355 : vector<16xi32>
    %and3A_357 = arith.andi %ne3A_351, %ne3A_356 : vector<16xi1>
    %sub3A_358 = arith.constant 1 : i32
    %sub3A_359 = vector.broadcast %sub3A_358 : i32 to vector<16xi32>
    %sub3A_360 = arith.subi %div3A_333, %sub3A_359 : vector<16xi32>
    %select_n3A_361 = arith.select %and3A_357, %sub3A_360, %div3A_333 : vector<16xi1>, vector<16xi32>
    %add3A_362 = arith.constant 64 : i32
    %add3A_363 = vector.broadcast %add3A_362 : i32 to vector<16xi32>
    %add3A_364 = arith.addi %add3A_363, %select_n3A_361 : vector<16xi32>
    %get3A_365 = arith.constant 272 : index
    %get3A_366 = tpu.vector_load %arg5[%get3A_365] {strides = array<i32>} : memref<1024xf32, #tpu.memory_space<vmem>>, vector<16xf32>,
    %jit3A_367 = arith.constant -1.000000e+30 : f32
    %broadcast_in_dim3A_368 = vector.broadcast %jit3A_367 : f32 to vector<16xf32>
    %select_n3A_369 = arith.select %eq3A_18, %get3A_366, %broadcast_in_dim3A_368 : vector<16xi1>, vector<16xf32>
    %jit3A_370 = arith.constant 2 : i32
    %div3A_371 = vector.broadcast %jit3A_370 : i32 to vector<16xi32>
    %div3A_372 = arith.divsi %iota3A, %div3A_371 : vector<16xi32>
    %sign3A_373 = arith.constant 0 : i32
    %sign3A_374 = vector.broadcast %sign3A_373 : i32 to vector<16xi32>
    %sign3A_375 = arith.cmpi sgt, %iota3A, %sign3A_374 : vector<16xi32>
    %sign3A_376 = arith.extui %sign3A_375 : vector<16xi1> to vector<16xi32>
    %sign3A_377 = arith.constant 0 : i32
    %sign3A_378 = vector.broadcast %sign3A_377 : i32 to vector<16xi32>
    %sign3A_379 = arith.cmpi slt, %iota3A, %sign3A_378 : vector<16xi32>
    %sign3A_380 = arith.extui %sign3A_379 : vector<16xi1> to vector<16xi32>
    %sign3A_381 = arith.subi %sign3A_376, %sign3A_380 : vector<16xi32>
    %sign3A_382 = arith.constant 0 : i32
    %sign3A_383 = arith.cmpi sgt, %jit3A_370, %sign3A_382 : i32
    %sign3A_384 = arith.extui %sign3A_383 : i1 to i32
    %sign3A_385 = arith.constant 0 : i32
    %sign3A_386 = arith.cmpi slt, %jit3A_370, %sign3A_385 : i32
    %sign3A_387 = arith.extui %sign3A_386 : i1 to i32
    %sign3A_388 = arith.subi %sign3A_384, %sign3A_387 : i32
    %ne3A_389 = vector.broadcast %sign3A_388 : i32 to vector<16xi32>
    %ne3A_390 = arith.cmpi ne, %sign3A_381, %ne3A_389 : vector<16xi32>
    %rem3A_391 = vector.broadcast %jit3A_370 : i32 to vector<16xi32>
    %rem3A_392 = arith.remsi %iota3A, %rem3A_391 : vector<16xi32>
    %ne3A_393 = arith.constant 0 : i32
    %ne3A_394 = vector.broadcast %ne3A_393 : i32 to vector<16xi32>
    %ne3A_395 = arith.cmpi ne, %rem3A_392, %ne3A_394 : vector<16xi32>
    %and3A_396 = arith.andi %ne3A_390, %ne3A_395 : vector<16xi1>
    %sub3A_397 = arith.constant 1 : i32
    %sub3A_398 = vector.broadcast %sub3A_397 : i32 to vector<16xi32>
    %sub3A_399 = arith.subi %div3A_372, %sub3A_398 : vector<16xi32>
    %select_n3A_400 = arith.select %and3A_396, %sub3A_399, %div3A_372 : vector<16xi1>, vector<16xi32>
    %add3A_401 = arith.constant 72 : i32
    %add3A_402 = vector.broadcast %add3A_401 : i32 to vector<16xi32>
    %add3A_403 = arith.addi %add3A_402, %select_n3A_400 : vector<16xi32>
    %get3A_404 = arith.constant 320 : index
    %get3A_405 = tpu.vector_load %arg5[%get3A_404] {strides = array<i32>} : memref<1024xf32, #tpu.memory_space<vmem>>, vector<16xf32>,
    %jit3A_406 = arith.constant -1.000000e+30 : f32
    %broadcast_in_dim3A_407 = vector.broadcast %jit3A_406 : f32 to vector<16xf32>
    %select_n3A_408 = arith.select %eq3A_18, %get3A_405, %broadcast_in_dim3A_407 : vector<16xi1>, vector<16xf32>
    %jit3A_409 = arith.constant 2 : i32
    %div3A_410 = vector.broadcast %jit3A_409 : i32 to vector<16xi32>
    %div3A_411 = arith.divsi %iota3A, %div3A_410 : vector<16xi32>
    %sign3A_412 = arith.constant 0 : i32
    %sign3A_413 = vector.broadcast %sign3A_412 : i32 to vector<16xi32>
    %sign3A_414 = arith.cmpi sgt, %iota3A, %sign3A_413 : vector<16xi32>
    %sign3A_415 = arith.extui %sign3A_414 : vector<16xi1> to vector<16xi32>
    %sign3A_416 = arith.constant 0 : i32
    %sign3A_417 = vector.broadcast %sign3A_416 : i32 to vector<16xi32>
    %sign3A_418 = arith.cmpi slt, %iota3A, %sign3A_417 : vector<16xi32>
    %sign3A_419 = arith.extui %sign3A_418 : vector<16xi1> to vector<16xi32>
    %sign3A_420 = arith.subi %sign3A_415, %sign3A_419 : vector<16xi32>
    %sign3A_421 = arith.constant 0 : i32
    %sign3A_422 = arith.cmpi sgt, %jit3A_409, %sign3A_421 : i32
    %sign3A_423 = arith.extui %sign3A_422 : i1 to i32
    %sign3A_424 = arith.constant 0 : i32
    %sign3A_425 = arith.cmpi slt, %jit3A_409, %sign3A_424 : i32
    %sign3A_426 = arith.extui %sign3A_425 : i1 to i32
    %sign3A_427 = arith.subi %sign3A_423, %sign3A_426 : i32
    %ne3A_428 = vector.broadcast %sign3A_427 : i32 to vector<16xi32>
    %ne3A_429 = arith.cmpi ne, %sign3A_420, %ne3A_428 : vector<16xi32>
    %rem3A_430 = vector.broadcast %jit3A_409 : i32 to vector<16xi32>
    %rem3A_431 = arith.remsi %iota3A, %rem3A_430 : vector<16xi32>
    %ne3A_432 = arith.constant 0 : i32
    %ne3A_433 = vector.broadcast %ne3A_432 : i32 to vector<16xi32>
    %ne3A_434 = arith.cmpi ne, %rem3A_431, %ne3A_433 : vector<16xi32>
    %and3A_435 = arith.andi %ne3A_429, %ne3A_434 : vector<16xi1>
    %sub3A_436 = arith.constant 1 : i32
    %sub3A_437 = vector.broadcast %sub3A_436 : i32 to vector<16xi32>
    %sub3A_438 = arith.subi %div3A_411, %sub3A_437 : vector<16xi32>
    %select_n3A_439 = arith.select %and3A_435, %sub3A_438, %div3A_411 : vector<16xi1>, vector<16xi32>
    %add3A_440 = arith.constant 80 : i32
    %add3A_441 = vector.broadcast %add3A_440 : i32 to vector<16xi32>
    %add3A_442 = arith.addi %add3A_441, %select_n3A_439 : vector<16xi32>
    %get3A_443 = arith.constant 336 : index
    %get3A_444 = tpu.vector_load %arg5[%get3A_443] {strides = array<i32>} : memref<1024xf32, #tpu.memory_space<vmem>>, vector<16xf32>,
    %jit3A_445 = arith.constant -1.000000e+30 : f32
    %broadcast_in_dim3A_446 = vector.broadcast %jit3A_445 : f32 to vector<16xf32>
    %select_n3A_447 = arith.select %eq3A_18, %get3A_444, %broadcast_in_dim3A_446 : vector<16xi1>, vector<16xf32>
    %jit3A_448 = arith.constant 2 : i32
    %div3A_449 = vector.broadcast %jit3A_448 : i32 to vector<16xi32>
    %div3A_450 = arith.divsi %iota3A, %div3A_449 : vector<16xi32>
    %sign3A_451 = arith.constant 0 : i32
    %sign3A_452 = vector.broadcast %sign3A_451 : i32 to vector<16xi32>
    %sign3A_453 = arith.cmpi sgt, %iota3A, %sign3A_452 : vector<16xi32>
    %sign3A_454 = arith.extui %sign3A_453 : vector<16xi1> to vector<16xi32>
    %sign3A_455 = arith.constant 0 : i32
    %sign3A_456 = vector.broadcast %sign3A_455 : i32 to vector<16xi32>
    %sign3A_457 = arith.cmpi slt, %iota3A, %sign3A_456 : vector<16xi32>
    %sign3A_458 = arith.extui %sign3A_457 : vector<16xi1> to vector<16xi32>
    %sign3A_459 = arith.subi %sign3A_454, %sign3A_458 : vector<16xi32>
    %sign3A_460 = arith.constant 0 : i32
    %sign3A_461 = arith.cmpi sgt, %jit3A_448, %sign3A_460 : i32
    %sign3A_462 = arith.extui %sign3A_461 : i1 to i32
    %sign3A_463 = arith.constant 0 : i32
    %sign3A_464 = arith.cmpi slt, %jit3A_448, %sign3A_463 : i32
    %sign3A_465 = arith.extui %sign3A_464 : i1 to i32
    %sign3A_466 = arith.subi %sign3A_462, %sign3A_465 : i32
    %ne3A_467 = vector.broadcast %sign3A_466 : i32 to vector<16xi32>
    %ne3A_468 = arith.cmpi ne, %sign3A_459, %ne3A_467 : vector<16xi32>
    %rem3A_469 = vector.broadcast %jit3A_448 : i32 to vector<16xi32>
    %rem3A_470 = arith.remsi %iota3A, %rem3A_469 : vector<16xi32>
    %ne3A_471 = arith.constant 0 : i32
    %ne3A_472 = vector.broadcast %ne3A_471 : i32 to vector<16xi32>
    %ne3A_473 = arith.cmpi ne, %rem3A_470, %ne3A_472 : vector<16xi32>
    %and3A_474 = arith.andi %ne3A_468, %ne3A_473 : vector<16xi1>
    %sub3A_475 = arith.constant 1 : i32
    %sub3A_476 = vector.broadcast %sub3A_475 : i32 to vector<16xi32>
    %sub3A_477 = arith.subi %div3A_450, %sub3A_476 : vector<16xi32>
    %select_n3A_478 = arith.select %and3A_474, %sub3A_477, %div3A_450 : vector<16xi1>, vector<16xi32>
    %add3A_479 = arith.constant 88 : i32
    %add3A_480 = vector.broadcast %add3A_479 : i32 to vector<16xi32>
    %add3A_481 = arith.addi %add3A_480, %select_n3A_478 : vector<16xi32>
    %get3A_482 = arith.constant 384 : index
    %get3A_483 = tpu.vector_load %arg5[%get3A_482] {strides = array<i32>} : memref<1024xf32, #tpu.memory_space<vmem>>, vector<16xf32>,
    %jit3A_484 = arith.constant -1.000000e+30 : f32
    %broadcast_in_dim3A_485 = vector.broadcast %jit3A_484 : f32 to vector<16xf32>
    %select_n3A_486 = arith.select %eq3A_18, %get3A_483, %broadcast_in_dim3A_485 : vector<16xi1>, vector<16xf32>
    %jit3A_487 = arith.constant 2 : i32
    %div3A_488 = vector.broadcast %jit3A_487 : i32 to vector<16xi32>
    %div3A_489 = arith.divsi %iota3A, %div3A_488 : vector<16xi32>
    %sign3A_490 = arith.constant 0 : i32
    %sign3A_491 = vector.broadcast %sign3A_490 : i32 to vector<16xi32>
    %sign3A_492 = arith.cmpi sgt, %iota3A, %sign3A_491 : vector<16xi32>
    %sign3A_493 = arith.extui %sign3A_492 : vector<16xi1> to vector<16xi32>
    %sign3A_494 = arith.constant 0 : i32
    %sign3A_495 = vector.broadcast %sign3A_494 : i32 to vector<16xi32>
    %sign3A_496 = arith.cmpi slt, %iota3A, %sign3A_495 : vector<16xi32>
    %sign3A_497 = arith.extui %sign3A_496 : vector<16xi1> to vector<16xi32>
    %sign3A_498 = arith.subi %sign3A_493, %sign3A_497 : vector<16xi32>
    %sign3A_499 = arith.constant 0 : i32
    %sign3A_500 = arith.cmpi sgt, %jit3A_487, %sign3A_499 : i32
    %sign3A_501 = arith.extui %sign3A_500 : i1 to i32
    %sign3A_502 = arith.constant 0 : i32
    %sign3A_503 = arith.cmpi slt, %jit3A_487, %sign3A_502 : i32
    %sign3A_504 = arith.extui %sign3A_503 : i1 to i32
    %sign3A_505 = arith.subi %sign3A_501, %sign3A_504 : i32
    %ne3A_506 = vector.broadcast %sign3A_505 : i32 to vector<16xi32>
    %ne3A_507 = arith.cmpi ne, %sign3A_498, %ne3A_506 : vector<16xi32>
    %rem3A_508 = vector.broadcast %jit3A_487 : i32 to vector<16xi32>
    %rem3A_509 = arith.remsi %iota3A, %rem3A_508 : vector<16xi32>
    %ne3A_510 = arith.constant 0 : i32
    %ne3A_511 = vector.broadcast %ne3A_510 : i32 to vector<16xi32>
    %ne3A_512 = arith.cmpi ne, %rem3A_509, %ne3A_511 : vector<16xi32>
    %and3A_513 = arith.andi %ne3A_507, %ne3A_512 : vector<16xi1>
    %sub3A_514 = arith.constant 1 : i32
    %sub3A_515 = vector.broadcast %sub3A_514 : i32 to vector<16xi32>
    %sub3A_516 = arith.subi %div3A_489, %sub3A_515 : vector<16xi32>
    %select_n3A_517 = arith.select %and3A_513, %sub3A_516, %div3A_489 : vector<16xi1>, vector<16xi32>
    %add3A_518 = arith.constant 96 : i32
    %add3A_519 = vector.broadcast %add3A_518 : i32 to vector<16xi32>
    %add3A_520 = arith.addi %add3A_519, %select_n3A_517 : vector<16xi32>
    %get3A_521 = arith.constant 400 : index
    %get3A_522 = tpu.vector_load %arg5[%get3A_521] {strides = array<i32>} : memref<1024xf32, #tpu.memory_space<vmem>>, vector<16xf32>,
    %jit3A_523 = arith.constant -1.000000e+30 : f32
    %broadcast_in_dim3A_524 = vector.broadcast %jit3A_523 : f32 to vector<16xf32>
    %select_n3A_525 = arith.select %eq3A_18, %get3A_522, %broadcast_in_dim3A_524 : vector<16xi1>, vector<16xf32>
    %jit3A_526 = arith.constant 2 : i32
    %div3A_527 = vector.broadcast %jit3A_526 : i32 to vector<16xi32>
    %div3A_528 = arith.divsi %iota3A, %div3A_527 : vector<16xi32>
    %sign3A_529 = arith.constant 0 : i32
    %sign3A_530 = vector.broadcast %sign3A_529 : i32 to vector<16xi32>
    %sign3A_531 = arith.cmpi sgt, %iota3A, %sign3A_530 : vector<16xi32>
    %sign3A_532 = arith.extui %sign3A_531 : vector<16xi1> to vector<16xi32>
    %sign3A_533 = arith.constant 0 : i32
    %sign3A_534 = vector.broadcast %sign3A_533 : i32 to vector<16xi32>
    %sign3A_535 = arith.cmpi slt, %iota3A, %sign3A_534 : vector<16xi32>
    %sign3A_536 = arith.extui %sign3A_535 : vector<16xi1> to vector<16xi32>
    %sign3A_537 = arith.subi %sign3A_532, %sign3A_536 : vector<16xi32>
    %sign3A_538 = arith.constant 0 : i32
    %sign3A_539 = arith.cmpi sgt, %jit3A_526, %sign3A_538 : i32
    %sign3A_540 = arith.extui %sign3A_539 : i1 to i32
    %sign3A_541 = arith.constant 0 : i32
    %sign3A_542 = arith.cmpi slt, %jit3A_526, %sign3A_541 : i32
    %sign3A_543 = arith.extui %sign3A_542 : i1 to i32
    %sign3A_544 = arith.subi %sign3A_540, %sign3A_543 : i32
    %ne3A_545 = vector.broadcast %sign3A_544 : i32 to vector<16xi32>
    %ne3A_546 = arith.cmpi ne, %sign3A_537, %ne3A_545 : vector<16xi32>
    %rem3A_547 = vector.broadcast %jit3A_526 : i32 to vector<16xi32>
    %rem3A_548 = arith.remsi %iota3A, %rem3A_547 : vector<16xi32>
    %ne3A_549 = arith.constant 0 : i32
    %ne3A_550 = vector.broadcast %ne3A_549 : i32 to vector<16xi32>
    %ne3A_551 = arith.cmpi ne, %rem3A_548, %ne3A_550 : vector<16xi32>
    %and3A_552 = arith.andi %ne3A_546, %ne3A_551 : vector<16xi1>
    %sub3A_553 = arith.constant 1 : i32
    %sub3A_554 = vector.broadcast %sub3A_553 : i32 to vector<16xi32>
    %sub3A_555 = arith.subi %div3A_528, %sub3A_554 : vector<16xi32>
    %select_n3A_556 = arith.select %and3A_552, %sub3A_555, %div3A_528 : vector<16xi1>, vector<16xi32>
    %add3A_557 = arith.constant 104 : i32
    %add3A_558 = vector.broadcast %add3A_557 : i32 to vector<16xi32>
    %add3A_559 = arith.addi %add3A_558, %select_n3A_556 : vector<16xi32>
    %get3A_560 = arith.constant 448 : index
    %get3A_561 = tpu.vector_load %arg5[%get3A_560] {strides = array<i32>} : memref<1024xf32, #tpu.memory_space<vmem>>, vector<16xf32>,
    %jit3A_562 = arith.constant -1.000000e+30 : f32
    %broadcast_in_dim3A_563 = vector.broadcast %jit3A_562 : f32 to vector<16xf32>
    %select_n3A_564 = arith.select %eq3A_18, %get3A_561, %broadcast_in_dim3A_563 : vector<16xi1>, vector<16xf32>
    %jit3A_565 = arith.constant 2 : i32
    %div3A_566 = vector.broadcast %jit3A_565 : i32 to vector<16xi32>
    %div3A_567 = arith.divsi %iota3A, %div3A_566 : vector<16xi32>
    %sign3A_568 = arith.constant 0 : i32
    %sign3A_569 = vector.broadcast %sign3A_568 : i32 to vector<16xi32>
    %sign3A_570 = arith.cmpi sgt, %iota3A, %sign3A_569 : vector<16xi32>
    %sign3A_571 = arith.extui %sign3A_570 : vector<16xi1> to vector<16xi32>
    %sign3A_572 = arith.constant 0 : i32
    %sign3A_573 = vector.broadcast %sign3A_572 : i32 to vector<16xi32>
    %sign3A_574 = arith.cmpi slt, %iota3A, %sign3A_573 : vector<16xi32>
    %sign3A_575 = arith.extui %sign3A_574 : vector<16xi1> to vector<16xi32>
    %sign3A_576 = arith.subi %sign3A_571, %sign3A_575 : vector<16xi32>
    %sign3A_577 = arith.constant 0 : i32
    %sign3A_578 = arith.cmpi sgt, %jit3A_565, %sign3A_577 : i32
    %sign3A_579 = arith.extui %sign3A_578 : i1 to i32
    %sign3A_580 = arith.constant 0 : i32
    %sign3A_581 = arith.cmpi slt, %jit3A_565, %sign3A_580 : i32
    %sign3A_582 = arith.extui %sign3A_581 : i1 to i32
    %sign3A_583 = arith.subi %sign3A_579, %sign3A_582 : i32
    %ne3A_584 = vector.broadcast %sign3A_583 : i32 to vector<16xi32>
    %ne3A_585 = arith.cmpi ne, %sign3A_576, %ne3A_584 : vector<16xi32>
    %rem3A_586 = vector.broadcast %jit3A_565 : i32 to vector<16xi32>
    %rem3A_587 = arith.remsi %iota3A, %rem3A_586 : vector<16xi32>
    %ne3A_588 = arith.constant 0 : i32
    %ne3A_589 = vector.broadcast %ne3A_588 : i32 to vector<16xi32>
    %ne3A_590 = arith.cmpi ne, %rem3A_587, %ne3A_589 : vector<16xi32>
    %and3A_591 = arith.andi %ne3A_585, %ne3A_590 : vector<16xi1>
    %sub3A_592 = arith.constant 1 : i32
    %sub3A_593 = vector.broadcast %sub3A_592 : i32 to vector<16xi32>
    %sub3A_594 = arith.subi %div3A_567, %sub3A_593 : vector<16xi32>
    %select_n3A_595 = arith.select %and3A_591, %sub3A_594, %div3A_567 : vector<16xi1>, vector<16xi32>
    %add3A_596 = arith.constant 112 : i32
    %add3A_597 = vector.broadcast %add3A_596 : i32 to vector<16xi32>
    %add3A_598 = arith.addi %add3A_597, %select_n3A_595 : vector<16xi32>
    %get3A_599 = arith.constant 464 : index
    %get3A_600 = tpu.vector_load %arg5[%get3A_599] {strides = array<i32>} : memref<1024xf32, #tpu.memory_space<vmem>>, vector<16xf32>,
    %jit3A_601 = arith.constant -1.000000e+30 : f32
    %broadcast_in_dim3A_602 = vector.broadcast %jit3A_601 : f32 to vector<16xf32>
    %select_n3A_603 = arith.select %eq3A_18, %get3A_600, %broadcast_in_dim3A_602 : vector<16xi1>, vector<16xf32>
    %jit3A_604 = arith.constant 2 : i32
    %div3A_605 = vector.broadcast %jit3A_604 : i32 to vector<16xi32>
    %div3A_606 = arith.divsi %iota3A, %div3A_605 : vector<16xi32>
    %sign3A_607 = arith.constant 0 : i32
    %sign3A_608 = vector.broadcast %sign3A_607 : i32 to vector<16xi32>
    %sign3A_609 = arith.cmpi sgt, %iota3A, %sign3A_608 : vector<16xi32>
    %sign3A_610 = arith.extui %sign3A_609 : vector<16xi1> to vector<16xi32>
    %sign3A_611 = arith.constant 0 : i32
    %sign3A_612 = vector.broadcast %sign3A_611 : i32 to vector<16xi32>
    %sign3A_613 = arith.cmpi slt, %iota3A, %sign3A_612 : vector<16xi32>
    %sign3A_614 = arith.extui %sign3A_613 : vector<16xi1> to vector<16xi32>
    %sign3A_615 = arith.subi %sign3A_610, %sign3A_614 : vector<16xi32>
    %sign3A_616 = arith.constant 0 : i32
    %sign3A_617 = arith.cmpi sgt, %jit3A_604, %sign3A_616 : i32
    %sign3A_618 = arith.extui %sign3A_617 : i1 to i32
    %sign3A_619 = arith.constant 0 : i32
    %sign3A_620 = arith.cmpi slt, %jit3A_604, %sign3A_619 : i32
    %sign3A_621 = arith.extui %sign3A_620 : i1 to i32
    %sign3A_622 = arith.subi %sign3A_618, %sign3A_621 : i32
    %ne3A_623 = vector.broadcast %sign3A_622 : i32 to vector<16xi32>
    %ne3A_624 = arith.cmpi ne, %sign3A_615, %ne3A_623 : vector<16xi32>
    %rem3A_625 = vector.broadcast %jit3A_604 : i32 to vector<16xi32>
    %rem3A_626 = arith.remsi %iota3A, %rem3A_625 : vector<16xi32>
    %ne3A_627 = arith.constant 0 : i32
    %ne3A_628 = vector.broadcast %ne3A_627 : i32 to vector<16xi32>
    %ne3A_629 = arith.cmpi ne, %rem3A_626, %ne3A_628 : vector<16xi32>
    %and3A_630 = arith.andi %ne3A_624, %ne3A_629 : vector<16xi1>
    %sub3A_631 = arith.constant 1 : i32
    %sub3A_632 = vector.broadcast %sub3A_631 : i32 to vector<16xi32>
    %sub3A_633 = arith.subi %div3A_606, %sub3A_632 : vector<16xi32>
    %select_n3A_634 = arith.select %and3A_630, %sub3A_633, %div3A_606 : vector<16xi1>, vector<16xi32>
    %add3A_635 = arith.constant 120 : i32
    %add3A_636 = vector.broadcast %add3A_635 : i32 to vector<16xi32>
    %add3A_637 = arith.addi %add3A_636, %select_n3A_634 : vector<16xi32>
    %get3A_638 = arith.constant 512 : index
    %get3A_639 = tpu.vector_load %arg5[%get3A_638] {strides = array<i32>} : memref<1024xf32, #tpu.memory_space<vmem>>, vector<16xf32>,
    %jit3A_640 = arith.constant -1.000000e+30 : f32
    %broadcast_in_dim3A_641 = vector.broadcast %jit3A_640 : f32 to vector<16xf32>
    %select_n3A_642 = arith.select %eq3A_18, %get3A_639, %broadcast_in_dim3A_641 : vector<16xi1>, vector<16xf32>
    %jit3A_643 = arith.constant 2 : i32
    %div3A_644 = vector.broadcast %jit3A_643 : i32 to vector<16xi32>
    %div3A_645 = arith.divsi %iota3A, %div3A_644 : vector<16xi32>
    %sign3A_646 = arith.constant 0 : i32
    %sign3A_647 = vector.broadcast %sign3A_646 : i32 to vector<16xi32>
    %sign3A_648 = arith.cmpi sgt, %iota3A, %sign3A_647 : vector<16xi32>
    %sign3A_649 = arith.extui %sign3A_648 : vector<16xi1> to vector<16xi32>
    %sign3A_650 = arith.constant 0 : i32
    %sign3A_651 = vector.broadcast %sign3A_650 : i32 to vector<16xi32>
    %sign3A_652 = arith.cmpi slt, %iota3A, %sign3A_651 : vector<16xi32>
    %sign3A_653 = arith.extui %sign3A_652 : vector<16xi1> to vector<16xi32>
    %sign3A_654 = arith.subi %sign3A_649, %sign3A_653 : vector<16xi32>
    %sign3A_655 = arith.constant 0 : i32
    %sign3A_656 = arith.cmpi sgt, %jit3A_643, %sign3A_655 : i32
    %sign3A_657 = arith.extui %sign3A_656 : i1 to i32
    %sign3A_658 = arith.constant 0 : i32
    %sign3A_659 = arith.cmpi slt, %jit3A_643, %sign3A_658 : i32
    %sign3A_660 = arith.extui %sign3A_659 : i1 to i32
    %sign3A_661 = arith.subi %sign3A_657, %sign3A_660 : i32
    %ne3A_662 = vector.broadcast %sign3A_661 : i32 to vector<16xi32>
    %ne3A_663 = arith.cmpi ne, %sign3A_654, %ne3A_662 : vector<16xi32>
    %rem3A_664 = vector.broadcast %jit3A_643 : i32 to vector<16xi32>
    %rem3A_665 = arith.remsi %iota3A, %rem3A_664 : vector<16xi32>
    %ne3A_666 = arith.constant 0 : i32
    %ne3A_667 = vector.broadcast %ne3A_666 : i32 to vector<16xi32>
    %ne3A_668 = arith.cmpi ne, %rem3A_665, %ne3A_667 : vector<16xi32>
    %and3A_669 = arith.andi %ne3A_663, %ne3A_668 : vector<16xi1>
    %sub3A_670 = arith.constant 1 : i32
    %sub3A_671 = vector.broadcast %sub3A_670 : i32 to vector<16xi32>
    %sub3A_672 = arith.subi %div3A_645, %sub3A_671 : vector<16xi32>
    %select_n3A_673 = arith.select %and3A_669, %sub3A_672, %div3A_645 : vector<16xi1>, vector<16xi32>
    %add3A_674 = arith.constant 128 : i32
    %add3A_675 = vector.broadcast %add3A_674 : i32 to vector<16xi32>
    %add3A_676 = arith.addi %add3A_675, %select_n3A_673 : vector<16xi32>
    %get3A_677 = arith.constant 528 : index
    %get3A_678 = tpu.vector_load %arg5[%get3A_677] {strides = array<i32>} : memref<1024xf32, #tpu.memory_space<vmem>>, vector<16xf32>,
    %jit3A_679 = arith.constant -1.000000e+30 : f32
    %broadcast_in_dim3A_680 = vector.broadcast %jit3A_679 : f32 to vector<16xf32>
    %select_n3A_681 = arith.select %eq3A_18, %get3A_678, %broadcast_in_dim3A_680 : vector<16xi1>, vector<16xf32>
    %jit3A_682 = arith.constant 2 : i32
    %div3A_683 = vector.broadcast %jit3A_682 : i32 to vector<16xi32>
    %div3A_684 = arith.divsi %iota3A, %div3A_683 : vector<16xi32>
    %sign3A_685 = arith.constant 0 : i32
    %sign3A_686 = vector.broadcast %sign3A_685 : i32 to vector<16xi32>
    %sign3A_687 = arith.cmpi sgt, %iota3A, %sign3A_686 : vector<16xi32>
    %sign3A_688 = arith.extui %sign3A_687 : vector<16xi1> to vector<16xi32>
    %sign3A_689 = arith.constant 0 : i32
    %sign3A_690 = vector.broadcast %sign3A_689 : i32 to vector<16xi32>
    %sign3A_691 = arith.cmpi slt, %iota3A, %sign3A_690 : vector<16xi32>
    %sign3A_692 = arith.extui %sign3A_691 : vector<16xi1> to vector<16xi32>
    %sign3A_693 = arith.subi %sign3A_688, %sign3A_692 : vector<16xi32>
    %sign3A_694 = arith.constant 0 : i32
    %sign3A_695 = arith.cmpi sgt, %jit3A_682, %sign3A_694 : i32
    %sign3A_696 = arith.extui %sign3A_695 : i1 to i32
    %sign3A_697 = arith.constant 0 : i32
    %sign3A_698 = arith.cmpi slt, %jit3A_682, %sign3A_697 : i32
    %sign3A_699 = arith.extui %sign3A_698 : i1 to i32
    %sign3A_700 = arith.subi %sign3A_696, %sign3A_699 : i32
    %ne3A_701 = vector.broadcast %sign3A_700 : i32 to vector<16xi32>
    %ne3A_702 = arith.cmpi ne, %sign3A_693, %ne3A_701 : vector<16xi32>
    %rem3A_703 = vector.broadcast %jit3A_682 : i32 to vector<16xi32>
    %rem3A_704 = arith.remsi %iota3A, %rem3A_703 : vector<16xi32>
    %ne3A_705 = arith.constant 0 : i32
    %ne3A_706 = vector.broadcast %ne3A_705 : i32 to vector<16xi32>
    %ne3A_707 = arith.cmpi ne, %rem3A_704, %ne3A_706 : vector<16xi32>
    %and3A_708 = arith.andi %ne3A_702, %ne3A_707 : vector<16xi1>
    %sub3A_709 = arith.constant 1 : i32
    %sub3A_710 = vector.broadcast %sub3A_709 : i32 to vector<16xi32>
    %sub3A_711 = arith.subi %div3A_684, %sub3A_710 : vector<16xi32>
    %select_n3A_712 = arith.select %and3A_708, %sub3A_711, %div3A_684 : vector<16xi1>, vector<16xi32>
    %add3A_713 = arith.constant 136 : i32
    %add3A_714 = vector.broadcast %add3A_713 : i32 to vector<16xi32>
    %add3A_715 = arith.addi %add3A_714, %select_n3A_712 : vector<16xi32>
    %get3A_716 = arith.constant 576 : index
    %get3A_717 = tpu.vector_load %arg5[%get3A_716] {strides = array<i32>} : memref<1024xf32, #tpu.memory_space<vmem>>, vector<16xf32>,
    %jit3A_718 = arith.constant -1.000000e+30 : f32
    %broadcast_in_dim3A_719 = vector.broadcast %jit3A_718 : f32 to vector<16xf32>
    %select_n3A_720 = arith.select %eq3A_18, %get3A_717, %broadcast_in_dim3A_719 : vector<16xi1>, vector<16xf32>
    %jit3A_721 = arith.constant 2 : i32
    %div3A_722 = vector.broadcast %jit3A_721 : i32 to vector<16xi32>
    %div3A_723 = arith.divsi %iota3A, %div3A_722 : vector<16xi32>
    %sign3A_724 = arith.constant 0 : i32
    %sign3A_725 = vector.broadcast %sign3A_724 : i32 to vector<16xi32>
    %sign3A_726 = arith.cmpi sgt, %iota3A, %sign3A_725 : vector<16xi32>
    %sign3A_727 = arith.extui %sign3A_726 : vector<16xi1> to vector<16xi32>
    %sign3A_728 = arith.constant 0 : i32
    %sign3A_729 = vector.broadcast %sign3A_728 : i32 to vector<16xi32>
    %sign3A_730 = arith.cmpi slt, %iota3A, %sign3A_729 : vector<16xi32>
    %sign3A_731 = arith.extui %sign3A_730 : vector<16xi1> to vector<16xi32>
    %sign3A_732 = arith.subi %sign3A_727, %sign3A_731 : vector<16xi32>
    %sign3A_733 = arith.constant 0 : i32
    %sign3A_734 = arith.cmpi sgt, %jit3A_721, %sign3A_733 : i32
    %sign3A_735 = arith.extui %sign3A_734 : i1 to i32
    %sign3A_736 = arith.constant 0 : i32
    %sign3A_737 = arith.cmpi slt, %jit3A_721, %sign3A_736 : i32
    %sign3A_738 = arith.extui %sign3A_737 : i1 to i32
    %sign3A_739 = arith.subi %sign3A_735, %sign3A_738 : i32
    %ne3A_740 = vector.broadcast %sign3A_739 : i32 to vector<16xi32>
    %ne3A_741 = arith.cmpi ne, %sign3A_732, %ne3A_740 : vector<16xi32>
    %rem3A_742 = vector.broadcast %jit3A_721 : i32 to vector<16xi32>
    %rem3A_743 = arith.remsi %iota3A, %rem3A_742 : vector<16xi32>
    %ne3A_744 = arith.constant 0 : i32
    %ne3A_745 = vector.broadcast %ne3A_744 : i32 to vector<16xi32>
    %ne3A_746 = arith.cmpi ne, %rem3A_743, %ne3A_745 : vector<16xi32>
    %and3A_747 = arith.andi %ne3A_741, %ne3A_746 : vector<16xi1>
    %sub3A_748 = arith.constant 1 : i32
    %sub3A_749 = vector.broadcast %sub3A_748 : i32 to vector<16xi32>
    %sub3A_750 = arith.subi %div3A_723, %sub3A_749 : vector<16xi32>
    %select_n3A_751 = arith.select %and3A_747, %sub3A_750, %div3A_723 : vector<16xi1>, vector<16xi32>
    %add3A_752 = arith.constant 144 : i32
    %add3A_753 = vector.broadcast %add3A_752 : i32 to vector<16xi32>
    %add3A_754 = arith.addi %add3A_753, %select_n3A_751 : vector<16xi32>
    %get3A_755 = arith.constant 592 : index
    %get3A_756 = tpu.vector_load %arg5[%get3A_755] {strides = array<i32>} : memref<1024xf32, #tpu.memory_space<vmem>>, vector<16xf32>,
    %jit3A_757 = arith.constant -1.000000e+30 : f32
    %broadcast_in_dim3A_758 = vector.broadcast %jit3A_757 : f32 to vector<16xf32>
    %select_n3A_759 = arith.select %eq3A_18, %get3A_756, %broadcast_in_dim3A_758 : vector<16xi1>, vector<16xf32>
    %jit3A_760 = arith.constant 2 : i32
    %div3A_761 = vector.broadcast %jit3A_760 : i32 to vector<16xi32>
    %div3A_762 = arith.divsi %iota3A, %div3A_761 : vector<16xi32>
    %sign3A_763 = arith.constant 0 : i32
    %sign3A_764 = vector.broadcast %sign3A_763 : i32 to vector<16xi32>
    %sign3A_765 = arith.cmpi sgt, %iota3A, %sign3A_764 : vector<16xi32>
    %sign3A_766 = arith.extui %sign3A_765 : vector<16xi1> to vector<16xi32>
    %sign3A_767 = arith.constant 0 : i32
    %sign3A_768 = vector.broadcast %sign3A_767 : i32 to vector<16xi32>
    %sign3A_769 = arith.cmpi slt, %iota3A, %sign3A_768 : vector<16xi32>
    %sign3A_770 = arith.extui %sign3A_769 : vector<16xi1> to vector<16xi32>
    %sign3A_771 = arith.subi %sign3A_766, %sign3A_770 : vector<16xi32>
    %sign3A_772 = arith.constant 0 : i32
    %sign3A_773 = arith.cmpi sgt, %jit3A_760, %sign3A_772 : i32
    %sign3A_774 = arith.extui %sign3A_773 : i1 to i32
    %sign3A_775 = arith.constant 0 : i32
    %sign3A_776 = arith.cmpi slt, %jit3A_760, %sign3A_775 : i32
    %sign3A_777 = arith.extui %sign3A_776 : i1 to i32
    %sign3A_778 = arith.subi %sign3A_774, %sign3A_777 : i32
    %ne3A_779 = vector.broadcast %sign3A_778 : i32 to vector<16xi32>
    %ne3A_780 = arith.cmpi ne, %sign3A_771, %ne3A_779 : vector<16xi32>
    %rem3A_781 = vector.broadcast %jit3A_760 : i32 to vector<16xi32>
    %rem3A_782 = arith.remsi %iota3A, %rem3A_781 : vector<16xi32>
    %ne3A_783 = arith.constant 0 : i32
    %ne3A_784 = vector.broadcast %ne3A_783 : i32 to vector<16xi32>
    %ne3A_785 = arith.cmpi ne, %rem3A_782, %ne3A_784 : vector<16xi32>
    %and3A_786 = arith.andi %ne3A_780, %ne3A_785 : vector<16xi1>
    %sub3A_787 = arith.constant 1 : i32
    %sub3A_788 = vector.broadcast %sub3A_787 : i32 to vector<16xi32>
    %sub3A_789 = arith.subi %div3A_762, %sub3A_788 : vector<16xi32>
    %select_n3A_790 = arith.select %and3A_786, %sub3A_789, %div3A_762 : vector<16xi1>, vector<16xi32>
    %add3A_791 = arith.constant 152 : i32
    %add3A_792 = vector.broadcast %add3A_791 : i32 to vector<16xi32>
    %add3A_793 = arith.addi %add3A_792, %select_n3A_790 : vector<16xi32>
    %get3A_794 = arith.constant 640 : index
    %get3A_795 = tpu.vector_load %arg5[%get3A_794] {strides = array<i32>} : memref<1024xf32, #tpu.memory_space<vmem>>, vector<16xf32>,
    %jit3A_796 = arith.constant -1.000000e+30 : f32
    %broadcast_in_dim3A_797 = vector.broadcast %jit3A_796 : f32 to vector<16xf32>
    %select_n3A_798 = arith.select %eq3A_18, %get3A_795, %broadcast_in_dim3A_797 : vector<16xi1>, vector<16xf32>
    %jit3A_799 = arith.constant 2 : i32
    %div3A_800 = vector.broadcast %jit3A_799 : i32 to vector<16xi32>
    %div3A_801 = arith.divsi %iota3A, %div3A_800 : vector<16xi32>
    %sign3A_802 = arith.constant 0 : i32
    %sign3A_803 = vector.broadcast %sign3A_802 : i32 to vector<16xi32>
    %sign3A_804 = arith.cmpi sgt, %iota3A, %sign3A_803 : vector<16xi32>
    %sign3A_805 = arith.extui %sign3A_804 : vector<16xi1> to vector<16xi32>
    %sign3A_806 = arith.constant 0 : i32
    %sign3A_807 = vector.broadcast %sign3A_806 : i32 to vector<16xi32>
    %sign3A_808 = arith.cmpi slt, %iota3A, %sign3A_807 : vector<16xi32>
    %sign3A_809 = arith.extui %sign3A_808 : vector<16xi1> to vector<16xi32>
    %sign3A_810 = arith.subi %sign3A_805, %sign3A_809 : vector<16xi32>
    %sign3A_811 = arith.constant 0 : i32
    %sign3A_812 = arith.cmpi sgt, %jit3A_799, %sign3A_811 : i32
    %sign3A_813 = arith.extui %sign3A_812 : i1 to i32
    %sign3A_814 = arith.constant 0 : i32
    %sign3A_815 = arith.cmpi slt, %jit3A_799, %sign3A_814 : i32
    %sign3A_816 = arith.extui %sign3A_815 : i1 to i32
    %sign3A_817 = arith.subi %sign3A_813, %sign3A_816 : i32
    %ne3A_818 = vector.broadcast %sign3A_817 : i32 to vector<16xi32>
    %ne3A_819 = arith.cmpi ne, %sign3A_810, %ne3A_818 : vector<16xi32>
    %rem3A_820 = vector.broadcast %jit3A_799 : i32 to vector<16xi32>
    %rem3A_821 = arith.remsi %iota3A, %rem3A_820 : vector<16xi32>
    %ne3A_822 = arith.constant 0 : i32
    %ne3A_823 = vector.broadcast %ne3A_822 : i32 to vector<16xi32>
    %ne3A_824 = arith.cmpi ne, %rem3A_821, %ne3A_823 : vector<16xi32>
    %and3A_825 = arith.andi %ne3A_819, %ne3A_824 : vector<16xi1>
    %sub3A_826 = arith.constant 1 : i32
    %sub3A_827 = vector.broadcast %sub3A_826 : i32 to vector<16xi32>
    %sub3A_828 = arith.subi %div3A_801, %sub3A_827 : vector<16xi32>
    %select_n3A_829 = arith.select %and3A_825, %sub3A_828, %div3A_801 : vector<16xi1>, vector<16xi32>
    %add3A_830 = arith.constant 160 : i32
    %add3A_831 = vector.broadcast %add3A_830 : i32 to vector<16xi32>
    %add3A_832 = arith.addi %add3A_831, %select_n3A_829 : vector<16xi32>
    %get3A_833 = arith.constant 656 : index
    %get3A_834 = tpu.vector_load %arg5[%get3A_833] {strides = array<i32>} : memref<1024xf32, #tpu.memory_space<vmem>>, vector<16xf32>,
    %jit3A_835 = arith.constant -1.000000e+30 : f32
    %broadcast_in_dim3A_836 = vector.broadcast %jit3A_835 : f32 to vector<16xf32>
    %select_n3A_837 = arith.select %eq3A_18, %get3A_834, %broadcast_in_dim3A_836 : vector<16xi1>, vector<16xf32>
    %jit3A_838 = arith.constant 2 : i32
    %div3A_839 = vector.broadcast %jit3A_838 : i32 to vector<16xi32>
    %div3A_840 = arith.divsi %iota3A, %div3A_839 : vector<16xi32>
    %sign3A_841 = arith.constant 0 : i32
    %sign3A_842 = vector.broadcast %sign3A_841 : i32 to vector<16xi32>
    %sign3A_843 = arith.cmpi sgt, %iota3A, %sign3A_842 : vector<16xi32>
    %sign3A_844 = arith.extui %sign3A_843 : vector<16xi1> to vector<16xi32>
    %sign3A_845 = arith.constant 0 : i32
    %sign3A_846 = vector.broadcast %sign3A_845 : i32 to vector<16xi32>
    %sign3A_847 = arith.cmpi slt, %iota3A, %sign3A_846 : vector<16xi32>
    %sign3A_848 = arith.extui %sign3A_847 : vector<16xi1> to vector<16xi32>
    %sign3A_849 = arith.subi %sign3A_844, %sign3A_848 : vector<16xi32>
    %sign3A_850 = arith.constant 0 : i32
    %sign3A_851 = arith.cmpi sgt, %jit3A_838, %sign3A_850 : i32
    %sign3A_852 = arith.extui %sign3A_851 : i1 to i32
    %sign3A_853 = arith.constant 0 : i32
    %sign3A_854 = arith.cmpi slt, %jit3A_838, %sign3A_853 : i32
    %sign3A_855 = arith.extui %sign3A_854 : i1 to i32
    %sign3A_856 = arith.subi %sign3A_852, %sign3A_855 : i32
    %ne3A_857 = vector.broadcast %sign3A_856 : i32 to vector<16xi32>
    %ne3A_858 = arith.cmpi ne, %sign3A_849, %ne3A_857 : vector<16xi32>
    %rem3A_859 = vector.broadcast %jit3A_838 : i32 to vector<16xi32>
    %rem3A_860 = arith.remsi %iota3A, %rem3A_859 : vector<16xi32>
    %ne3A_861 = arith.constant 0 : i32
    %ne3A_862 = vector.broadcast %ne3A_861 : i32 to vector<16xi32>
    %ne3A_863 = arith.cmpi ne, %rem3A_860, %ne3A_862 : vector<16xi32>
    %and3A_864 = arith.andi %ne3A_858, %ne3A_863 : vector<16xi1>
    %sub3A_865 = arith.constant 1 : i32
    %sub3A_866 = vector.broadcast %sub3A_865 : i32 to vector<16xi32>
    %sub3A_867 = arith.subi %div3A_840, %sub3A_866 : vector<16xi32>
    %select_n3A_868 = arith.select %and3A_864, %sub3A_867, %div3A_840 : vector<16xi1>, vector<16xi32>
    %add3A_869 = arith.constant 168 : i32
    %add3A_870 = vector.broadcast %add3A_869 : i32 to vector<16xi32>
    %add3A_871 = arith.addi %add3A_870, %select_n3A_868 : vector<16xi32>
    %get3A_872 = arith.constant 704 : index
    %get3A_873 = tpu.vector_load %arg5[%get3A_872] {strides = array<i32>} : memref<1024xf32, #tpu.memory_space<vmem>>, vector<16xf32>,
    %jit3A_874 = arith.constant -1.000000e+30 : f32
    %broadcast_in_dim3A_875 = vector.broadcast %jit3A_874 : f32 to vector<16xf32>
    %select_n3A_876 = arith.select %eq3A_18, %get3A_873, %broadcast_in_dim3A_875 : vector<16xi1>, vector<16xf32>
    %jit3A_877 = arith.constant 2 : i32
    %div3A_878 = vector.broadcast %jit3A_877 : i32 to vector<16xi32>
    %div3A_879 = arith.divsi %iota3A, %div3A_878 : vector<16xi32>
    %sign3A_880 = arith.constant 0 : i32
    %sign3A_881 = vector.broadcast %sign3A_880 : i32 to vector<16xi32>
    %sign3A_882 = arith.cmpi sgt, %iota3A, %sign3A_881 : vector<16xi32>
    %sign3A_883 = arith.extui %sign3A_882 : vector<16xi1> to vector<16xi32>
    %sign3A_884 = arith.constant 0 : i32
    %sign3A_885 = vector.broadcast %sign3A_884 : i32 to vector<16xi32>
    %sign3A_886 = arith.cmpi slt, %iota3A, %sign3A_885 : vector<16xi32>
    %sign3A_887 = arith.extui %sign3A_886 : vector<16xi1> to vector<16xi32>
    %sign3A_888 = arith.subi %sign3A_883, %sign3A_887 : vector<16xi32>
    %sign3A_889 = arith.constant 0 : i32
    %sign3A_890 = arith.cmpi sgt, %jit3A_877, %sign3A_889 : i32
    %sign3A_891 = arith.extui %sign3A_890 : i1 to i32
    %sign3A_892 = arith.constant 0 : i32
    %sign3A_893 = arith.cmpi slt, %jit3A_877, %sign3A_892 : i32
    %sign3A_894 = arith.extui %sign3A_893 : i1 to i32
    %sign3A_895 = arith.subi %sign3A_891, %sign3A_894 : i32
    %ne3A_896 = vector.broadcast %sign3A_895 : i32 to vector<16xi32>
    %ne3A_897 = arith.cmpi ne, %sign3A_888, %ne3A_896 : vector<16xi32>
    %rem3A_898 = vector.broadcast %jit3A_877 : i32 to vector<16xi32>
    %rem3A_899 = arith.remsi %iota3A, %rem3A_898 : vector<16xi32>
    %ne3A_900 = arith.constant 0 : i32
    %ne3A_901 = vector.broadcast %ne3A_900 : i32 to vector<16xi32>
    %ne3A_902 = arith.cmpi ne, %rem3A_899, %ne3A_901 : vector<16xi32>
    %and3A_903 = arith.andi %ne3A_897, %ne3A_902 : vector<16xi1>
    %sub3A_904 = arith.constant 1 : i32
    %sub3A_905 = vector.broadcast %sub3A_904 : i32 to vector<16xi32>
    %sub3A_906 = arith.subi %div3A_879, %sub3A_905 : vector<16xi32>
    %select_n3A_907 = arith.select %and3A_903, %sub3A_906, %div3A_879 : vector<16xi1>, vector<16xi32>
    %add3A_908 = arith.constant 176 : i32
    %add3A_909 = vector.broadcast %add3A_908 : i32 to vector<16xi32>
    %add3A_910 = arith.addi %add3A_909, %select_n3A_907 : vector<16xi32>
    %get3A_911 = arith.constant 720 : index
    %get3A_912 = tpu.vector_load %arg5[%get3A_911] {strides = array<i32>} : memref<1024xf32, #tpu.memory_space<vmem>>, vector<16xf32>,
    %jit3A_913 = arith.constant -1.000000e+30 : f32
    %broadcast_in_dim3A_914 = vector.broadcast %jit3A_913 : f32 to vector<16xf32>
    %select_n3A_915 = arith.select %eq3A_18, %get3A_912, %broadcast_in_dim3A_914 : vector<16xi1>, vector<16xf32>
    %jit3A_916 = arith.constant 2 : i32
    %div3A_917 = vector.broadcast %jit3A_916 : i32 to vector<16xi32>
    %div3A_918 = arith.divsi %iota3A, %div3A_917 : vector<16xi32>
    %sign3A_919 = arith.constant 0 : i32
    %sign3A_920 = vector.broadcast %sign3A_919 : i32 to vector<16xi32>
    %sign3A_921 = arith.cmpi sgt, %iota3A, %sign3A_920 : vector<16xi32>
    %sign3A_922 = arith.extui %sign3A_921 : vector<16xi1> to vector<16xi32>
    %sign3A_923 = arith.constant 0 : i32
    %sign3A_924 = vector.broadcast %sign3A_923 : i32 to vector<16xi32>
    %sign3A_925 = arith.cmpi slt, %iota3A, %sign3A_924 : vector<16xi32>
    %sign3A_926 = arith.extui %sign3A_925 : vector<16xi1> to vector<16xi32>
    %sign3A_927 = arith.subi %sign3A_922, %sign3A_926 : vector<16xi32>
    %sign3A_928 = arith.constant 0 : i32
    %sign3A_929 = arith.cmpi sgt, %jit3A_916, %sign3A_928 : i32
    %sign3A_930 = arith.extui %sign3A_929 : i1 to i32
    %sign3A_931 = arith.constant 0 : i32
    %sign3A_932 = arith.cmpi slt, %jit3A_916, %sign3A_931 : i32
    %sign3A_933 = arith.extui %sign3A_932 : i1 to i32
    %sign3A_934 = arith.subi %sign3A_930, %sign3A_933 : i32
    %ne3A_935 = vector.broadcast %sign3A_934 : i32 to vector<16xi32>
    %ne3A_936 = arith.cmpi ne, %sign3A_927, %ne3A_935 : vector<16xi32>
    %rem3A_937 = vector.broadcast %jit3A_916 : i32 to vector<16xi32>
    %rem3A_938 = arith.remsi %iota3A, %rem3A_937 : vector<16xi32>
    %ne3A_939 = arith.constant 0 : i32
    %ne3A_940 = vector.broadcast %ne3A_939 : i32 to vector<16xi32>
    %ne3A_941 = arith.cmpi ne, %rem3A_938, %ne3A_940 : vector<16xi32>
    %and3A_942 = arith.andi %ne3A_936, %ne3A_941 : vector<16xi1>
    %sub3A_943 = arith.constant 1 : i32
    %sub3A_944 = vector.broadcast %sub3A_943 : i32 to vector<16xi32>
    %sub3A_945 = arith.subi %div3A_918, %sub3A_944 : vector<16xi32>
    %select_n3A_946 = arith.select %and3A_942, %sub3A_945, %div3A_918 : vector<16xi1>, vector<16xi32>
    %add3A_947 = arith.constant 184 : i32
    %add3A_948 = vector.broadcast %add3A_947 : i32 to vector<16xi32>
    %add3A_949 = arith.addi %add3A_948, %select_n3A_946 : vector<16xi32>
    %get3A_950 = arith.constant 768 : index
    %get3A_951 = tpu.vector_load %arg5[%get3A_950] {strides = array<i32>} : memref<1024xf32, #tpu.memory_space<vmem>>, vector<16xf32>,
    %jit3A_952 = arith.constant -1.000000e+30 : f32
    %broadcast_in_dim3A_953 = vector.broadcast %jit3A_952 : f32 to vector<16xf32>
    %select_n3A_954 = arith.select %eq3A_18, %get3A_951, %broadcast_in_dim3A_953 : vector<16xi1>, vector<16xf32>
    %jit3A_955 = arith.constant 2 : i32
    %div3A_956 = vector.broadcast %jit3A_955 : i32 to vector<16xi32>
    %div3A_957 = arith.divsi %iota3A, %div3A_956 : vector<16xi32>
    %sign3A_958 = arith.constant 0 : i32
    %sign3A_959 = vector.broadcast %sign3A_958 : i32 to vector<16xi32>
    %sign3A_960 = arith.cmpi sgt, %iota3A, %sign3A_959 : vector<16xi32>
    %sign3A_961 = arith.extui %sign3A_960 : vector<16xi1> to vector<16xi32>
    %sign3A_962 = arith.constant 0 : i32
    %sign3A_963 = vector.broadcast %sign3A_962 : i32 to vector<16xi32>
    %sign3A_964 = arith.cmpi slt, %iota3A, %sign3A_963 : vector<16xi32>
    %sign3A_965 = arith.extui %sign3A_964 : vector<16xi1> to vector<16xi32>
    %sign3A_966 = arith.subi %sign3A_961, %sign3A_965 : vector<16xi32>
    %sign3A_967 = arith.constant 0 : i32
    %sign3A_968 = arith.cmpi sgt, %jit3A_955, %sign3A_967 : i32
    %sign3A_969 = arith.extui %sign3A_968 : i1 to i32
    %sign3A_970 = arith.constant 0 : i32
    %sign3A_971 = arith.cmpi slt, %jit3A_955, %sign3A_970 : i32
    %sign3A_972 = arith.extui %sign3A_971 : i1 to i32
    %sign3A_973 = arith.subi %sign3A_969, %sign3A_972 : i32
    %ne3A_974 = vector.broadcast %sign3A_973 : i32 to vector<16xi32>
    %ne3A_975 = arith.cmpi ne, %sign3A_966, %ne3A_974 : vector<16xi32>
    %rem3A_976 = vector.broadcast %jit3A_955 : i32 to vector<16xi32>
    %rem3A_977 = arith.remsi %iota3A, %rem3A_976 : vector<16xi32>
    %ne3A_978 = arith.constant 0 : i32
    %ne3A_979 = vector.broadcast %ne3A_978 : i32 to vector<16xi32>
    %ne3A_980 = arith.cmpi ne, %rem3A_977, %ne3A_979 : vector<16xi32>
    %and3A_981 = arith.andi %ne3A_975, %ne3A_980 : vector<16xi1>
    %sub3A_982 = arith.constant 1 : i32
    %sub3A_983 = vector.broadcast %sub3A_982 : i32 to vector<16xi32>
    %sub3A_984 = arith.subi %div3A_957, %sub3A_983 : vector<16xi32>
    %select_n3A_985 = arith.select %and3A_981, %sub3A_984, %div3A_957 : vector<16xi1>, vector<16xi32>
    %add3A_986 = arith.constant 192 : i32
    %add3A_987 = vector.broadcast %add3A_986 : i32 to vector<16xi32>
    %add3A_988 = arith.addi %add3A_987, %select_n3A_985 : vector<16xi32>
    %get3A_989 = arith.constant 784 : index
    %get3A_990 = tpu.vector_load %arg5[%get3A_989] {strides = array<i32>} : memref<1024xf32, #tpu.memory_space<vmem>>, vector<16xf32>,
    %jit3A_991 = arith.constant -1.000000e+30 : f32
    %broadcast_in_dim3A_992 = vector.broadcast %jit3A_991 : f32 to vector<16xf32>
    %select_n3A_993 = arith.select %eq3A_18, %get3A_990, %broadcast_in_dim3A_992 : vector<16xi1>, vector<16xf32>
    %jit3A_994 = arith.constant 2 : i32
    %div3A_995 = vector.broadcast %jit3A_994 : i32 to vector<16xi32>
    %div3A_996 = arith.divsi %iota3A, %div3A_995 : vector<16xi32>
    %sign3A_997 = arith.constant 0 : i32
    %sign3A_998 = vector.broadcast %sign3A_997 : i32 to vector<16xi32>
    %sign3A_999 = arith.cmpi sgt, %iota3A, %sign3A_998 : vector<16xi32>
    %sign3A_1000 = arith.extui %sign3A_999 : vector<16xi1> to vector<16xi32>
    %sign3A_1001 = arith.constant 0 : i32
    %sign3A_1002 = vector.broadcast %sign3A_1001 : i32 to vector<16xi32>
    %sign3A_1003 = arith.cmpi slt, %iota3A, %sign3A_1002 : vector<16xi32>
    %sign3A_1004 = arith.extui %sign3A_1003 : vector<16xi1> to vector<16xi32>
    %sign3A_1005 = arith.subi %sign3A_1000, %sign3A_1004 : vector<16xi32>
    %sign3A_1006 = arith.constant 0 : i32
    %sign3A_1007 = arith.cmpi sgt, %jit3A_994, %sign3A_1006 : i32
    %sign3A_1008 = arith.extui %sign3A_1007 : i1 to i32
    %sign3A_1009 = arith.constant 0 : i32
    %sign3A_1010 = arith.cmpi slt, %jit3A_994, %sign3A_1009 : i32
    %sign3A_1011 = arith.extui %sign3A_1010 : i1 to i32
    %sign3A_1012 = arith.subi %sign3A_1008, %sign3A_1011 : i32
    %ne3A_1013 = vector.broadcast %sign3A_1012 : i32 to vector<16xi32>
    %ne3A_1014 = arith.cmpi ne, %sign3A_1005, %ne3A_1013 : vector<16xi32>
    %rem3A_1015 = vector.broadcast %jit3A_994 : i32 to vector<16xi32>
    %rem3A_1016 = arith.remsi %iota3A, %rem3A_1015 : vector<16xi32>
    %ne3A_1017 = arith.constant 0 : i32
    %ne3A_1018 = vector.broadcast %ne3A_1017 : i32 to vector<16xi32>
    %ne3A_1019 = arith.cmpi ne, %rem3A_1016, %ne3A_1018 : vector<16xi32>
    %and3A_1020 = arith.andi %ne3A_1014, %ne3A_1019 : vector<16xi1>
    %sub3A_1021 = arith.constant 1 : i32
    %sub3A_1022 = vector.broadcast %sub3A_1021 : i32 to vector<16xi32>
    %sub3A_1023 = arith.subi %div3A_996, %sub3A_1022 : vector<16xi32>
    %select_n3A_1024 = arith.select %and3A_1020, %sub3A_1023, %div3A_996 : vector<16xi1>, vector<16xi32>
    %add3A_1025 = arith.constant 200 : i32
    %add3A_1026 = vector.broadcast %add3A_1025 : i32 to vector<16xi32>
    %add3A_1027 = arith.addi %add3A_1026, %select_n3A_1024 : vector<16xi32>
    %get3A_1028 = arith.constant 832 : index
    %get3A_1029 = tpu.vector_load %arg5[%get3A_1028] {strides = array<i32>} : memref<1024xf32, #tpu.memory_space<vmem>>, vector<16xf32>,
    %jit3A_1030 = arith.constant -1.000000e+30 : f32
    %broadcast_in_dim3A_1031 = vector.broadcast %jit3A_1030 : f32 to vector<16xf32>
    %select_n3A_1032 = arith.select %eq3A_18, %get3A_1029, %broadcast_in_dim3A_1031 : vector<16xi1>, vector<16xf32>
    %jit3A_1033 = arith.constant 2 : i32
    %div3A_1034 = vector.broadcast %jit3A_1033 : i32 to vector<16xi32>
    %div3A_1035 = arith.divsi %iota3A, %div3A_1034 : vector<16xi32>
    %sign3A_1036 = arith.constant 0 : i32
    %sign3A_1037 = vector.broadcast %sign3A_1036 : i32 to vector<16xi32>
    %sign3A_1038 = arith.cmpi sgt, %iota3A, %sign3A_1037 : vector<16xi32>
    %sign3A_1039 = arith.extui %sign3A_1038 : vector<16xi1> to vector<16xi32>
    %sign3A_1040 = arith.constant 0 : i32
    %sign3A_1041 = vector.broadcast %sign3A_1040 : i32 to vector<16xi32>
    %sign3A_1042 = arith.cmpi slt, %iota3A, %sign3A_1041 : vector<16xi32>
    %sign3A_1043 = arith.extui %sign3A_1042 : vector<16xi1> to vector<16xi32>
    %sign3A_1044 = arith.subi %sign3A_1039, %sign3A_1043 : vector<16xi32>
    %sign3A_1045 = arith.constant 0 : i32
    %sign3A_1046 = arith.cmpi sgt, %jit3A_1033, %sign3A_1045 : i32
    %sign3A_1047 = arith.extui %sign3A_1046 : i1 to i32
    %sign3A_1048 = arith.constant 0 : i32
    %sign3A_1049 = arith.cmpi slt, %jit3A_1033, %sign3A_1048 : i32
    %sign3A_1050 = arith.extui %sign3A_1049 : i1 to i32
    %sign3A_1051 = arith.subi %sign3A_1047, %sign3A_1050 : i32
    %ne3A_1052 = vector.broadcast %sign3A_1051 : i32 to vector<16xi32>
    %ne3A_1053 = arith.cmpi ne, %sign3A_1044, %ne3A_1052 : vector<16xi32>
    %rem3A_1054 = vector.broadcast %jit3A_1033 : i32 to vector<16xi32>
    %rem3A_1055 = arith.remsi %iota3A, %rem3A_1054 : vector<16xi32>
    %ne3A_1056 = arith.constant 0 : i32
    %ne3A_1057 = vector.broadcast %ne3A_1056 : i32 to vector<16xi32>
    %ne3A_1058 = arith.cmpi ne, %rem3A_1055, %ne3A_1057 : vector<16xi32>
    %and3A_1059 = arith.andi %ne3A_1053, %ne3A_1058 : vector<16xi1>
    %sub3A_1060 = arith.constant 1 : i32
    %sub3A_1061 = vector.broadcast %sub3A_1060 : i32 to vector<16xi32>
    %sub3A_1062 = arith.subi %div3A_1035, %sub3A_1061 : vector<16xi32>
    %select_n3A_1063 = arith.select %and3A_1059, %sub3A_1062, %div3A_1035 : vector<16xi1>, vector<16xi32>
    %add3A_1064 = arith.constant 208 : i32
    %add3A_1065 = vector.broadcast %add3A_1064 : i32 to vector<16xi32>
    %add3A_1066 = arith.addi %add3A_1065, %select_n3A_1063 : vector<16xi32>
    %get3A_1067 = arith.constant 848 : index
    %get3A_1068 = tpu.vector_load %arg5[%get3A_1067] {strides = array<i32>} : memref<1024xf32, #tpu.memory_space<vmem>>, vector<16xf32>,
    %jit3A_1069 = arith.constant -1.000000e+30 : f32
    %broadcast_in_dim3A_1070 = vector.broadcast %jit3A_1069 : f32 to vector<16xf32>
    %select_n3A_1071 = arith.select %eq3A_18, %get3A_1068, %broadcast_in_dim3A_1070 : vector<16xi1>, vector<16xf32>
    %jit3A_1072 = arith.constant 2 : i32
    %div3A_1073 = vector.broadcast %jit3A_1072 : i32 to vector<16xi32>
    %div3A_1074 = arith.divsi %iota3A, %div3A_1073 : vector<16xi32>
    %sign3A_1075 = arith.constant 0 : i32
    %sign3A_1076 = vector.broadcast %sign3A_1075 : i32 to vector<16xi32>
    %sign3A_1077 = arith.cmpi sgt, %iota3A, %sign3A_1076 : vector<16xi32>
    %sign3A_1078 = arith.extui %sign3A_1077 : vector<16xi1> to vector<16xi32>
    %sign3A_1079 = arith.constant 0 : i32
    %sign3A_1080 = vector.broadcast %sign3A_1079 : i32 to vector<16xi32>
    %sign3A_1081 = arith.cmpi slt, %iota3A, %sign3A_1080 : vector<16xi32>
    %sign3A_1082 = arith.extui %sign3A_1081 : vector<16xi1> to vector<16xi32>
    %sign3A_1083 = arith.subi %sign3A_1078, %sign3A_1082 : vector<16xi32>
    %sign3A_1084 = arith.constant 0 : i32
    %sign3A_1085 = arith.cmpi sgt, %jit3A_1072, %sign3A_1084 : i32
    %sign3A_1086 = arith.extui %sign3A_1085 : i1 to i32
    %sign3A_1087 = arith.constant 0 : i32
    %sign3A_1088 = arith.cmpi slt, %jit3A_1072, %sign3A_1087 : i32
    %sign3A_1089 = arith.extui %sign3A_1088 : i1 to i32
    %sign3A_1090 = arith.subi %sign3A_1086, %sign3A_1089 : i32
    %ne3A_1091 = vector.broadcast %sign3A_1090 : i32 to vector<16xi32>
    %ne3A_1092 = arith.cmpi ne, %sign3A_1083, %ne3A_1091 : vector<16xi32>
    %rem3A_1093 = vector.broadcast %jit3A_1072 : i32 to vector<16xi32>
    %rem3A_1094 = arith.remsi %iota3A, %rem3A_1093 : vector<16xi32>
    %ne3A_1095 = arith.constant 0 : i32
    %ne3A_1096 = vector.broadcast %ne3A_1095 : i32 to vector<16xi32>
    %ne3A_1097 = arith.cmpi ne, %rem3A_1094, %ne3A_1096 : vector<16xi32>
    %and3A_1098 = arith.andi %ne3A_1092, %ne3A_1097 : vector<16xi1>
    %sub3A_1099 = arith.constant 1 : i32
    %sub3A_1100 = vector.broadcast %sub3A_1099 : i32 to vector<16xi32>
    %sub3A_1101 = arith.subi %div3A_1074, %sub3A_1100 : vector<16xi32>
    %select_n3A_1102 = arith.select %and3A_1098, %sub3A_1101, %div3A_1074 : vector<16xi1>, vector<16xi32>
    %add3A_1103 = arith.constant 216 : i32
    %add3A_1104 = vector.broadcast %add3A_1103 : i32 to vector<16xi32>
    %add3A_1105 = arith.addi %add3A_1104, %select_n3A_1102 : vector<16xi32>
    %get3A_1106 = arith.constant 896 : index
    %get3A_1107 = tpu.vector_load %arg5[%get3A_1106] {strides = array<i32>} : memref<1024xf32, #tpu.memory_space<vmem>>, vector<16xf32>,
    %jit3A_1108 = arith.constant -1.000000e+30 : f32
    %broadcast_in_dim3A_1109 = vector.broadcast %jit3A_1108 : f32 to vector<16xf32>
    %select_n3A_1110 = arith.select %eq3A_18, %get3A_1107, %broadcast_in_dim3A_1109 : vector<16xi1>, vector<16xf32>
    %jit3A_1111 = arith.constant 2 : i32
    %div3A_1112 = vector.broadcast %jit3A_1111 : i32 to vector<16xi32>
    %div3A_1113 = arith.divsi %iota3A, %div3A_1112 : vector<16xi32>
    %sign3A_1114 = arith.constant 0 : i32
    %sign3A_1115 = vector.broadcast %sign3A_1114 : i32 to vector<16xi32>
    %sign3A_1116 = arith.cmpi sgt, %iota3A, %sign3A_1115 : vector<16xi32>
    %sign3A_1117 = arith.extui %sign3A_1116 : vector<16xi1> to vector<16xi32>
    %sign3A_1118 = arith.constant 0 : i32
    %sign3A_1119 = vector.broadcast %sign3A_1118 : i32 to vector<16xi32>
    %sign3A_1120 = arith.cmpi slt, %iota3A, %sign3A_1119 : vector<16xi32>
    %sign3A_1121 = arith.extui %sign3A_1120 : vector<16xi1> to vector<16xi32>
    %sign3A_1122 = arith.subi %sign3A_1117, %sign3A_1121 : vector<16xi32>
    %sign3A_1123 = arith.constant 0 : i32
    %sign3A_1124 = arith.cmpi sgt, %jit3A_1111, %sign3A_1123 : i32
    %sign3A_1125 = arith.extui %sign3A_1124 : i1 to i32
    %sign3A_1126 = arith.constant 0 : i32
    %sign3A_1127 = arith.cmpi slt, %jit3A_1111, %sign3A_1126 : i32
    %sign3A_1128 = arith.extui %sign3A_1127 : i1 to i32
    %sign3A_1129 = arith.subi %sign3A_1125, %sign3A_1128 : i32
    %ne3A_1130 = vector.broadcast %sign3A_1129 : i32 to vector<16xi32>
    %ne3A_1131 = arith.cmpi ne, %sign3A_1122, %ne3A_1130 : vector<16xi32>
    %rem3A_1132 = vector.broadcast %jit3A_1111 : i32 to vector<16xi32>
    %rem3A_1133 = arith.remsi %iota3A, %rem3A_1132 : vector<16xi32>
    %ne3A_1134 = arith.constant 0 : i32
    %ne3A_1135 = vector.broadcast %ne3A_1134 : i32 to vector<16xi32>
    %ne3A_1136 = arith.cmpi ne, %rem3A_1133, %ne3A_1135 : vector<16xi32>
    %and3A_1137 = arith.andi %ne3A_1131, %ne3A_1136 : vector<16xi1>
    %sub3A_1138 = arith.constant 1 : i32
    %sub3A_1139 = vector.broadcast %sub3A_1138 : i32 to vector<16xi32>
    %sub3A_1140 = arith.subi %div3A_1113, %sub3A_1139 : vector<16xi32>
    %select_n3A_1141 = arith.select %and3A_1137, %sub3A_1140, %div3A_1113 : vector<16xi1>, vector<16xi32>
    %add3A_1142 = arith.constant 224 : i32
    %add3A_1143 = vector.broadcast %add3A_1142 : i32 to vector<16xi32>
    %add3A_1144 = arith.addi %add3A_1143, %select_n3A_1141 : vector<16xi32>
    %get3A_1145 = arith.constant 912 : index
    %get3A_1146 = tpu.vector_load %arg5[%get3A_1145] {strides = array<i32>} : memref<1024xf32, #tpu.memory_space<vmem>>, vector<16xf32>,
    %jit3A_1147 = arith.constant -1.000000e+30 : f32
    %broadcast_in_dim3A_1148 = vector.broadcast %jit3A_1147 : f32 to vector<16xf32>
    %select_n3A_1149 = arith.select %eq3A_18, %get3A_1146, %broadcast_in_dim3A_1148 : vector<16xi1>, vector<16xf32>
    %jit3A_1150 = arith.constant 2 : i32
    %div3A_1151 = vector.broadcast %jit3A_1150 : i32 to vector<16xi32>
    %div3A_1152 = arith.divsi %iota3A, %div3A_1151 : vector<16xi32>
    %sign3A_1153 = arith.constant 0 : i32
    %sign3A_1154 = vector.broadcast %sign3A_1153 : i32 to vector<16xi32>
    %sign3A_1155 = arith.cmpi sgt, %iota3A, %sign3A_1154 : vector<16xi32>
    %sign3A_1156 = arith.extui %sign3A_1155 : vector<16xi1> to vector<16xi32>
    %sign3A_1157 = arith.constant 0 : i32
    %sign3A_1158 = vector.broadcast %sign3A_1157 : i32 to vector<16xi32>
    %sign3A_1159 = arith.cmpi slt, %iota3A, %sign3A_1158 : vector<16xi32>
    %sign3A_1160 = arith.extui %sign3A_1159 : vector<16xi1> to vector<16xi32>
    %sign3A_1161 = arith.subi %sign3A_1156, %sign3A_1160 : vector<16xi32>
    %sign3A_1162 = arith.constant 0 : i32
    %sign3A_1163 = arith.cmpi sgt, %jit3A_1150, %sign3A_1162 : i32
    %sign3A_1164 = arith.extui %sign3A_1163 : i1 to i32
    %sign3A_1165 = arith.constant 0 : i32
    %sign3A_1166 = arith.cmpi slt, %jit3A_1150, %sign3A_1165 : i32
    %sign3A_1167 = arith.extui %sign3A_1166 : i1 to i32
    %sign3A_1168 = arith.subi %sign3A_1164, %sign3A_1167 : i32
    %ne3A_1169 = vector.broadcast %sign3A_1168 : i32 to vector<16xi32>
    %ne3A_1170 = arith.cmpi ne, %sign3A_1161, %ne3A_1169 : vector<16xi32>
    %rem3A_1171 = vector.broadcast %jit3A_1150 : i32 to vector<16xi32>
    %rem3A_1172 = arith.remsi %iota3A, %rem3A_1171 : vector<16xi32>
    %ne3A_1173 = arith.constant 0 : i32
    %ne3A_1174 = vector.broadcast %ne3A_1173 : i32 to vector<16xi32>
    %ne3A_1175 = arith.cmpi ne, %rem3A_1172, %ne3A_1174 : vector<16xi32>
    %and3A_1176 = arith.andi %ne3A_1170, %ne3A_1175 : vector<16xi1>
    %sub3A_1177 = arith.constant 1 : i32
    %sub3A_1178 = vector.broadcast %sub3A_1177 : i32 to vector<16xi32>
    %sub3A_1179 = arith.subi %div3A_1152, %sub3A_1178 : vector<16xi32>
    %select_n3A_1180 = arith.select %and3A_1176, %sub3A_1179, %div3A_1152 : vector<16xi1>, vector<16xi32>
    %add3A_1181 = arith.constant 232 : i32
    %add3A_1182 = vector.broadcast %add3A_1181 : i32 to vector<16xi32>
    %add3A_1183 = arith.addi %add3A_1182, %select_n3A_1180 : vector<16xi32>
    %get3A_1184 = arith.constant 960 : index
    %get3A_1185 = tpu.vector_load %arg5[%get3A_1184] {strides = array<i32>} : memref<1024xf32, #tpu.memory_space<vmem>>, vector<16xf32>,
    %jit3A_1186 = arith.constant -1.000000e+30 : f32
    %broadcast_in_dim3A_1187 = vector.broadcast %jit3A_1186 : f32 to vector<16xf32>
    %select_n3A_1188 = arith.select %eq3A_18, %get3A_1185, %broadcast_in_dim3A_1187 : vector<16xi1>, vector<16xf32>
    %jit3A_1189 = arith.constant 2 : i32
    %div3A_1190 = vector.broadcast %jit3A_1189 : i32 to vector<16xi32>
    %div3A_1191 = arith.divsi %iota3A, %div3A_1190 : vector<16xi32>
    %sign3A_1192 = arith.constant 0 : i32
    %sign3A_1193 = vector.broadcast %sign3A_1192 : i32 to vector<16xi32>
    %sign3A_1194 = arith.cmpi sgt, %iota3A, %sign3A_1193 : vector<16xi32>
    %sign3A_1195 = arith.extui %sign3A_1194 : vector<16xi1> to vector<16xi32>
    %sign3A_1196 = arith.constant 0 : i32
    %sign3A_1197 = vector.broadcast %sign3A_1196 : i32 to vector<16xi32>
    %sign3A_1198 = arith.cmpi slt, %iota3A, %sign3A_1197 : vector<16xi32>
    %sign3A_1199 = arith.extui %sign3A_1198 : vector<16xi1> to vector<16xi32>
    %sign3A_1200 = arith.subi %sign3A_1195, %sign3A_1199 : vector<16xi32>
    %sign3A_1201 = arith.constant 0 : i32
    %sign3A_1202 = arith.cmpi sgt, %jit3A_1189, %sign3A_1201 : i32
    %sign3A_1203 = arith.extui %sign3A_1202 : i1 to i32
    %sign3A_1204 = arith.constant 0 : i32
    %sign3A_1205 = arith.cmpi slt, %jit3A_1189, %sign3A_1204 : i32
    %sign3A_1206 = arith.extui %sign3A_1205 : i1 to i32
    %sign3A_1207 = arith.subi %sign3A_1203, %sign3A_1206 : i32
    %ne3A_1208 = vector.broadcast %sign3A_1207 : i32 to vector<16xi32>
    %ne3A_1209 = arith.cmpi ne, %sign3A_1200, %ne3A_1208 : vector<16xi32>
    %rem3A_1210 = vector.broadcast %jit3A_1189 : i32 to vector<16xi32>
    %rem3A_1211 = arith.remsi %iota3A, %rem3A_1210 : vector<16xi32>
    %ne3A_1212 = arith.constant 0 : i32
    %ne3A_1213 = vector.broadcast %ne3A_1212 : i32 to vector<16xi32>
    %ne3A_1214 = arith.cmpi ne, %rem3A_1211, %ne3A_1213 : vector<16xi32>
    %and3A_1215 = arith.andi %ne3A_1209, %ne3A_1214 : vector<16xi1>
    %sub3A_1216 = arith.constant 1 : i32
    %sub3A_1217 = vector.broadcast %sub3A_1216 : i32 to vector<16xi32>
    %sub3A_1218 = arith.subi %div3A_1191, %sub3A_1217 : vector<16xi32>
    %select_n3A_1219 = arith.select %and3A_1215, %sub3A_1218, %div3A_1191 : vector<16xi1>, vector<16xi32>
    %add3A_1220 = arith.constant 240 : i32
    %add3A_1221 = vector.broadcast %add3A_1220 : i32 to vector<16xi32>
    %add3A_1222 = arith.addi %add3A_1221, %select_n3A_1219 : vector<16xi32>
    %get3A_1223 = arith.constant 976 : index
    %get3A_1224 = tpu.vector_load %arg5[%get3A_1223] {strides = array<i32>} : memref<1024xf32, #tpu.memory_space<vmem>>, vector<16xf32>,
    %jit3A_1225 = arith.constant -1.000000e+30 : f32
    %broadcast_in_dim3A_1226 = vector.broadcast %jit3A_1225 : f32 to vector<16xf32>
    %select_n3A_1227 = arith.select %eq3A_18, %get3A_1224, %broadcast_in_dim3A_1226 : vector<16xi1>, vector<16xf32>
    %jit3A_1228 = arith.constant 2 : i32
    %div3A_1229 = vector.broadcast %jit3A_1228 : i32 to vector<16xi32>
    %div3A_1230 = arith.divsi %iota3A, %div3A_1229 : vector<16xi32>
    %sign3A_1231 = arith.constant 0 : i32
    %sign3A_1232 = vector.broadcast %sign3A_1231 : i32 to vector<16xi32>
    %sign3A_1233 = arith.cmpi sgt, %iota3A, %sign3A_1232 : vector<16xi32>
    %sign3A_1234 = arith.extui %sign3A_1233 : vector<16xi1> to vector<16xi32>
    %sign3A_1235 = arith.constant 0 : i32
    %sign3A_1236 = vector.broadcast %sign3A_1235 : i32 to vector<16xi32>
    %sign3A_1237 = arith.cmpi slt, %iota3A, %sign3A_1236 : vector<16xi32>
    %sign3A_1238 = arith.extui %sign3A_1237 : vector<16xi1> to vector<16xi32>
    %sign3A_1239 = arith.subi %sign3A_1234, %sign3A_1238 : vector<16xi32>
    %sign3A_1240 = arith.constant 0 : i32
    %sign3A_1241 = arith.cmpi sgt, %jit3A_1228, %sign3A_1240 : i32
    %sign3A_1242 = arith.extui %sign3A_1241 : i1 to i32
    %sign3A_1243 = arith.constant 0 : i32
    %sign3A_1244 = arith.cmpi slt, %jit3A_1228, %sign3A_1243 : i32
    %sign3A_1245 = arith.extui %sign3A_1244 : i1 to i32
    %sign3A_1246 = arith.subi %sign3A_1242, %sign3A_1245 : i32
    %ne3A_1247 = vector.broadcast %sign3A_1246 : i32 to vector<16xi32>
    %ne3A_1248 = arith.cmpi ne, %sign3A_1239, %ne3A_1247 : vector<16xi32>
    %rem3A_1249 = vector.broadcast %jit3A_1228 : i32 to vector<16xi32>
    %rem3A_1250 = arith.remsi %iota3A, %rem3A_1249 : vector<16xi32>
    %ne3A_1251 = arith.constant 0 : i32
    %ne3A_1252 = vector.broadcast %ne3A_1251 : i32 to vector<16xi32>
    %ne3A_1253 = arith.cmpi ne, %rem3A_1250, %ne3A_1252 : vector<16xi32>
    %and3A_1254 = arith.andi %ne3A_1248, %ne3A_1253 : vector<16xi1>
    %sub3A_1255 = arith.constant 1 : i32
    %sub3A_1256 = vector.broadcast %sub3A_1255 : i32 to vector<16xi32>
    %sub3A_1257 = arith.subi %div3A_1230, %sub3A_1256 : vector<16xi32>
    %select_n3A_1258 = arith.select %and3A_1254, %sub3A_1257, %div3A_1230 : vector<16xi1>, vector<16xi32>
    %add3A_1259 = arith.constant 248 : i32
    %add3A_1260 = vector.broadcast %add3A_1259 : i32 to vector<16xi32>
    %add3A_1261 = arith.addi %add3A_1260, %select_n3A_1258 : vector<16xi32>
    %gt3A = arith.cmpf ogt, %select_n3A_57, %select_n3A_21 : vector<16xf32>
    %select_n3A_1262 = arith.select %gt3A, %select_n3A_57, %select_n3A_21 : vector<16xi1>, vector<16xf32>
    %select_n3A_1263 = arith.select %gt3A, %add3A_91, %add3A_52 : vector<16xi1>, vector<16xi32>
    %gt3A_1264 = arith.cmpf ogt, %select_n3A_96, %select_n3A_1262 : vector<16xf32>
    %select_n3A_1265 = arith.select %gt3A_1264, %select_n3A_96, %select_n3A_1262 : vector<16xi1>, vector<16xf32>
    %select_n3A_1266 = arith.select %gt3A_1264, %add3A_130, %select_n3A_1263 : vector<16xi1>, vector<16xi32>
    %gt3A_1267 = arith.cmpf ogt, %select_n3A_135, %select_n3A_1265 : vector<16xf32>
    %select_n3A_1268 = arith.select %gt3A_1267, %select_n3A_135, %select_n3A_1265 : vector<16xi1>, vector<16xf32>
    %select_n3A_1269 = arith.select %gt3A_1267, %add3A_169, %select_n3A_1266 : vector<16xi1>, vector<16xi32>
    %gt3A_1270 = arith.cmpf ogt, %select_n3A_174, %select_n3A_1268 : vector<16xf32>
    %select_n3A_1271 = arith.select %gt3A_1270, %select_n3A_174, %select_n3A_1268 : vector<16xi1>, vector<16xf32>
    %select_n3A_1272 = arith.select %gt3A_1270, %add3A_208, %select_n3A_1269 : vector<16xi1>, vector<16xi32>
    %gt3A_1273 = arith.cmpf ogt, %select_n3A_213, %select_n3A_1271 : vector<16xf32>
    %select_n3A_1274 = arith.select %gt3A_1273, %select_n3A_213, %select_n3A_1271 : vector<16xi1>, vector<16xf32>
    %select_n3A_1275 = arith.select %gt3A_1273, %add3A_247, %select_n3A_1272 : vector<16xi1>, vector<16xi32>
    %gt3A_1276 = arith.cmpf ogt, %select_n3A_252, %select_n3A_1274 : vector<16xf32>
    %select_n3A_1277 = arith.select %gt3A_1276, %select_n3A_252, %select_n3A_1274 : vector<16xi1>, vector<16xf32>
    %select_n3A_1278 = arith.select %gt3A_1276, %add3A_286, %select_n3A_1275 : vector<16xi1>, vector<16xi32>
    %gt3A_1279 = arith.cmpf ogt, %select_n3A_291, %select_n3A_1277 : vector<16xf32>
    %select_n3A_1280 = arith.select %gt3A_1279, %select_n3A_291, %select_n3A_1277 : vector<16xi1>, vector<16xf32>
    %select_n3A_1281 = arith.select %gt3A_1279, %add3A_325, %select_n3A_1278 : vector<16xi1>, vector<16xi32>
    %gt3A_1282 = arith.cmpf ogt, %select_n3A_330, %select_n3A_1280 : vector<16xf32>
    %select_n3A_1283 = arith.select %gt3A_1282, %select_n3A_330, %select_n3A_1280 : vector<16xi1>, vector<16xf32>
    %select_n3A_1284 = arith.select %gt3A_1282, %add3A_364, %select_n3A_1281 : vector<16xi1>, vector<16xi32>
    %gt3A_1285 = arith.cmpf ogt, %select_n3A_369, %select_n3A_1283 : vector<16xf32>
    %select_n3A_1286 = arith.select %gt3A_1285, %select_n3A_369, %select_n3A_1283 : vector<16xi1>, vector<16xf32>
    %select_n3A_1287 = arith.select %gt3A_1285, %add3A_403, %select_n3A_1284 : vector<16xi1>, vector<16xi32>
    %gt3A_1288 = arith.cmpf ogt, %select_n3A_408, %select_n3A_1286 : vector<16xf32>
    %select_n3A_1289 = arith.select %gt3A_1288, %select_n3A_408, %select_n3A_1286 : vector<16xi1>, vector<16xf32>
    %select_n3A_1290 = arith.select %gt3A_1288, %add3A_442, %select_n3A_1287 : vector<16xi1>, vector<16xi32>
    %gt3A_1291 = arith.cmpf ogt, %select_n3A_447, %select_n3A_1289 : vector<16xf32>
    %select_n3A_1292 = arith.select %gt3A_1291, %select_n3A_447, %select_n3A_1289 : vector<16xi1>, vector<16xf32>
    %select_n3A_1293 = arith.select %gt3A_1291, %add3A_481, %select_n3A_1290 : vector<16xi1>, vector<16xi32>
    %gt3A_1294 = arith.cmpf ogt, %select_n3A_486, %select_n3A_1292 : vector<16xf32>
    %select_n3A_1295 = arith.select %gt3A_1294, %select_n3A_486, %select_n3A_1292 : vector<16xi1>, vector<16xf32>
    %select_n3A_1296 = arith.select %gt3A_1294, %add3A_520, %select_n3A_1293 : vector<16xi1>, vector<16xi32>
    %gt3A_1297 = arith.cmpf ogt, %select_n3A_525, %select_n3A_1295 : vector<16xf32>
    %select_n3A_1298 = arith.select %gt3A_1297, %select_n3A_525, %select_n3A_1295 : vector<16xi1>, vector<16xf32>
    %select_n3A_1299 = arith.select %gt3A_1297, %add3A_559, %select_n3A_1296 : vector<16xi1>, vector<16xi32>
    %gt3A_1300 = arith.cmpf ogt, %select_n3A_564, %select_n3A_1298 : vector<16xf32>
    %select_n3A_1301 = arith.select %gt3A_1300, %select_n3A_564, %select_n3A_1298 : vector<16xi1>, vector<16xf32>
    %select_n3A_1302 = arith.select %gt3A_1300, %add3A_598, %select_n3A_1299 : vector<16xi1>, vector<16xi32>
    %gt3A_1303 = arith.cmpf ogt, %select_n3A_603, %select_n3A_1301 : vector<16xf32>
    %select_n3A_1304 = arith.select %gt3A_1303, %select_n3A_603, %select_n3A_1301 : vector<16xi1>, vector<16xf32>
    %select_n3A_1305 = arith.select %gt3A_1303, %add3A_637, %select_n3A_1302 : vector<16xi1>, vector<16xi32>
    %gt3A_1306 = arith.cmpf ogt, %select_n3A_642, %select_n3A_1304 : vector<16xf32>
    %select_n3A_1307 = arith.select %gt3A_1306, %select_n3A_642, %select_n3A_1304 : vector<16xi1>, vector<16xf32>
    %select_n3A_1308 = arith.select %gt3A_1306, %add3A_676, %select_n3A_1305 : vector<16xi1>, vector<16xi32>
    %gt3A_1309 = arith.cmpf ogt, %select_n3A_681, %select_n3A_1307 : vector<16xf32>
    %select_n3A_1310 = arith.select %gt3A_1309, %select_n3A_681, %select_n3A_1307 : vector<16xi1>, vector<16xf32>
    %select_n3A_1311 = arith.select %gt3A_1309, %add3A_715, %select_n3A_1308 : vector<16xi1>, vector<16xi32>
    %gt3A_1312 = arith.cmpf ogt, %select_n3A_720, %select_n3A_1310 : vector<16xf32>
    %select_n3A_1313 = arith.select %gt3A_1312, %select_n3A_720, %select_n3A_1310 : vector<16xi1>, vector<16xf32>
    %select_n3A_1314 = arith.select %gt3A_1312, %add3A_754, %select_n3A_1311 : vector<16xi1>, vector<16xi32>
    %gt3A_1315 = arith.cmpf ogt, %select_n3A_759, %select_n3A_1313 : vector<16xf32>
    %select_n3A_1316 = arith.select %gt3A_1315, %select_n3A_759, %select_n3A_1313 : vector<16xi1>, vector<16xf32>
    %select_n3A_1317 = arith.select %gt3A_1315, %add3A_793, %select_n3A_1314 : vector<16xi1>, vector<16xi32>
    %gt3A_1318 = arith.cmpf ogt, %select_n3A_798, %select_n3A_1316 : vector<16xf32>
    %select_n3A_1319 = arith.select %gt3A_1318, %select_n3A_798, %select_n3A_1316 : vector<16xi1>, vector<16xf32>
    %select_n3A_1320 = arith.select %gt3A_1318, %add3A_832, %select_n3A_1317 : vector<16xi1>, vector<16xi32>
    %gt3A_1321 = arith.cmpf ogt, %select_n3A_837, %select_n3A_1319 : vector<16xf32>
    %select_n3A_1322 = arith.select %gt3A_1321, %select_n3A_837, %select_n3A_1319 : vector<16xi1>, vector<16xf32>
    %select_n3A_1323 = arith.select %gt3A_1321, %add3A_871, %select_n3A_1320 : vector<16xi1>, vector<16xi32>
    %gt3A_1324 = arith.cmpf ogt, %select_n3A_876, %select_n3A_1322 : vector<16xf32>
    %select_n3A_1325 = arith.select %gt3A_1324, %select_n3A_876, %select_n3A_1322 : vector<16xi1>, vector<16xf32>
    %select_n3A_1326 = arith.select %gt3A_1324, %add3A_910, %select_n3A_1323 : vector<16xi1>, vector<16xi32>
    %gt3A_1327 = arith.cmpf ogt, %select_n3A_915, %select_n3A_1325 : vector<16xf32>
    %select_n3A_1328 = arith.select %gt3A_1327, %select_n3A_915, %select_n3A_1325 : vector<16xi1>, vector<16xf32>
    %select_n3A_1329 = arith.select %gt3A_1327, %add3A_949, %select_n3A_1326 : vector<16xi1>, vector<16xi32>
    %gt3A_1330 = arith.cmpf ogt, %select_n3A_954, %select_n3A_1328 : vector<16xf32>
    %select_n3A_1331 = arith.select %gt3A_1330, %select_n3A_954, %select_n3A_1328 : vector<16xi1>, vector<16xf32>
    %select_n3A_1332 = arith.select %gt3A_1330, %add3A_988, %select_n3A_1329 : vector<16xi1>, vector<16xi32>
    %gt3A_1333 = arith.cmpf ogt, %select_n3A_993, %select_n3A_1331 : vector<16xf32>
    %select_n3A_1334 = arith.select %gt3A_1333, %select_n3A_993, %select_n3A_1331 : vector<16xi1>, vector<16xf32>
    %select_n3A_1335 = arith.select %gt3A_1333, %add3A_1027, %select_n3A_1332 : vector<16xi1>, vector<16xi32>
    %gt3A_1336 = arith.cmpf ogt, %select_n3A_1032, %select_n3A_1334 : vector<16xf32>
    %select_n3A_1337 = arith.select %gt3A_1336, %select_n3A_1032, %select_n3A_1334 : vector<16xi1>, vector<16xf32>
    %select_n3A_1338 = arith.select %gt3A_1336, %add3A_1066, %select_n3A_1335 : vector<16xi1>, vector<16xi32>
    %gt3A_1339 = arith.cmpf ogt, %select_n3A_1071, %select_n3A_1337 : vector<16xf32>
    %select_n3A_1340 = arith.select %gt3A_1339, %select_n3A_1071, %select_n3A_1337 : vector<16xi1>, vector<16xf32>
    %select_n3A_1341 = arith.select %gt3A_1339, %add3A_1105, %select_n3A_1338 : vector<16xi1>, vector<16xi32>
    %gt3A_1342 = arith.cmpf ogt, %select_n3A_1110, %select_n3A_1340 : vector<16xf32>
    %select_n3A_1343 = arith.select %gt3A_1342, %select_n3A_1110, %select_n3A_1340 : vector<16xi1>, vector<16xf32>
    %select_n3A_1344 = arith.select %gt3A_1342, %add3A_1144, %select_n3A_1341 : vector<16xi1>, vector<16xi32>
    %gt3A_1345 = arith.cmpf ogt, %select_n3A_1149, %select_n3A_1343 : vector<16xf32>
    %select_n3A_1346 = arith.select %gt3A_1345, %select_n3A_1149, %select_n3A_1343 : vector<16xi1>, vector<16xf32>
    %select_n3A_1347 = arith.select %gt3A_1345, %add3A_1183, %select_n3A_1344 : vector<16xi1>, vector<16xi32>
    %gt3A_1348 = arith.cmpf ogt, %select_n3A_1188, %select_n3A_1346 : vector<16xf32>
    %select_n3A_1349 = arith.select %gt3A_1348, %select_n3A_1188, %select_n3A_1346 : vector<16xi1>, vector<16xf32>
    %select_n3A_1350 = arith.select %gt3A_1348, %add3A_1222, %select_n3A_1347 : vector<16xi1>, vector<16xi32>
    %gt3A_1351 = arith.cmpf ogt, %select_n3A_1227, %select_n3A_1349 : vector<16xf32>
    %select_n3A_1352 = arith.select %gt3A_1351, %select_n3A_1227, %select_n3A_1349 : vector<16xi1>, vector<16xf32>
    %select_n3A_1353 = arith.select %gt3A_1351, %add3A_1261, %select_n3A_1350 : vector<16xi1>, vector<16xi32>
    %broadcast_in_dim3A_1354 = arith.constant true
    %broadcast_in_dim3A_1355 = vector.broadcast %broadcast_in_dim3A_1354 : i1 to vector<16xi1>
    %masked_cummax3A = tpu.scan <max>, %select_n3A_1352 masked %broadcast_in_dim3A_1355 : vector<16xf32>, vector<16xi1> -> vector<16xf32>
    %broadcast_in_dim3A_1356 = arith.constant 15 : i32
    %broadcast_in_dim3A_1357 = vector.broadcast %broadcast_in_dim3A_1356 : i32 to vector<16x1xi32>
    %gather3A = vector.shape_cast %broadcast_in_dim3A_1357 : vector<16x1xi32> to vector<16xi32>
    %gather3A_1358 = tpu.dynamic_gather %masked_cummax3A[%gather3A] in [0] : vector<16xf32>, vector<16xi32> -> vector<16xf32>
    %eq3A_1359 = arith.cmpf oeq, %select_n3A_1352, %gather3A_1358 : vector<16xf32>
    %jit3A_1360 = arith.constant 4096 : i32
    %broadcast_in_dim3A_1361 = vector.broadcast %jit3A_1360 : i32 to vector<16xi32>
    %select_n3A_1362 = arith.select %eq3A_1359, %select_n3A_1353, %broadcast_in_dim3A_1361 : vector<16xi1>, vector<16xi32>
    %neg3A = arith.constant 0 : i32
    %neg3A_1363 = vector.broadcast %neg3A : i32 to vector<16xi32>
    %neg3A_1364 = arith.subi %neg3A_1363, %select_n3A_1362 : vector<16xi32>
    %broadcast_in_dim3A_1365 = arith.constant true
    %broadcast_in_dim3A_1366 = vector.broadcast %broadcast_in_dim3A_1365 : i1 to vector<16xi1>
    %masked_cummax3A_1367 = arith.constant -2147483648 : i32
    %masked_cummax3A_1368 = vector.broadcast %masked_cummax3A_1367 : i32 to vector<16xi32>
    %masked_cummax3A_1369 = arith.xori %neg3A_1364, %masked_cummax3A_1368 : vector<16xi32>
    %masked_cummax3A_1370 = tpu.scan <max>, %masked_cummax3A_1369 masked %broadcast_in_dim3A_1366 : vector<16xi32>, vector<16xi1> -> vector<16xi32>
    %masked_cummax3A_1371 = arith.xori %masked_cummax3A_1370, %masked_cummax3A_1368 : vector<16xi32>
    %broadcast_in_dim3A_1372 = arith.constant 15 : i32
    %broadcast_in_dim3A_1373 = vector.broadcast %broadcast_in_dim3A_1372 : i32 to vector<16x1xi32>
    %gather3A_1374 = vector.shape_cast %broadcast_in_dim3A_1373 : vector<16x1xi32> to vector<16xi32>
    %gather3A_1375 = tpu.dynamic_gather %masked_cummax3A_1371[%gather3A_1374] in [0] : vector<16xi32>, vector<16xi32> -> vector<16xi32>
    %neg3A_1376 = arith.constant 0 : i32
    %neg3A_1377 = vector.broadcast %neg3A_1376 : i32 to vector<16xi32>
    %neg3A_1378 = arith.subi %neg3A_1377, %gather3A_1375 : vector<16xi32>
    %eq3A_1379 = arith.cmpi eq, %add3A_52, %neg3A_1378 : vector<16xi32>
    %jit3A_1380 = arith.constant -1.000000e+30 : f32
    %broadcast_in_dim3A_1381 = vector.broadcast %jit3A_1380 : f32 to vector<16xf32>
    %select_n3A_1382 = arith.select %eq3A_1379, %broadcast_in_dim3A_1381, %select_n3A_21 : vector<16xi1>, vector<16xf32>
    %eq3A_1383 = arith.cmpi eq, %add3A_91, %neg3A_1378 : vector<16xi32>
    %jit3A_1384 = arith.constant -1.000000e+30 : f32
    %broadcast_in_dim3A_1385 = vector.broadcast %jit3A_1384 : f32 to vector<16xf32>
    %select_n3A_1386 = arith.select %eq3A_1383, %broadcast_in_dim3A_1385, %select_n3A_57 : vector<16xi1>, vector<16xf32>
    %eq3A_1387 = arith.cmpi eq, %add3A_130, %neg3A_1378 : vector<16xi32>
    %jit3A_1388 = arith.constant -1.000000e+30 : f32
    %broadcast_in_dim3A_1389 = vector.broadcast %jit3A_1388 : f32 to vector<16xf32>
    %select_n3A_1390 = arith.select %eq3A_1387, %broadcast_in_dim3A_1389, %select_n3A_96 : vector<16xi1>, vector<16xf32>
    %eq3A_1391 = arith.cmpi eq, %add3A_169, %neg3A_1378 : vector<16xi32>
    %jit3A_1392 = arith.constant -1.000000e+30 : f32
    %broadcast_in_dim3A_1393 = vector.broadcast %jit3A_1392 : f32 to vector<16xf32>
    %select_n3A_1394 = arith.select %eq3A_1391, %broadcast_in_dim3A_1393, %select_n3A_135 : vector<16xi1>, vector<16xf32>
    %eq3A_1395 = arith.cmpi eq, %add3A_208, %neg3A_1378 : vector<16xi32>
    %jit3A_1396 = arith.constant -1.000000e+30 : f32
    %broadcast_in_dim3A_1397 = vector.broadcast %jit3A_1396 : f32 to vector<16xf32>
    %select_n3A_1398 = arith.select %eq3A_1395, %broadcast_in_dim3A_1397, %select_n3A_174 : vector<16xi1>, vector<16xf32>
    %eq3A_1399 = arith.cmpi eq, %add3A_247, %neg3A_1378 : vector<16xi32>
    %jit3A_1400 = arith.constant -1.000000e+30 : f32
    %broadcast_in_dim3A_1401 = vector.broadcast %jit3A_1400 : f32 to vector<16xf32>
    %select_n3A_1402 = arith.select %eq3A_1399, %broadcast_in_dim3A_1401, %select_n3A_213 : vector<16xi1>, vector<16xf32>
    %eq3A_1403 = arith.cmpi eq, %add3A_286, %neg3A_1378 : vector<16xi32>
    %jit3A_1404 = arith.constant -1.000000e+30 : f32
    %broadcast_in_dim3A_1405 = vector.broadcast %jit3A_1404 : f32 to vector<16xf32>
    %select_n3A_1406 = arith.select %eq3A_1403, %broadcast_in_dim3A_1405, %select_n3A_252 : vector<16xi1>, vector<16xf32>
    %eq3A_1407 = arith.cmpi eq, %add3A_325, %neg3A_1378 : vector<16xi32>
    %jit3A_1408 = arith.constant -1.000000e+30 : f32
    %broadcast_in_dim3A_1409 = vector.broadcast %jit3A_1408 : f32 to vector<16xf32>
    %select_n3A_1410 = arith.select %eq3A_1407, %broadcast_in_dim3A_1409, %select_n3A_291 : vector<16xi1>, vector<16xf32>
    %eq3A_1411 = arith.cmpi eq, %add3A_364, %neg3A_1378 : vector<16xi32>
    %jit3A_1412 = arith.constant -1.000000e+30 : f32
    %broadcast_in_dim3A_1413 = vector.broadcast %jit3A_1412 : f32 to vector<16xf32>
    %select_n3A_1414 = arith.select %eq3A_1411, %broadcast_in_dim3A_1413, %select_n3A_330 : vector<16xi1>, vector<16xf32>
    %eq3A_1415 = arith.cmpi eq, %add3A_403, %neg3A_1378 : vector<16xi32>
    %jit3A_1416 = arith.constant -1.000000e+30 : f32
    %broadcast_in_dim3A_1417 = vector.broadcast %jit3A_1416 : f32 to vector<16xf32>
    %select_n3A_1418 = arith.select %eq3A_1415, %broadcast_in_dim3A_1417, %select_n3A_369 : vector<16xi1>, vector<16xf32>
    %eq3A_1419 = arith.cmpi eq, %add3A_442, %neg3A_1378 : vector<16xi32>
    %jit3A_1420 = arith.constant -1.000000e+30 : f32
    %broadcast_in_dim3A_1421 = vector.broadcast %jit3A_1420 : f32 to vector<16xf32>
    %select_n3A_1422 = arith.select %eq3A_1419, %broadcast_in_dim3A_1421, %select_n3A_408 : vector<16xi1>, vector<16xf32>
    %eq3A_1423 = arith.cmpi eq, %add3A_481, %neg3A_1378 : vector<16xi32>
    %jit3A_1424 = arith.constant -1.000000e+30 : f32
    %broadcast_in_dim3A_1425 = vector.broadcast %jit3A_1424 : f32 to vector<16xf32>
    %select_n3A_1426 = arith.select %eq3A_1423, %broadcast_in_dim3A_1425, %select_n3A_447 : vector<16xi1>, vector<16xf32>
    %eq3A_1427 = arith.cmpi eq, %add3A_520, %neg3A_1378 : vector<16xi32>
    %jit3A_1428 = arith.constant -1.000000e+30 : f32
    %broadcast_in_dim3A_1429 = vector.broadcast %jit3A_1428 : f32 to vector<16xf32>
    %select_n3A_1430 = arith.select %eq3A_1427, %broadcast_in_dim3A_1429, %select_n3A_486 : vector<16xi1>, vector<16xf32>
    %eq3A_1431 = arith.cmpi eq, %add3A_559, %neg3A_1378 : vector<16xi32>
    %jit3A_1432 = arith.constant -1.000000e+30 : f32
    %broadcast_in_dim3A_1433 = vector.broadcast %jit3A_1432 : f32 to vector<16xf32>
    %select_n3A_1434 = arith.select %eq3A_1431, %broadcast_in_dim3A_1433, %select_n3A_525 : vector<16xi1>, vector<16xf32>
    %eq3A_1435 = arith.cmpi eq, %add3A_598, %neg3A_1378 : vector<16xi32>
    %jit3A_1436 = arith.constant -1.000000e+30 : f32
    %broadcast_in_dim3A_1437 = vector.broadcast %jit3A_1436 : f32 to vector<16xf32>
    %select_n3A_1438 = arith.select %eq3A_1435, %broadcast_in_dim3A_1437, %select_n3A_564 : vector<16xi1>, vector<16xf32>
    %eq3A_1439 = arith.cmpi eq, %add3A_637, %neg3A_1378 : vector<16xi32>
    %jit3A_1440 = arith.constant -1.000000e+30 : f32
    %broadcast_in_dim3A_1441 = vector.broadcast %jit3A_1440 : f32 to vector<16xf32>
    %select_n3A_1442 = arith.select %eq3A_1439, %broadcast_in_dim3A_1441, %select_n3A_603 : vector<16xi1>, vector<16xf32>
    %eq3A_1443 = arith.cmpi eq, %add3A_676, %neg3A_1378 : vector<16xi32>
    %jit3A_1444 = arith.constant -1.000000e+30 : f32
    %broadcast_in_dim3A_1445 = vector.broadcast %jit3A_1444 : f32 to vector<16xf32>
    %select_n3A_1446 = arith.select %eq3A_1443, %broadcast_in_dim3A_1445, %select_n3A_642 : vector<16xi1>, vector<16xf32>
    %eq3A_1447 = arith.cmpi eq, %add3A_715, %neg3A_1378 : vector<16xi32>
    %jit3A_1448 = arith.constant -1.000000e+30 : f32
    %broadcast_in_dim3A_1449 = vector.broadcast %jit3A_1448 : f32 to vector<16xf32>
    %select_n3A_1450 = arith.select %eq3A_1447, %broadcast_in_dim3A_1449, %select_n3A_681 : vector<16xi1>, vector<16xf32>
    %eq3A_1451 = arith.cmpi eq, %add3A_754, %neg3A_1378 : vector<16xi32>
    %jit3A_1452 = arith.constant -1.000000e+30 : f32
    %broadcast_in_dim3A_1453 = vector.broadcast %jit3A_1452 : f32 to vector<16xf32>
    %select_n3A_1454 = arith.select %eq3A_1451, %broadcast_in_dim3A_1453, %select_n3A_720 : vector<16xi1>, vector<16xf32>
    %eq3A_1455 = arith.cmpi eq, %add3A_793, %neg3A_1378 : vector<16xi32>
    %jit3A_1456 = arith.constant -1.000000e+30 : f32
    %broadcast_in_dim3A_1457 = vector.broadcast %jit3A_1456 : f32 to vector<16xf32>
    %select_n3A_1458 = arith.select %eq3A_1455, %broadcast_in_dim3A_1457, %select_n3A_759 : vector<16xi1>, vector<16xf32>
    %eq3A_1459 = arith.cmpi eq, %add3A_832, %neg3A_1378 : vector<16xi32>
    %jit3A_1460 = arith.constant -1.000000e+30 : f32
    %broadcast_in_dim3A_1461 = vector.broadcast %jit3A_1460 : f32 to vector<16xf32>
    %select_n3A_1462 = arith.select %eq3A_1459, %broadcast_in_dim3A_1461, %select_n3A_798 : vector<16xi1>, vector<16xf32>
    %eq3A_1463 = arith.cmpi eq, %add3A_871, %neg3A_1378 : vector<16xi32>
    %jit3A_1464 = arith.constant -1.000000e+30 : f32
    %broadcast_in_dim3A_1465 = vector.broadcast %jit3A_1464 : f32 to vector<16xf32>
    %select_n3A_1466 = arith.select %eq3A_1463, %broadcast_in_dim3A_1465, %select_n3A_837 : vector<16xi1>, vector<16xf32>
    %eq3A_1467 = arith.cmpi eq, %add3A_910, %neg3A_1378 : vector<16xi32>
    %jit3A_1468 = arith.constant -1.000000e+30 : f32
    %broadcast_in_dim3A_1469 = vector.broadcast %jit3A_1468 : f32 to vector<16xf32>
    %select_n3A_1470 = arith.select %eq3A_1467, %broadcast_in_dim3A_1469, %select_n3A_876 : vector<16xi1>, vector<16xf32>
    %eq3A_1471 = arith.cmpi eq, %add3A_949, %neg3A_1378 : vector<16xi32>
    %jit3A_1472 = arith.constant -1.000000e+30 : f32
    %broadcast_in_dim3A_1473 = vector.broadcast %jit3A_1472 : f32 to vector<16xf32>
    %select_n3A_1474 = arith.select %eq3A_1471, %broadcast_in_dim3A_1473, %select_n3A_915 : vector<16xi1>, vector<16xf32>
    %eq3A_1475 = arith.cmpi eq, %add3A_988, %neg3A_1378 : vector<16xi32>
    %jit3A_1476 = arith.constant -1.000000e+30 : f32
    %broadcast_in_dim3A_1477 = vector.broadcast %jit3A_1476 : f32 to vector<16xf32>
    %select_n3A_1478 = arith.select %eq3A_1475, %broadcast_in_dim3A_1477, %select_n3A_954 : vector<16xi1>, vector<16xf32>
    %eq3A_1479 = arith.cmpi eq, %add3A_1027, %neg3A_1378 : vector<16xi32>
    %jit3A_1480 = arith.constant -1.000000e+30 : f32
    %broadcast_in_dim3A_1481 = vector.broadcast %jit3A_1480 : f32 to vector<16xf32>
    %select_n3A_1482 = arith.select %eq3A_1479, %broadcast_in_dim3A_1481, %select_n3A_993 : vector<16xi1>, vector<16xf32>
    %eq3A_1483 = arith.cmpi eq, %add3A_1066, %neg3A_1378 : vector<16xi32>
    %jit3A_1484 = arith.constant -1.000000e+30 : f32
    %broadcast_in_dim3A_1485 = vector.broadcast %jit3A_1484 : f32 to vector<16xf32>
    %select_n3A_1486 = arith.select %eq3A_1483, %broadcast_in_dim3A_1485, %select_n3A_1032 : vector<16xi1>, vector<16xf32>
    %eq3A_1487 = arith.cmpi eq, %add3A_1105, %neg3A_1378 : vector<16xi32>
    %jit3A_1488 = arith.constant -1.000000e+30 : f32
    %broadcast_in_dim3A_1489 = vector.broadcast %jit3A_1488 : f32 to vector<16xf32>
    %select_n3A_1490 = arith.select %eq3A_1487, %broadcast_in_dim3A_1489, %select_n3A_1071 : vector<16xi1>, vector<16xf32>
    %eq3A_1491 = arith.cmpi eq, %add3A_1144, %neg3A_1378 : vector<16xi32>
    %jit3A_1492 = arith.constant -1.000000e+30 : f32
    %broadcast_in_dim3A_1493 = vector.broadcast %jit3A_1492 : f32 to vector<16xf32>
    %select_n3A_1494 = arith.select %eq3A_1491, %broadcast_in_dim3A_1493, %select_n3A_1110 : vector<16xi1>, vector<16xf32>
    %eq3A_1495 = arith.cmpi eq, %add3A_1183, %neg3A_1378 : vector<16xi32>
    %jit3A_1496 = arith.constant -1.000000e+30 : f32
    %broadcast_in_dim3A_1497 = vector.broadcast %jit3A_1496 : f32 to vector<16xf32>
    %select_n3A_1498 = arith.select %eq3A_1495, %broadcast_in_dim3A_1497, %select_n3A_1149 : vector<16xi1>, vector<16xf32>
    %eq3A_1499 = arith.cmpi eq, %add3A_1222, %neg3A_1378 : vector<16xi32>
    %jit3A_1500 = arith.constant -1.000000e+30 : f32
    %broadcast_in_dim3A_1501 = vector.broadcast %jit3A_1500 : f32 to vector<16xf32>
    %select_n3A_1502 = arith.select %eq3A_1499, %broadcast_in_dim3A_1501, %select_n3A_1188 : vector<16xi1>, vector<16xf32>
    %eq3A_1503 = arith.cmpi eq, %add3A_1261, %neg3A_1378 : vector<16xi32>
    %jit3A_1504 = arith.constant -1.000000e+30 : f32
    %broadcast_in_dim3A_1505 = vector.broadcast %jit3A_1504 : f32 to vector<16xf32>
    %select_n3A_1506 = arith.select %eq3A_1503, %broadcast_in_dim3A_1505, %select_n3A_1227 : vector<16xi1>, vector<16xf32>
    %gt3A_1507 = arith.cmpf ogt, %select_n3A_1386, %select_n3A_1382 : vector<16xf32>
    %select_n3A_1508 = arith.select %gt3A_1507, %select_n3A_1386, %select_n3A_1382 : vector<16xi1>, vector<16xf32>
    %select_n3A_1509 = arith.select %gt3A_1507, %add3A_91, %add3A_52 : vector<16xi1>, vector<16xi32>
    %gt3A_1510 = arith.cmpf ogt, %select_n3A_1390, %select_n3A_1508 : vector<16xf32>
    %select_n3A_1511 = arith.select %gt3A_1510, %select_n3A_1390, %select_n3A_1508 : vector<16xi1>, vector<16xf32>
    %select_n3A_1512 = arith.select %gt3A_1510, %add3A_130, %select_n3A_1509 : vector<16xi1>, vector<16xi32>
    %gt3A_1513 = arith.cmpf ogt, %select_n3A_1394, %select_n3A_1511 : vector<16xf32>
    %select_n3A_1514 = arith.select %gt3A_1513, %select_n3A_1394, %select_n3A_1511 : vector<16xi1>, vector<16xf32>
    %select_n3A_1515 = arith.select %gt3A_1513, %add3A_169, %select_n3A_1512 : vector<16xi1>, vector<16xi32>
    %gt3A_1516 = arith.cmpf ogt, %select_n3A_1398, %select_n3A_1514 : vector<16xf32>
    %select_n3A_1517 = arith.select %gt3A_1516, %select_n3A_1398, %select_n3A_1514 : vector<16xi1>, vector<16xf32>
    %select_n3A_1518 = arith.select %gt3A_1516, %add3A_208, %select_n3A_1515 : vector<16xi1>, vector<16xi32>
    %gt3A_1519 = arith.cmpf ogt, %select_n3A_1402, %select_n3A_1517 : vector<16xf32>
    %select_n3A_1520 = arith.select %gt3A_1519, %select_n3A_1402, %select_n3A_1517 : vector<16xi1>, vector<16xf32>
    %select_n3A_1521 = arith.select %gt3A_1519, %add3A_247, %select_n3A_1518 : vector<16xi1>, vector<16xi32>
    %gt3A_1522 = arith.cmpf ogt, %select_n3A_1406, %select_n3A_1520 : vector<16xf32>
    %select_n3A_1523 = arith.select %gt3A_1522, %select_n3A_1406, %select_n3A_1520 : vector<16xi1>, vector<16xf32>
    %select_n3A_1524 = arith.select %gt3A_1522, %add3A_286, %select_n3A_1521 : vector<16xi1>, vector<16xi32>
    %gt3A_1525 = arith.cmpf ogt, %select_n3A_1410, %select_n3A_1523 : vector<16xf32>
    %select_n3A_1526 = arith.select %gt3A_1525, %select_n3A_1410, %select_n3A_1523 : vector<16xi1>, vector<16xf32>
    %select_n3A_1527 = arith.select %gt3A_1525, %add3A_325, %select_n3A_1524 : vector<16xi1>, vector<16xi32>
    %gt3A_1528 = arith.cmpf ogt, %select_n3A_1414, %select_n3A_1526 : vector<16xf32>
    %select_n3A_1529 = arith.select %gt3A_1528, %select_n3A_1414, %select_n3A_1526 : vector<16xi1>, vector<16xf32>
    %select_n3A_1530 = arith.select %gt3A_1528, %add3A_364, %select_n3A_1527 : vector<16xi1>, vector<16xi32>
    %gt3A_1531 = arith.cmpf ogt, %select_n3A_1418, %select_n3A_1529 : vector<16xf32>
    %select_n3A_1532 = arith.select %gt3A_1531, %select_n3A_1418, %select_n3A_1529 : vector<16xi1>, vector<16xf32>
    %select_n3A_1533 = arith.select %gt3A_1531, %add3A_403, %select_n3A_1530 : vector<16xi1>, vector<16xi32>
    %gt3A_1534 = arith.cmpf ogt, %select_n3A_1422, %select_n3A_1532 : vector<16xf32>
    %select_n3A_1535 = arith.select %gt3A_1534, %select_n3A_1422, %select_n3A_1532 : vector<16xi1>, vector<16xf32>
    %select_n3A_1536 = arith.select %gt3A_1534, %add3A_442, %select_n3A_1533 : vector<16xi1>, vector<16xi32>
    %gt3A_1537 = arith.cmpf ogt, %select_n3A_1426, %select_n3A_1535 : vector<16xf32>
    %select_n3A_1538 = arith.select %gt3A_1537, %select_n3A_1426, %select_n3A_1535 : vector<16xi1>, vector<16xf32>
    %select_n3A_1539 = arith.select %gt3A_1537, %add3A_481, %select_n3A_1536 : vector<16xi1>, vector<16xi32>
    %gt3A_1540 = arith.cmpf ogt, %select_n3A_1430, %select_n3A_1538 : vector<16xf32>
    %select_n3A_1541 = arith.select %gt3A_1540, %select_n3A_1430, %select_n3A_1538 : vector<16xi1>, vector<16xf32>
    %select_n3A_1542 = arith.select %gt3A_1540, %add3A_520, %select_n3A_1539 : vector<16xi1>, vector<16xi32>
    %gt3A_1543 = arith.cmpf ogt, %select_n3A_1434, %select_n3A_1541 : vector<16xf32>
    %select_n3A_1544 = arith.select %gt3A_1543, %select_n3A_1434, %select_n3A_1541 : vector<16xi1>, vector<16xf32>
    %select_n3A_1545 = arith.select %gt3A_1543, %add3A_559, %select_n3A_1542 : vector<16xi1>, vector<16xi32>
    %gt3A_1546 = arith.cmpf ogt, %select_n3A_1438, %select_n3A_1544 : vector<16xf32>
    %select_n3A_1547 = arith.select %gt3A_1546, %select_n3A_1438, %select_n3A_1544 : vector<16xi1>, vector<16xf32>
    %select_n3A_1548 = arith.select %gt3A_1546, %add3A_598, %select_n3A_1545 : vector<16xi1>, vector<16xi32>
    %gt3A_1549 = arith.cmpf ogt, %select_n3A_1442, %select_n3A_1547 : vector<16xf32>
    %select_n3A_1550 = arith.select %gt3A_1549, %select_n3A_1442, %select_n3A_1547 : vector<16xi1>, vector<16xf32>
    %select_n3A_1551 = arith.select %gt3A_1549, %add3A_637, %select_n3A_1548 : vector<16xi1>, vector<16xi32>
    %gt3A_1552 = arith.cmpf ogt, %select_n3A_1446, %select_n3A_1550 : vector<16xf32>
    %select_n3A_1553 = arith.select %gt3A_1552, %select_n3A_1446, %select_n3A_1550 : vector<16xi1>, vector<16xf32>
    %select_n3A_1554 = arith.select %gt3A_1552, %add3A_676, %select_n3A_1551 : vector<16xi1>, vector<16xi32>
    %gt3A_1555 = arith.cmpf ogt, %select_n3A_1450, %select_n3A_1553 : vector<16xf32>
    %select_n3A_1556 = arith.select %gt3A_1555, %select_n3A_1450, %select_n3A_1553 : vector<16xi1>, vector<16xf32>
    %select_n3A_1557 = arith.select %gt3A_1555, %add3A_715, %select_n3A_1554 : vector<16xi1>, vector<16xi32>
    %gt3A_1558 = arith.cmpf ogt, %select_n3A_1454, %select_n3A_1556 : vector<16xf32>
    %select_n3A_1559 = arith.select %gt3A_1558, %select_n3A_1454, %select_n3A_1556 : vector<16xi1>, vector<16xf32>
    %select_n3A_1560 = arith.select %gt3A_1558, %add3A_754, %select_n3A_1557 : vector<16xi1>, vector<16xi32>
    %gt3A_1561 = arith.cmpf ogt, %select_n3A_1458, %select_n3A_1559 : vector<16xf32>
    %select_n3A_1562 = arith.select %gt3A_1561, %select_n3A_1458, %select_n3A_1559 : vector<16xi1>, vector<16xf32>
    %select_n3A_1563 = arith.select %gt3A_1561, %add3A_793, %select_n3A_1560 : vector<16xi1>, vector<16xi32>
    %gt3A_1564 = arith.cmpf ogt, %select_n3A_1462, %select_n3A_1562 : vector<16xf32>
    %select_n3A_1565 = arith.select %gt3A_1564, %select_n3A_1462, %select_n3A_1562 : vector<16xi1>, vector<16xf32>
    %select_n3A_1566 = arith.select %gt3A_1564, %add3A_832, %select_n3A_1563 : vector<16xi1>, vector<16xi32>
    %gt3A_1567 = arith.cmpf ogt, %select_n3A_1466, %select_n3A_1565 : vector<16xf32>
    %select_n3A_1568 = arith.select %gt3A_1567, %select_n3A_1466, %select_n3A_1565 : vector<16xi1>, vector<16xf32>
    %select_n3A_1569 = arith.select %gt3A_1567, %add3A_871, %select_n3A_1566 : vector<16xi1>, vector<16xi32>
    %gt3A_1570 = arith.cmpf ogt, %select_n3A_1470, %select_n3A_1568 : vector<16xf32>
    %select_n3A_1571 = arith.select %gt3A_1570, %select_n3A_1470, %select_n3A_1568 : vector<16xi1>, vector<16xf32>
    %select_n3A_1572 = arith.select %gt3A_1570, %add3A_910, %select_n3A_1569 : vector<16xi1>, vector<16xi32>
    %gt3A_1573 = arith.cmpf ogt, %select_n3A_1474, %select_n3A_1571 : vector<16xf32>
    %select_n3A_1574 = arith.select %gt3A_1573, %select_n3A_1474, %select_n3A_1571 : vector<16xi1>, vector<16xf32>
    %select_n3A_1575 = arith.select %gt3A_1573, %add3A_949, %select_n3A_1572 : vector<16xi1>, vector<16xi32>
    %gt3A_1576 = arith.cmpf ogt, %select_n3A_1478, %select_n3A_1574 : vector<16xf32>
    %select_n3A_1577 = arith.select %gt3A_1576, %select_n3A_1478, %select_n3A_1574 : vector<16xi1>, vector<16xf32>
    %select_n3A_1578 = arith.select %gt3A_1576, %add3A_988, %select_n3A_1575 : vector<16xi1>, vector<16xi32>
    %gt3A_1579 = arith.cmpf ogt, %select_n3A_1482, %select_n3A_1577 : vector<16xf32>
    %select_n3A_1580 = arith.select %gt3A_1579, %select_n3A_1482, %select_n3A_1577 : vector<16xi1>, vector<16xf32>
    %select_n3A_1581 = arith.select %gt3A_1579, %add3A_1027, %select_n3A_1578 : vector<16xi1>, vector<16xi32>
    %gt3A_1582 = arith.cmpf ogt, %select_n3A_1486, %select_n3A_1580 : vector<16xf32>
    %select_n3A_1583 = arith.select %gt3A_1582, %select_n3A_1486, %select_n3A_1580 : vector<16xi1>, vector<16xf32>
    %select_n3A_1584 = arith.select %gt3A_1582, %add3A_1066, %select_n3A_1581 : vector<16xi1>, vector<16xi32>
    %gt3A_1585 = arith.cmpf ogt, %select_n3A_1490, %select_n3A_1583 : vector<16xf32>
    %select_n3A_1586 = arith.select %gt3A_1585, %select_n3A_1490, %select_n3A_1583 : vector<16xi1>, vector<16xf32>
    %select_n3A_1587 = arith.select %gt3A_1585, %add3A_1105, %select_n3A_1584 : vector<16xi1>, vector<16xi32>
    %gt3A_1588 = arith.cmpf ogt, %select_n3A_1494, %select_n3A_1586 : vector<16xf32>
    %select_n3A_1589 = arith.select %gt3A_1588, %select_n3A_1494, %select_n3A_1586 : vector<16xi1>, vector<16xf32>
    %select_n3A_1590 = arith.select %gt3A_1588, %add3A_1144, %select_n3A_1587 : vector<16xi1>, vector<16xi32>
    %gt3A_1591 = arith.cmpf ogt, %select_n3A_1498, %select_n3A_1589 : vector<16xf32>
    %select_n3A_1592 = arith.select %gt3A_1591, %select_n3A_1498, %select_n3A_1589 : vector<16xi1>, vector<16xf32>
    %select_n3A_1593 = arith.select %gt3A_1591, %add3A_1183, %select_n3A_1590 : vector<16xi1>, vector<16xi32>
    %gt3A_1594 = arith.cmpf ogt, %select_n3A_1502, %select_n3A_1592 : vector<16xf32>
    %select_n3A_1595 = arith.select %gt3A_1594, %select_n3A_1502, %select_n3A_1592 : vector<16xi1>, vector<16xf32>
    %select_n3A_1596 = arith.select %gt3A_1594, %add3A_1222, %select_n3A_1593 : vector<16xi1>, vector<16xi32>
    %gt3A_1597 = arith.cmpf ogt, %select_n3A_1506, %select_n3A_1595 : vector<16xf32>
    %select_n3A_1598 = arith.select %gt3A_1597, %select_n3A_1506, %select_n3A_1595 : vector<16xi1>, vector<16xf32>
    %select_n3A_1599 = arith.select %gt3A_1597, %add3A_1261, %select_n3A_1596 : vector<16xi1>, vector<16xi32>
    %broadcast_in_dim3A_1600 = arith.constant true
    %broadcast_in_dim3A_1601 = vector.broadcast %broadcast_in_dim3A_1600 : i1 to vector<16xi1>
    %masked_cummax3A_1602 = tpu.scan <max>, %select_n3A_1598 masked %broadcast_in_dim3A_1601 : vector<16xf32>, vector<16xi1> -> vector<16xf32>
    %broadcast_in_dim3A_1603 = arith.constant 15 : i32
    %broadcast_in_dim3A_1604 = vector.broadcast %broadcast_in_dim3A_1603 : i32 to vector<16x1xi32>
    %gather3A_1605 = vector.shape_cast %broadcast_in_dim3A_1604 : vector<16x1xi32> to vector<16xi32>
    %gather3A_1606 = tpu.dynamic_gather %masked_cummax3A_1602[%gather3A_1605] in [0] : vector<16xf32>, vector<16xi32> -> vector<16xf32>
    %eq3A_1607 = arith.cmpf oeq, %select_n3A_1598, %gather3A_1606 : vector<16xf32>
    %jit3A_1608 = arith.constant 4096 : i32
    %broadcast_in_dim3A_1609 = vector.broadcast %jit3A_1608 : i32 to vector<16xi32>
    %select_n3A_1610 = arith.select %eq3A_1607, %select_n3A_1599, %broadcast_in_dim3A_1609 : vector<16xi1>, vector<16xi32>
    %neg3A_1611 = arith.constant 0 : i32
    %neg3A_1612 = vector.broadcast %neg3A_1611 : i32 to vector<16xi32>
    %neg3A_1613 = arith.subi %neg3A_1612, %select_n3A_1610 : vector<16xi32>
    %broadcast_in_dim3A_1614 = arith.constant true
    %broadcast_in_dim3A_1615 = vector.broadcast %broadcast_in_dim3A_1614 : i1 to vector<16xi1>
    %masked_cummax3A_1616 = arith.constant -2147483648 : i32
    %masked_cummax3A_1617 = vector.broadcast %masked_cummax3A_1616 : i32 to vector<16xi32>
    %masked_cummax3A_1618 = arith.xori %neg3A_1613, %masked_cummax3A_1617 : vector<16xi32>
    %masked_cummax3A_1619 = tpu.scan <max>, %masked_cummax3A_1618 masked %broadcast_in_dim3A_1615 : vector<16xi32>, vector<16xi1> -> vector<16xi32>
    %masked_cummax3A_1620 = arith.xori %masked_cummax3A_1619, %masked_cummax3A_1617 : vector<16xi32>
    %broadcast_in_dim3A_1621 = arith.constant 15 : i32
    %broadcast_in_dim3A_1622 = vector.broadcast %broadcast_in_dim3A_1621 : i32 to vector<16x1xi32>
    %gather3A_1623 = vector.shape_cast %broadcast_in_dim3A_1622 : vector<16x1xi32> to vector<16xi32>
    %gather3A_1624 = tpu.dynamic_gather %masked_cummax3A_1620[%gather3A_1623] in [0] : vector<16xi32>, vector<16xi32> -> vector<16xi32>
    %neg3A_1625 = arith.constant 0 : i32
    %neg3A_1626 = vector.broadcast %neg3A_1625 : i32 to vector<16xi32>
    %neg3A_1627 = arith.subi %neg3A_1626, %gather3A_1624 : vector<16xi32>
    %eq3A_1628 = arith.cmpi eq, %add3A_52, %neg3A_1627 : vector<16xi32>
    %jit3A_1629 = arith.constant -1.000000e+30 : f32
    %broadcast_in_dim3A_1630 = vector.broadcast %jit3A_1629 : f32 to vector<16xf32>
    %select_n3A_1631 = arith.select %eq3A_1628, %broadcast_in_dim3A_1630, %select_n3A_1382 : vector<16xi1>, vector<16xf32>
    %eq3A_1632 = arith.cmpi eq, %add3A_91, %neg3A_1627 : vector<16xi32>
    %jit3A_1633 = arith.constant -1.000000e+30 : f32
    %broadcast_in_dim3A_1634 = vector.broadcast %jit3A_1633 : f32 to vector<16xf32>
    %select_n3A_1635 = arith.select %eq3A_1632, %broadcast_in_dim3A_1634, %select_n3A_1386 : vector<16xi1>, vector<16xf32>
    %eq3A_1636 = arith.cmpi eq, %add3A_130, %neg3A_1627 : vector<16xi32>
    %jit3A_1637 = arith.constant -1.000000e+30 : f32
    %broadcast_in_dim3A_1638 = vector.broadcast %jit3A_1637 : f32 to vector<16xf32>
    %select_n3A_1639 = arith.select %eq3A_1636, %broadcast_in_dim3A_1638, %select_n3A_1390 : vector<16xi1>, vector<16xf32>
    %eq3A_1640 = arith.cmpi eq, %add3A_169, %neg3A_1627 : vector<16xi32>
    %jit3A_1641 = arith.constant -1.000000e+30 : f32
    %broadcast_in_dim3A_1642 = vector.broadcast %jit3A_1641 : f32 to vector<16xf32>
    %select_n3A_1643 = arith.select %eq3A_1640, %broadcast_in_dim3A_1642, %select_n3A_1394 : vector<16xi1>, vector<16xf32>
    %eq3A_1644 = arith.cmpi eq, %add3A_208, %neg3A_1627 : vector<16xi32>
    %jit3A_1645 = arith.constant -1.000000e+30 : f32
    %broadcast_in_dim3A_1646 = vector.broadcast %jit3A_1645 : f32 to vector<16xf32>
    %select_n3A_1647 = arith.select %eq3A_1644, %broadcast_in_dim3A_1646, %select_n3A_1398 : vector<16xi1>, vector<16xf32>
    %eq3A_1648 = arith.cmpi eq, %add3A_247, %neg3A_1627 : vector<16xi32>
    %jit3A_1649 = arith.constant -1.000000e+30 : f32
    %broadcast_in_dim3A_1650 = vector.broadcast %jit3A_1649 : f32 to vector<16xf32>
    %select_n3A_1651 = arith.select %eq3A_1648, %broadcast_in_dim3A_1650, %select_n3A_1402 : vector<16xi1>, vector<16xf32>
    %eq3A_1652 = arith.cmpi eq, %add3A_286, %neg3A_1627 : vector<16xi32>
    %jit3A_1653 = arith.constant -1.000000e+30 : f32
    %broadcast_in_dim3A_1654 = vector.broadcast %jit3A_1653 : f32 to vector<16xf32>
    %select_n3A_1655 = arith.select %eq3A_1652, %broadcast_in_dim3A_1654, %select_n3A_1406 : vector<16xi1>, vector<16xf32>
    %eq3A_1656 = arith.cmpi eq, %add3A_325, %neg3A_1627 : vector<16xi32>
    %jit3A_1657 = arith.constant -1.000000e+30 : f32
    %broadcast_in_dim3A_1658 = vector.broadcast %jit3A_1657 : f32 to vector<16xf32>
    %select_n3A_1659 = arith.select %eq3A_1656, %broadcast_in_dim3A_1658, %select_n3A_1410 : vector<16xi1>, vector<16xf32>
    %eq3A_1660 = arith.cmpi eq, %add3A_364, %neg3A_1627 : vector<16xi32>
    %jit3A_1661 = arith.constant -1.000000e+30 : f32
    %broadcast_in_dim3A_1662 = vector.broadcast %jit3A_1661 : f32 to vector<16xf32>
    %select_n3A_1663 = arith.select %eq3A_1660, %broadcast_in_dim3A_1662, %select_n3A_1414 : vector<16xi1>, vector<16xf32>
    %eq3A_1664 = arith.cmpi eq, %add3A_403, %neg3A_1627 : vector<16xi32>
    %jit3A_1665 = arith.constant -1.000000e+30 : f32
    %broadcast_in_dim3A_1666 = vector.broadcast %jit3A_1665 : f32 to vector<16xf32>
    %select_n3A_1667 = arith.select %eq3A_1664, %broadcast_in_dim3A_1666, %select_n3A_1418 : vector<16xi1>, vector<16xf32>
    %eq3A_1668 = arith.cmpi eq, %add3A_442, %neg3A_1627 : vector<16xi32>
    %jit3A_1669 = arith.constant -1.000000e+30 : f32
    %broadcast_in_dim3A_1670 = vector.broadcast %jit3A_1669 : f32 to vector<16xf32>
    %select_n3A_1671 = arith.select %eq3A_1668, %broadcast_in_dim3A_1670, %select_n3A_1422 : vector<16xi1>, vector<16xf32>
    %eq3A_1672 = arith.cmpi eq, %add3A_481, %neg3A_1627 : vector<16xi32>
    %jit3A_1673 = arith.constant -1.000000e+30 : f32
    %broadcast_in_dim3A_1674 = vector.broadcast %jit3A_1673 : f32 to vector<16xf32>
    %select_n3A_1675 = arith.select %eq3A_1672, %broadcast_in_dim3A_1674, %select_n3A_1426 : vector<16xi1>, vector<16xf32>
    %eq3A_1676 = arith.cmpi eq, %add3A_520, %neg3A_1627 : vector<16xi32>
    %jit3A_1677 = arith.constant -1.000000e+30 : f32
    %broadcast_in_dim3A_1678 = vector.broadcast %jit3A_1677 : f32 to vector<16xf32>
    %select_n3A_1679 = arith.select %eq3A_1676, %broadcast_in_dim3A_1678, %select_n3A_1430 : vector<16xi1>, vector<16xf32>
    %eq3A_1680 = arith.cmpi eq, %add3A_559, %neg3A_1627 : vector<16xi32>
    %jit3A_1681 = arith.constant -1.000000e+30 : f32
    %broadcast_in_dim3A_1682 = vector.broadcast %jit3A_1681 : f32 to vector<16xf32>
    %select_n3A_1683 = arith.select %eq3A_1680, %broadcast_in_dim3A_1682, %select_n3A_1434 : vector<16xi1>, vector<16xf32>
    %eq3A_1684 = arith.cmpi eq, %add3A_598, %neg3A_1627 : vector<16xi32>
    %jit3A_1685 = arith.constant -1.000000e+30 : f32
    %broadcast_in_dim3A_1686 = vector.broadcast %jit3A_1685 : f32 to vector<16xf32>
    %select_n3A_1687 = arith.select %eq3A_1684, %broadcast_in_dim3A_1686, %select_n3A_1438 : vector<16xi1>, vector<16xf32>
    %eq3A_1688 = arith.cmpi eq, %add3A_637, %neg3A_1627 : vector<16xi32>
    %jit3A_1689 = arith.constant -1.000000e+30 : f32
    %broadcast_in_dim3A_1690 = vector.broadcast %jit3A_1689 : f32 to vector<16xf32>
    %select_n3A_1691 = arith.select %eq3A_1688, %broadcast_in_dim3A_1690, %select_n3A_1442 : vector<16xi1>, vector<16xf32>
    %eq3A_1692 = arith.cmpi eq, %add3A_676, %neg3A_1627 : vector<16xi32>
    %jit3A_1693 = arith.constant -1.000000e+30 : f32
    %broadcast_in_dim3A_1694 = vector.broadcast %jit3A_1693 : f32 to vector<16xf32>
    %select_n3A_1695 = arith.select %eq3A_1692, %broadcast_in_dim3A_1694, %select_n3A_1446 : vector<16xi1>, vector<16xf32>
    %eq3A_1696 = arith.cmpi eq, %add3A_715, %neg3A_1627 : vector<16xi32>
    %jit3A_1697 = arith.constant -1.000000e+30 : f32
    %broadcast_in_dim3A_1698 = vector.broadcast %jit3A_1697 : f32 to vector<16xf32>
    %select_n3A_1699 = arith.select %eq3A_1696, %broadcast_in_dim3A_1698, %select_n3A_1450 : vector<16xi1>, vector<16xf32>
    %eq3A_1700 = arith.cmpi eq, %add3A_754, %neg3A_1627 : vector<16xi32>
    %jit3A_1701 = arith.constant -1.000000e+30 : f32
    %broadcast_in_dim3A_1702 = vector.broadcast %jit3A_1701 : f32 to vector<16xf32>
    %select_n3A_1703 = arith.select %eq3A_1700, %broadcast_in_dim3A_1702, %select_n3A_1454 : vector<16xi1>, vector<16xf32>
    %eq3A_1704 = arith.cmpi eq, %add3A_793, %neg3A_1627 : vector<16xi32>
    %jit3A_1705 = arith.constant -1.000000e+30 : f32
    %broadcast_in_dim3A_1706 = vector.broadcast %jit3A_1705 : f32 to vector<16xf32>
    %select_n3A_1707 = arith.select %eq3A_1704, %broadcast_in_dim3A_1706, %select_n3A_1458 : vector<16xi1>, vector<16xf32>
    %eq3A_1708 = arith.cmpi eq, %add3A_832, %neg3A_1627 : vector<16xi32>
    %jit3A_1709 = arith.constant -1.000000e+30 : f32
    %broadcast_in_dim3A_1710 = vector.broadcast %jit3A_1709 : f32 to vector<16xf32>
    %select_n3A_1711 = arith.select %eq3A_1708, %broadcast_in_dim3A_1710, %select_n3A_1462 : vector<16xi1>, vector<16xf32>
    %eq3A_1712 = arith.cmpi eq, %add3A_871, %neg3A_1627 : vector<16xi32>
    %jit3A_1713 = arith.constant -1.000000e+30 : f32
    %broadcast_in_dim3A_1714 = vector.broadcast %jit3A_1713 : f32 to vector<16xf32>
    %select_n3A_1715 = arith.select %eq3A_1712, %broadcast_in_dim3A_1714, %select_n3A_1466 : vector<16xi1>, vector<16xf32>
    %eq3A_1716 = arith.cmpi eq, %add3A_910, %neg3A_1627 : vector<16xi32>
    %jit3A_1717 = arith.constant -1.000000e+30 : f32
    %broadcast_in_dim3A_1718 = vector.broadcast %jit3A_1717 : f32 to vector<16xf32>
    %select_n3A_1719 = arith.select %eq3A_1716, %broadcast_in_dim3A_1718, %select_n3A_1470 : vector<16xi1>, vector<16xf32>
    %eq3A_1720 = arith.cmpi eq, %add3A_949, %neg3A_1627 : vector<16xi32>
    %jit3A_1721 = arith.constant -1.000000e+30 : f32
    %broadcast_in_dim3A_1722 = vector.broadcast %jit3A_1721 : f32 to vector<16xf32>
    %select_n3A_1723 = arith.select %eq3A_1720, %broadcast_in_dim3A_1722, %select_n3A_1474 : vector<16xi1>, vector<16xf32>
    %eq3A_1724 = arith.cmpi eq, %add3A_988, %neg3A_1627 : vector<16xi32>
    %jit3A_1725 = arith.constant -1.000000e+30 : f32
    %broadcast_in_dim3A_1726 = vector.broadcast %jit3A_1725 : f32 to vector<16xf32>
    %select_n3A_1727 = arith.select %eq3A_1724, %broadcast_in_dim3A_1726, %select_n3A_1478 : vector<16xi1>, vector<16xf32>
    %eq3A_1728 = arith.cmpi eq, %add3A_1027, %neg3A_1627 : vector<16xi32>
    %jit3A_1729 = arith.constant -1.000000e+30 : f32
    %broadcast_in_dim3A_1730 = vector.broadcast %jit3A_1729 : f32 to vector<16xf32>
    %select_n3A_1731 = arith.select %eq3A_1728, %broadcast_in_dim3A_1730, %select_n3A_1482 : vector<16xi1>, vector<16xf32>
    %eq3A_1732 = arith.cmpi eq, %add3A_1066, %neg3A_1627 : vector<16xi32>
    %jit3A_1733 = arith.constant -1.000000e+30 : f32
    %broadcast_in_dim3A_1734 = vector.broadcast %jit3A_1733 : f32 to vector<16xf32>
    %select_n3A_1735 = arith.select %eq3A_1732, %broadcast_in_dim3A_1734, %select_n3A_1486 : vector<16xi1>, vector<16xf32>
    %eq3A_1736 = arith.cmpi eq, %add3A_1105, %neg3A_1627 : vector<16xi32>
    %jit3A_1737 = arith.constant -1.000000e+30 : f32
    %broadcast_in_dim3A_1738 = vector.broadcast %jit3A_1737 : f32 to vector<16xf32>
    %select_n3A_1739 = arith.select %eq3A_1736, %broadcast_in_dim3A_1738, %select_n3A_1490 : vector<16xi1>, vector<16xf32>
    %eq3A_1740 = arith.cmpi eq, %add3A_1144, %neg3A_1627 : vector<16xi32>
    %jit3A_1741 = arith.constant -1.000000e+30 : f32
    %broadcast_in_dim3A_1742 = vector.broadcast %jit3A_1741 : f32 to vector<16xf32>
    %select_n3A_1743 = arith.select %eq3A_1740, %broadcast_in_dim3A_1742, %select_n3A_1494 : vector<16xi1>, vector<16xf32>
    %eq3A_1744 = arith.cmpi eq, %add3A_1183, %neg3A_1627 : vector<16xi32>
    %jit3A_1745 = arith.constant -1.000000e+30 : f32
    %broadcast_in_dim3A_1746 = vector.broadcast %jit3A_1745 : f32 to vector<16xf32>
    %select_n3A_1747 = arith.select %eq3A_1744, %broadcast_in_dim3A_1746, %select_n3A_1498 : vector<16xi1>, vector<16xf32>
    %eq3A_1748 = arith.cmpi eq, %add3A_1222, %neg3A_1627 : vector<16xi32>
    %jit3A_1749 = arith.constant -1.000000e+30 : f32
    %broadcast_in_dim3A_1750 = vector.broadcast %jit3A_1749 : f32 to vector<16xf32>
    %select_n3A_1751 = arith.select %eq3A_1748, %broadcast_in_dim3A_1750, %select_n3A_1502 : vector<16xi1>, vector<16xf32>
    %eq3A_1752 = arith.cmpi eq, %add3A_1261, %neg3A_1627 : vector<16xi32>
    %jit3A_1753 = arith.constant -1.000000e+30 : f32
    %broadcast_in_dim3A_1754 = vector.broadcast %jit3A_1753 : f32 to vector<16xf32>
    %select_n3A_1755 = arith.select %eq3A_1752, %broadcast_in_dim3A_1754, %select_n3A_1506 : vector<16xi1>, vector<16xf32>
    %gt3A_1756 = arith.cmpf ogt, %select_n3A_1635, %select_n3A_1631 : vector<16xf32>
    %select_n3A_1757 = arith.select %gt3A_1756, %select_n3A_1635, %select_n3A_1631 : vector<16xi1>, vector<16xf32>
    %select_n3A_1758 = arith.select %gt3A_1756, %add3A_91, %add3A_52 : vector<16xi1>, vector<16xi32>
    %gt3A_1759 = arith.cmpf ogt, %select_n3A_1639, %select_n3A_1757 : vector<16xf32>
    %select_n3A_1760 = arith.select %gt3A_1759, %select_n3A_1639, %select_n3A_1757 : vector<16xi1>, vector<16xf32>
    %select_n3A_1761 = arith.select %gt3A_1759, %add3A_130, %select_n3A_1758 : vector<16xi1>, vector<16xi32>
    %gt3A_1762 = arith.cmpf ogt, %select_n3A_1643, %select_n3A_1760 : vector<16xf32>
    %select_n3A_1763 = arith.select %gt3A_1762, %select_n3A_1643, %select_n3A_1760 : vector<16xi1>, vector<16xf32>
    %select_n3A_1764 = arith.select %gt3A_1762, %add3A_169, %select_n3A_1761 : vector<16xi1>, vector<16xi32>
    %gt3A_1765 = arith.cmpf ogt, %select_n3A_1647, %select_n3A_1763 : vector<16xf32>
    %select_n3A_1766 = arith.select %gt3A_1765, %select_n3A_1647, %select_n3A_1763 : vector<16xi1>, vector<16xf32>
    %select_n3A_1767 = arith.select %gt3A_1765, %add3A_208, %select_n3A_1764 : vector<16xi1>, vector<16xi32>
    %gt3A_1768 = arith.cmpf ogt, %select_n3A_1651, %select_n3A_1766 : vector<16xf32>
    %select_n3A_1769 = arith.select %gt3A_1768, %select_n3A_1651, %select_n3A_1766 : vector<16xi1>, vector<16xf32>
    %select_n3A_1770 = arith.select %gt3A_1768, %add3A_247, %select_n3A_1767 : vector<16xi1>, vector<16xi32>
    %gt3A_1771 = arith.cmpf ogt, %select_n3A_1655, %select_n3A_1769 : vector<16xf32>
    %select_n3A_1772 = arith.select %gt3A_1771, %select_n3A_1655, %select_n3A_1769 : vector<16xi1>, vector<16xf32>
    %select_n3A_1773 = arith.select %gt3A_1771, %add3A_286, %select_n3A_1770 : vector<16xi1>, vector<16xi32>
    %gt3A_1774 = arith.cmpf ogt, %select_n3A_1659, %select_n3A_1772 : vector<16xf32>
    %select_n3A_1775 = arith.select %gt3A_1774, %select_n3A_1659, %select_n3A_1772 : vector<16xi1>, vector<16xf32>
    %select_n3A_1776 = arith.select %gt3A_1774, %add3A_325, %select_n3A_1773 : vector<16xi1>, vector<16xi32>
    %gt3A_1777 = arith.cmpf ogt, %select_n3A_1663, %select_n3A_1775 : vector<16xf32>
    %select_n3A_1778 = arith.select %gt3A_1777, %select_n3A_1663, %select_n3A_1775 : vector<16xi1>, vector<16xf32>
    %select_n3A_1779 = arith.select %gt3A_1777, %add3A_364, %select_n3A_1776 : vector<16xi1>, vector<16xi32>
    %gt3A_1780 = arith.cmpf ogt, %select_n3A_1667, %select_n3A_1778 : vector<16xf32>
    %select_n3A_1781 = arith.select %gt3A_1780, %select_n3A_1667, %select_n3A_1778 : vector<16xi1>, vector<16xf32>
    %select_n3A_1782 = arith.select %gt3A_1780, %add3A_403, %select_n3A_1779 : vector<16xi1>, vector<16xi32>
    %gt3A_1783 = arith.cmpf ogt, %select_n3A_1671, %select_n3A_1781 : vector<16xf32>
    %select_n3A_1784 = arith.select %gt3A_1783, %select_n3A_1671, %select_n3A_1781 : vector<16xi1>, vector<16xf32>
    %select_n3A_1785 = arith.select %gt3A_1783, %add3A_442, %select_n3A_1782 : vector<16xi1>, vector<16xi32>
    %gt3A_1786 = arith.cmpf ogt, %select_n3A_1675, %select_n3A_1784 : vector<16xf32>
    %select_n3A_1787 = arith.select %gt3A_1786, %select_n3A_1675, %select_n3A_1784 : vector<16xi1>, vector<16xf32>
    %select_n3A_1788 = arith.select %gt3A_1786, %add3A_481, %select_n3A_1785 : vector<16xi1>, vector<16xi32>
    %gt3A_1789 = arith.cmpf ogt, %select_n3A_1679, %select_n3A_1787 : vector<16xf32>
    %select_n3A_1790 = arith.select %gt3A_1789, %select_n3A_1679, %select_n3A_1787 : vector<16xi1>, vector<16xf32>
    %select_n3A_1791 = arith.select %gt3A_1789, %add3A_520, %select_n3A_1788 : vector<16xi1>, vector<16xi32>
    %gt3A_1792 = arith.cmpf ogt, %select_n3A_1683, %select_n3A_1790 : vector<16xf32>
    %select_n3A_1793 = arith.select %gt3A_1792, %select_n3A_1683, %select_n3A_1790 : vector<16xi1>, vector<16xf32>
    %select_n3A_1794 = arith.select %gt3A_1792, %add3A_559, %select_n3A_1791 : vector<16xi1>, vector<16xi32>
    %gt3A_1795 = arith.cmpf ogt, %select_n3A_1687, %select_n3A_1793 : vector<16xf32>
    %select_n3A_1796 = arith.select %gt3A_1795, %select_n3A_1687, %select_n3A_1793 : vector<16xi1>, vector<16xf32>
    %select_n3A_1797 = arith.select %gt3A_1795, %add3A_598, %select_n3A_1794 : vector<16xi1>, vector<16xi32>
    %gt3A_1798 = arith.cmpf ogt, %select_n3A_1691, %select_n3A_1796 : vector<16xf32>
    %select_n3A_1799 = arith.select %gt3A_1798, %select_n3A_1691, %select_n3A_1796 : vector<16xi1>, vector<16xf32>
    %select_n3A_1800 = arith.select %gt3A_1798, %add3A_637, %select_n3A_1797 : vector<16xi1>, vector<16xi32>
    %gt3A_1801 = arith.cmpf ogt, %select_n3A_1695, %select_n3A_1799 : vector<16xf32>
    %select_n3A_1802 = arith.select %gt3A_1801, %select_n3A_1695, %select_n3A_1799 : vector<16xi1>, vector<16xf32>
    %select_n3A_1803 = arith.select %gt3A_1801, %add3A_676, %select_n3A_1800 : vector<16xi1>, vector<16xi32>
    %gt3A_1804 = arith.cmpf ogt, %select_n3A_1699, %select_n3A_1802 : vector<16xf32>
    %select_n3A_1805 = arith.select %gt3A_1804, %select_n3A_1699, %select_n3A_1802 : vector<16xi1>, vector<16xf32>
    %select_n3A_1806 = arith.select %gt3A_1804, %add3A_715, %select_n3A_1803 : vector<16xi1>, vector<16xi32>
    %gt3A_1807 = arith.cmpf ogt, %select_n3A_1703, %select_n3A_1805 : vector<16xf32>
    %select_n3A_1808 = arith.select %gt3A_1807, %select_n3A_1703, %select_n3A_1805 : vector<16xi1>, vector<16xf32>
    %select_n3A_1809 = arith.select %gt3A_1807, %add3A_754, %select_n3A_1806 : vector<16xi1>, vector<16xi32>
    %gt3A_1810 = arith.cmpf ogt, %select_n3A_1707, %select_n3A_1808 : vector<16xf32>
    %select_n3A_1811 = arith.select %gt3A_1810, %select_n3A_1707, %select_n3A_1808 : vector<16xi1>, vector<16xf32>
    %select_n3A_1812 = arith.select %gt3A_1810, %add3A_793, %select_n3A_1809 : vector<16xi1>, vector<16xi32>
    %gt3A_1813 = arith.cmpf ogt, %select_n3A_1711, %select_n3A_1811 : vector<16xf32>
    %select_n3A_1814 = arith.select %gt3A_1813, %select_n3A_1711, %select_n3A_1811 : vector<16xi1>, vector<16xf32>
    %select_n3A_1815 = arith.select %gt3A_1813, %add3A_832, %select_n3A_1812 : vector<16xi1>, vector<16xi32>
    %gt3A_1816 = arith.cmpf ogt, %select_n3A_1715, %select_n3A_1814 : vector<16xf32>
    %select_n3A_1817 = arith.select %gt3A_1816, %select_n3A_1715, %select_n3A_1814 : vector<16xi1>, vector<16xf32>
    %select_n3A_1818 = arith.select %gt3A_1816, %add3A_871, %select_n3A_1815 : vector<16xi1>, vector<16xi32>
    %gt3A_1819 = arith.cmpf ogt, %select_n3A_1719, %select_n3A_1817 : vector<16xf32>
    %select_n3A_1820 = arith.select %gt3A_1819, %select_n3A_1719, %select_n3A_1817 : vector<16xi1>, vector<16xf32>
    %select_n3A_1821 = arith.select %gt3A_1819, %add3A_910, %select_n3A_1818 : vector<16xi1>, vector<16xi32>
    %gt3A_1822 = arith.cmpf ogt, %select_n3A_1723, %select_n3A_1820 : vector<16xf32>
    %select_n3A_1823 = arith.select %gt3A_1822, %select_n3A_1723, %select_n3A_1820 : vector<16xi1>, vector<16xf32>
    %select_n3A_1824 = arith.select %gt3A_1822, %add3A_949, %select_n3A_1821 : vector<16xi1>, vector<16xi32>
    %gt3A_1825 = arith.cmpf ogt, %select_n3A_1727, %select_n3A_1823 : vector<16xf32>
    %select_n3A_1826 = arith.select %gt3A_1825, %select_n3A_1727, %select_n3A_1823 : vector<16xi1>, vector<16xf32>
    %select_n3A_1827 = arith.select %gt3A_1825, %add3A_988, %select_n3A_1824 : vector<16xi1>, vector<16xi32>
    %gt3A_1828 = arith.cmpf ogt, %select_n3A_1731, %select_n3A_1826 : vector<16xf32>
    %select_n3A_1829 = arith.select %gt3A_1828, %select_n3A_1731, %select_n3A_1826 : vector<16xi1>, vector<16xf32>
    %select_n3A_1830 = arith.select %gt3A_1828, %add3A_1027, %select_n3A_1827 : vector<16xi1>, vector<16xi32>
    %gt3A_1831 = arith.cmpf ogt, %select_n3A_1735, %select_n3A_1829 : vector<16xf32>
    %select_n3A_1832 = arith.select %gt3A_1831, %select_n3A_1735, %select_n3A_1829 : vector<16xi1>, vector<16xf32>
    %select_n3A_1833 = arith.select %gt3A_1831, %add3A_1066, %select_n3A_1830 : vector<16xi1>, vector<16xi32>
    %gt3A_1834 = arith.cmpf ogt, %select_n3A_1739, %select_n3A_1832 : vector<16xf32>
    %select_n3A_1835 = arith.select %gt3A_1834, %select_n3A_1739, %select_n3A_1832 : vector<16xi1>, vector<16xf32>
    %select_n3A_1836 = arith.select %gt3A_1834, %add3A_1105, %select_n3A_1833 : vector<16xi1>, vector<16xi32>
    %gt3A_1837 = arith.cmpf ogt, %select_n3A_1743, %select_n3A_1835 : vector<16xf32>
    %select_n3A_1838 = arith.select %gt3A_1837, %select_n3A_1743, %select_n3A_1835 : vector<16xi1>, vector<16xf32>
    %select_n3A_1839 = arith.select %gt3A_1837, %add3A_1144, %select_n3A_1836 : vector<16xi1>, vector<16xi32>
    %gt3A_1840 = arith.cmpf ogt, %select_n3A_1747, %select_n3A_1838 : vector<16xf32>
    %select_n3A_1841 = arith.select %gt3A_1840, %select_n3A_1747, %select_n3A_1838 : vector<16xi1>, vector<16xf32>
    %select_n3A_1842 = arith.select %gt3A_1840, %add3A_1183, %select_n3A_1839 : vector<16xi1>, vector<16xi32>
    %gt3A_1843 = arith.cmpf ogt, %select_n3A_1751, %select_n3A_1841 : vector<16xf32>
    %select_n3A_1844 = arith.select %gt3A_1843, %select_n3A_1751, %select_n3A_1841 : vector<16xi1>, vector<16xf32>
    %select_n3A_1845 = arith.select %gt3A_1843, %add3A_1222, %select_n3A_1842 : vector<16xi1>, vector<16xi32>
    %gt3A_1846 = arith.cmpf ogt, %select_n3A_1755, %select_n3A_1844 : vector<16xf32>
    %select_n3A_1847 = arith.select %gt3A_1846, %select_n3A_1755, %select_n3A_1844 : vector<16xi1>, vector<16xf32>
    %select_n3A_1848 = arith.select %gt3A_1846, %add3A_1261, %select_n3A_1845 : vector<16xi1>, vector<16xi32>
    %broadcast_in_dim3A_1849 = arith.constant true
    %broadcast_in_dim3A_1850 = vector.broadcast %broadcast_in_dim3A_1849 : i1 to vector<16xi1>
    %masked_cummax3A_1851 = tpu.scan <max>, %select_n3A_1847 masked %broadcast_in_dim3A_1850 : vector<16xf32>, vector<16xi1> -> vector<16xf32>
    %broadcast_in_dim3A_1852 = arith.constant 15 : i32
    %broadcast_in_dim3A_1853 = vector.broadcast %broadcast_in_dim3A_1852 : i32 to vector<16x1xi32>
    %gather3A_1854 = vector.shape_cast %broadcast_in_dim3A_1853 : vector<16x1xi32> to vector<16xi32>
    %gather3A_1855 = tpu.dynamic_gather %masked_cummax3A_1851[%gather3A_1854] in [0] : vector<16xf32>, vector<16xi32> -> vector<16xf32>
    %eq3A_1856 = arith.cmpf oeq, %select_n3A_1847, %gather3A_1855 : vector<16xf32>
    %jit3A_1857 = arith.constant 4096 : i32
    %broadcast_in_dim3A_1858 = vector.broadcast %jit3A_1857 : i32 to vector<16xi32>
    %select_n3A_1859 = arith.select %eq3A_1856, %select_n3A_1848, %broadcast_in_dim3A_1858 : vector<16xi1>, vector<16xi32>
    %neg3A_1860 = arith.constant 0 : i32
    %neg3A_1861 = vector.broadcast %neg3A_1860 : i32 to vector<16xi32>
    %neg3A_1862 = arith.subi %neg3A_1861, %select_n3A_1859 : vector<16xi32>
    %broadcast_in_dim3A_1863 = arith.constant true
    %broadcast_in_dim3A_1864 = vector.broadcast %broadcast_in_dim3A_1863 : i1 to vector<16xi1>
    %masked_cummax3A_1865 = arith.constant -2147483648 : i32
    %masked_cummax3A_1866 = vector.broadcast %masked_cummax3A_1865 : i32 to vector<16xi32>
    %masked_cummax3A_1867 = arith.xori %neg3A_1862, %masked_cummax3A_1866 : vector<16xi32>
    %masked_cummax3A_1868 = tpu.scan <max>, %masked_cummax3A_1867 masked %broadcast_in_dim3A_1864 : vector<16xi32>, vector<16xi1> -> vector<16xi32>
    %masked_cummax3A_1869 = arith.xori %masked_cummax3A_1868, %masked_cummax3A_1866 : vector<16xi32>
    %broadcast_in_dim3A_1870 = arith.constant 15 : i32
    %broadcast_in_dim3A_1871 = vector.broadcast %broadcast_in_dim3A_1870 : i32 to vector<16x1xi32>
    %gather3A_1872 = vector.shape_cast %broadcast_in_dim3A_1871 : vector<16x1xi32> to vector<16xi32>
    %gather3A_1873 = tpu.dynamic_gather %masked_cummax3A_1869[%gather3A_1872] in [0] : vector<16xi32>, vector<16xi32> -> vector<16xi32>
    %neg3A_1874 = arith.constant 0 : i32
    %neg3A_1875 = vector.broadcast %neg3A_1874 : i32 to vector<16xi32>
    %neg3A_1876 = arith.subi %neg3A_1875, %gather3A_1873 : vector<16xi32>
    %eq3A_1877 = arith.cmpi eq, %add3A_52, %neg3A_1876 : vector<16xi32>
    %jit3A_1878 = arith.constant -1.000000e+30 : f32
    %broadcast_in_dim3A_1879 = vector.broadcast %jit3A_1878 : f32 to vector<16xf32>
    %select_n3A_1880 = arith.select %eq3A_1877, %broadcast_in_dim3A_1879, %select_n3A_1631 : vector<16xi1>, vector<16xf32>
    %eq3A_1881 = arith.cmpi eq, %add3A_91, %neg3A_1876 : vector<16xi32>
    %jit3A_1882 = arith.constant -1.000000e+30 : f32
    %broadcast_in_dim3A_1883 = vector.broadcast %jit3A_1882 : f32 to vector<16xf32>
    %select_n3A_1884 = arith.select %eq3A_1881, %broadcast_in_dim3A_1883, %select_n3A_1635 : vector<16xi1>, vector<16xf32>
    %eq3A_1885 = arith.cmpi eq, %add3A_130, %neg3A_1876 : vector<16xi32>
    %jit3A_1886 = arith.constant -1.000000e+30 : f32
    %broadcast_in_dim3A_1887 = vector.broadcast %jit3A_1886 : f32 to vector<16xf32>
    %select_n3A_1888 = arith.select %eq3A_1885, %broadcast_in_dim3A_1887, %select_n3A_1639 : vector<16xi1>, vector<16xf32>
    %eq3A_1889 = arith.cmpi eq, %add3A_169, %neg3A_1876 : vector<16xi32>
    %jit3A_1890 = arith.constant -1.000000e+30 : f32
    %broadcast_in_dim3A_1891 = vector.broadcast %jit3A_1890 : f32 to vector<16xf32>
    %select_n3A_1892 = arith.select %eq3A_1889, %broadcast_in_dim3A_1891, %select_n3A_1643 : vector<16xi1>, vector<16xf32>
    %eq3A_1893 = arith.cmpi eq, %add3A_208, %neg3A_1876 : vector<16xi32>
    %jit3A_1894 = arith.constant -1.000000e+30 : f32
    %broadcast_in_dim3A_1895 = vector.broadcast %jit3A_1894 : f32 to vector<16xf32>
    %select_n3A_1896 = arith.select %eq3A_1893, %broadcast_in_dim3A_1895, %select_n3A_1647 : vector<16xi1>, vector<16xf32>
    %eq3A_1897 = arith.cmpi eq, %add3A_247, %neg3A_1876 : vector<16xi32>
    %jit3A_1898 = arith.constant -1.000000e+30 : f32
    %broadcast_in_dim3A_1899 = vector.broadcast %jit3A_1898 : f32 to vector<16xf32>
    %select_n3A_1900 = arith.select %eq3A_1897, %broadcast_in_dim3A_1899, %select_n3A_1651 : vector<16xi1>, vector<16xf32>
    %eq3A_1901 = arith.cmpi eq, %add3A_286, %neg3A_1876 : vector<16xi32>
    %jit3A_1902 = arith.constant -1.000000e+30 : f32
    %broadcast_in_dim3A_1903 = vector.broadcast %jit3A_1902 : f32 to vector<16xf32>
    %select_n3A_1904 = arith.select %eq3A_1901, %broadcast_in_dim3A_1903, %select_n3A_1655 : vector<16xi1>, vector<16xf32>
    %eq3A_1905 = arith.cmpi eq, %add3A_325, %neg3A_1876 : vector<16xi32>
    %jit3A_1906 = arith.constant -1.000000e+30 : f32
    %broadcast_in_dim3A_1907 = vector.broadcast %jit3A_1906 : f32 to vector<16xf32>
    %select_n3A_1908 = arith.select %eq3A_1905, %broadcast_in_dim3A_1907, %select_n3A_1659 : vector<16xi1>, vector<16xf32>
    %eq3A_1909 = arith.cmpi eq, %add3A_364, %neg3A_1876 : vector<16xi32>
    %jit3A_1910 = arith.constant -1.000000e+30 : f32
    %broadcast_in_dim3A_1911 = vector.broadcast %jit3A_1910 : f32 to vector<16xf32>
    %select_n3A_1912 = arith.select %eq3A_1909, %broadcast_in_dim3A_1911, %select_n3A_1663 : vector<16xi1>, vector<16xf32>
    %eq3A_1913 = arith.cmpi eq, %add3A_403, %neg3A_1876 : vector<16xi32>
    %jit3A_1914 = arith.constant -1.000000e+30 : f32
    %broadcast_in_dim3A_1915 = vector.broadcast %jit3A_1914 : f32 to vector<16xf32>
    %select_n3A_1916 = arith.select %eq3A_1913, %broadcast_in_dim3A_1915, %select_n3A_1667 : vector<16xi1>, vector<16xf32>
    %eq3A_1917 = arith.cmpi eq, %add3A_442, %neg3A_1876 : vector<16xi32>
    %jit3A_1918 = arith.constant -1.000000e+30 : f32
    %broadcast_in_dim3A_1919 = vector.broadcast %jit3A_1918 : f32 to vector<16xf32>
    %select_n3A_1920 = arith.select %eq3A_1917, %broadcast_in_dim3A_1919, %select_n3A_1671 : vector<16xi1>, vector<16xf32>
    %eq3A_1921 = arith.cmpi eq, %add3A_481, %neg3A_1876 : vector<16xi32>
    %jit3A_1922 = arith.constant -1.000000e+30 : f32
    %broadcast_in_dim3A_1923 = vector.broadcast %jit3A_1922 : f32 to vector<16xf32>
    %select_n3A_1924 = arith.select %eq3A_1921, %broadcast_in_dim3A_1923, %select_n3A_1675 : vector<16xi1>, vector<16xf32>
    %eq3A_1925 = arith.cmpi eq, %add3A_520, %neg3A_1876 : vector<16xi32>
    %jit3A_1926 = arith.constant -1.000000e+30 : f32
    %broadcast_in_dim3A_1927 = vector.broadcast %jit3A_1926 : f32 to vector<16xf32>
    %select_n3A_1928 = arith.select %eq3A_1925, %broadcast_in_dim3A_1927, %select_n3A_1679 : vector<16xi1>, vector<16xf32>
    %eq3A_1929 = arith.cmpi eq, %add3A_559, %neg3A_1876 : vector<16xi32>
    %jit3A_1930 = arith.constant -1.000000e+30 : f32
    %broadcast_in_dim3A_1931 = vector.broadcast %jit3A_1930 : f32 to vector<16xf32>
    %select_n3A_1932 = arith.select %eq3A_1929, %broadcast_in_dim3A_1931, %select_n3A_1683 : vector<16xi1>, vector<16xf32>
    %eq3A_1933 = arith.cmpi eq, %add3A_598, %neg3A_1876 : vector<16xi32>
    %jit3A_1934 = arith.constant -1.000000e+30 : f32
    %broadcast_in_dim3A_1935 = vector.broadcast %jit3A_1934 : f32 to vector<16xf32>
    %select_n3A_1936 = arith.select %eq3A_1933, %broadcast_in_dim3A_1935, %select_n3A_1687 : vector<16xi1>, vector<16xf32>
    %eq3A_1937 = arith.cmpi eq, %add3A_637, %neg3A_1876 : vector<16xi32>
    %jit3A_1938 = arith.constant -1.000000e+30 : f32
    %broadcast_in_dim3A_1939 = vector.broadcast %jit3A_1938 : f32 to vector<16xf32>
    %select_n3A_1940 = arith.select %eq3A_1937, %broadcast_in_dim3A_1939, %select_n3A_1691 : vector<16xi1>, vector<16xf32>
    %eq3A_1941 = arith.cmpi eq, %add3A_676, %neg3A_1876 : vector<16xi32>
    %jit3A_1942 = arith.constant -1.000000e+30 : f32
    %broadcast_in_dim3A_1943 = vector.broadcast %jit3A_1942 : f32 to vector<16xf32>
    %select_n3A_1944 = arith.select %eq3A_1941, %broadcast_in_dim3A_1943, %select_n3A_1695 : vector<16xi1>, vector<16xf32>
    %eq3A_1945 = arith.cmpi eq, %add3A_715, %neg3A_1876 : vector<16xi32>
    %jit3A_1946 = arith.constant -1.000000e+30 : f32
    %broadcast_in_dim3A_1947 = vector.broadcast %jit3A_1946 : f32 to vector<16xf32>
    %select_n3A_1948 = arith.select %eq3A_1945, %broadcast_in_dim3A_1947, %select_n3A_1699 : vector<16xi1>, vector<16xf32>
    %eq3A_1949 = arith.cmpi eq, %add3A_754, %neg3A_1876 : vector<16xi32>
    %jit3A_1950 = arith.constant -1.000000e+30 : f32
    %broadcast_in_dim3A_1951 = vector.broadcast %jit3A_1950 : f32 to vector<16xf32>
    %select_n3A_1952 = arith.select %eq3A_1949, %broadcast_in_dim3A_1951, %select_n3A_1703 : vector<16xi1>, vector<16xf32>
    %eq3A_1953 = arith.cmpi eq, %add3A_793, %neg3A_1876 : vector<16xi32>
    %jit3A_1954 = arith.constant -1.000000e+30 : f32
    %broadcast_in_dim3A_1955 = vector.broadcast %jit3A_1954 : f32 to vector<16xf32>
    %select_n3A_1956 = arith.select %eq3A_1953, %broadcast_in_dim3A_1955, %select_n3A_1707 : vector<16xi1>, vector<16xf32>
    %eq3A_1957 = arith.cmpi eq, %add3A_832, %neg3A_1876 : vector<16xi32>
    %jit3A_1958 = arith.constant -1.000000e+30 : f32
    %broadcast_in_dim3A_1959 = vector.broadcast %jit3A_1958 : f32 to vector<16xf32>
    %select_n3A_1960 = arith.select %eq3A_1957, %broadcast_in_dim3A_1959, %select_n3A_1711 : vector<16xi1>, vector<16xf32>
    %eq3A_1961 = arith.cmpi eq, %add3A_871, %neg3A_1876 : vector<16xi32>
    %jit3A_1962 = arith.constant -1.000000e+30 : f32
    %broadcast_in_dim3A_1963 = vector.broadcast %jit3A_1962 : f32 to vector<16xf32>
    %select_n3A_1964 = arith.select %eq3A_1961, %broadcast_in_dim3A_1963, %select_n3A_1715 : vector<16xi1>, vector<16xf32>
    %eq3A_1965 = arith.cmpi eq, %add3A_910, %neg3A_1876 : vector<16xi32>
    %jit3A_1966 = arith.constant -1.000000e+30 : f32
    %broadcast_in_dim3A_1967 = vector.broadcast %jit3A_1966 : f32 to vector<16xf32>
    %select_n3A_1968 = arith.select %eq3A_1965, %broadcast_in_dim3A_1967, %select_n3A_1719 : vector<16xi1>, vector<16xf32>
    %eq3A_1969 = arith.cmpi eq, %add3A_949, %neg3A_1876 : vector<16xi32>
    %jit3A_1970 = arith.constant -1.000000e+30 : f32
    %broadcast_in_dim3A_1971 = vector.broadcast %jit3A_1970 : f32 to vector<16xf32>
    %select_n3A_1972 = arith.select %eq3A_1969, %broadcast_in_dim3A_1971, %select_n3A_1723 : vector<16xi1>, vector<16xf32>
    %eq3A_1973 = arith.cmpi eq, %add3A_988, %neg3A_1876 : vector<16xi32>
    %jit3A_1974 = arith.constant -1.000000e+30 : f32
    %broadcast_in_dim3A_1975 = vector.broadcast %jit3A_1974 : f32 to vector<16xf32>
    %select_n3A_1976 = arith.select %eq3A_1973, %broadcast_in_dim3A_1975, %select_n3A_1727 : vector<16xi1>, vector<16xf32>
    %eq3A_1977 = arith.cmpi eq, %add3A_1027, %neg3A_1876 : vector<16xi32>
    %jit3A_1978 = arith.constant -1.000000e+30 : f32
    %broadcast_in_dim3A_1979 = vector.broadcast %jit3A_1978 : f32 to vector<16xf32>
    %select_n3A_1980 = arith.select %eq3A_1977, %broadcast_in_dim3A_1979, %select_n3A_1731 : vector<16xi1>, vector<16xf32>
    %eq3A_1981 = arith.cmpi eq, %add3A_1066, %neg3A_1876 : vector<16xi32>
    %jit3A_1982 = arith.constant -1.000000e+30 : f32
    %broadcast_in_dim3A_1983 = vector.broadcast %jit3A_1982 : f32 to vector<16xf32>
    %select_n3A_1984 = arith.select %eq3A_1981, %broadcast_in_dim3A_1983, %select_n3A_1735 : vector<16xi1>, vector<16xf32>
    %eq3A_1985 = arith.cmpi eq, %add3A_1105, %neg3A_1876 : vector<16xi32>
    %jit3A_1986 = arith.constant -1.000000e+30 : f32
    %broadcast_in_dim3A_1987 = vector.broadcast %jit3A_1986 : f32 to vector<16xf32>
    %select_n3A_1988 = arith.select %eq3A_1985, %broadcast_in_dim3A_1987, %select_n3A_1739 : vector<16xi1>, vector<16xf32>
    %eq3A_1989 = arith.cmpi eq, %add3A_1144, %neg3A_1876 : vector<16xi32>
    %jit3A_1990 = arith.constant -1.000000e+30 : f32
    %broadcast_in_dim3A_1991 = vector.broadcast %jit3A_1990 : f32 to vector<16xf32>
    %select_n3A_1992 = arith.select %eq3A_1989, %broadcast_in_dim3A_1991, %select_n3A_1743 : vector<16xi1>, vector<16xf32>
    %eq3A_1993 = arith.cmpi eq, %add3A_1183, %neg3A_1876 : vector<16xi32>
    %jit3A_1994 = arith.constant -1.000000e+30 : f32
    %broadcast_in_dim3A_1995 = vector.broadcast %jit3A_1994 : f32 to vector<16xf32>
    %select_n3A_1996 = arith.select %eq3A_1993, %broadcast_in_dim3A_1995, %select_n3A_1747 : vector<16xi1>, vector<16xf32>
    %eq3A_1997 = arith.cmpi eq, %add3A_1222, %neg3A_1876 : vector<16xi32>
    %jit3A_1998 = arith.constant -1.000000e+30 : f32
    %broadcast_in_dim3A_1999 = vector.broadcast %jit3A_1998 : f32 to vector<16xf32>
    %select_n3A_2000 = arith.select %eq3A_1997, %broadcast_in_dim3A_1999, %select_n3A_1751 : vector<16xi1>, vector<16xf32>
    %eq3A_2001 = arith.cmpi eq, %add3A_1261, %neg3A_1876 : vector<16xi32>
    %jit3A_2002 = arith.constant -1.000000e+30 : f32
    %broadcast_in_dim3A_2003 = vector.broadcast %jit3A_2002 : f32 to vector<16xf32>
    %select_n3A_2004 = arith.select %eq3A_2001, %broadcast_in_dim3A_2003, %select_n3A_1755 : vector<16xi1>, vector<16xf32>
    %jit3A_2005 = arith.constant 16 : i32
    %div3A_2006 = vector.broadcast %jit3A_2005 : i32 to vector<16xi32>
    %div3A_2007 = arith.divsi %neg3A_1378, %div3A_2006 : vector<16xi32>
    %sign3A_2008 = arith.constant 0 : i32
    %sign3A_2009 = vector.broadcast %sign3A_2008 : i32 to vector<16xi32>
    %sign3A_2010 = arith.cmpi sgt, %neg3A_1378, %sign3A_2009 : vector<16xi32>
    %sign3A_2011 = arith.extui %sign3A_2010 : vector<16xi1> to vector<16xi32>
    %sign3A_2012 = arith.constant 0 : i32
    %sign3A_2013 = vector.broadcast %sign3A_2012 : i32 to vector<16xi32>
    %sign3A_2014 = arith.cmpi slt, %neg3A_1378, %sign3A_2013 : vector<16xi32>
    %sign3A_2015 = arith.extui %sign3A_2014 : vector<16xi1> to vector<16xi32>
    %sign3A_2016 = arith.subi %sign3A_2011, %sign3A_2015 : vector<16xi32>
    %sign3A_2017 = arith.constant 0 : i32
    %sign3A_2018 = arith.cmpi sgt, %jit3A_2005, %sign3A_2017 : i32
    %sign3A_2019 = arith.extui %sign3A_2018 : i1 to i32
    %sign3A_2020 = arith.constant 0 : i32
    %sign3A_2021 = arith.cmpi slt, %jit3A_2005, %sign3A_2020 : i32
    %sign3A_2022 = arith.extui %sign3A_2021 : i1 to i32
    %sign3A_2023 = arith.subi %sign3A_2019, %sign3A_2022 : i32
    %ne3A_2024 = vector.broadcast %sign3A_2023 : i32 to vector<16xi32>
    %ne3A_2025 = arith.cmpi ne, %sign3A_2016, %ne3A_2024 : vector<16xi32>
    %rem3A_2026 = vector.broadcast %jit3A_2005 : i32 to vector<16xi32>
    %rem3A_2027 = arith.remsi %neg3A_1378, %rem3A_2026 : vector<16xi32>
    %ne3A_2028 = arith.constant 0 : i32
    %ne3A_2029 = vector.broadcast %ne3A_2028 : i32 to vector<16xi32>
    %ne3A_2030 = arith.cmpi ne, %rem3A_2027, %ne3A_2029 : vector<16xi32>
    %and3A_2031 = arith.andi %ne3A_2025, %ne3A_2030 : vector<16xi1>
    %sub3A_2032 = arith.constant 1 : i32
    %sub3A_2033 = vector.broadcast %sub3A_2032 : i32 to vector<16xi32>
    %sub3A_2034 = arith.subi %div3A_2007, %sub3A_2033 : vector<16xi32>
    %select_n3A_2035 = arith.select %and3A_2031, %sub3A_2034, %div3A_2007 : vector<16xi1>, vector<16xi32>
    %mul3A_2036 = arith.constant 64 : i32
    %mul3A_2037 = vector.broadcast %mul3A_2036 : i32 to vector<16xi32>
    %mul3A_2038 = arith.muli %select_n3A_2035, %mul3A_2037 : vector<16xi32>
    %jit3A_2039 = arith.constant 16 : i32
    %eq3A_2040 = arith.constant 0 : i32
    %eq3A_2041 = arith.cmpi eq, %jit3A_2039, %eq3A_2040 : i32
    %jit3A_2042 = arith.constant 1 : i32
    %select_n3A_2043 = arith.select %eq3A_2041, %jit3A_2042, %jit3A_2039 : i32
    %rem3A_2044 = vector.broadcast %select_n3A_2043 : i32 to vector<16xi32>
    %rem3A_2045 = arith.remsi %neg3A_1378, %rem3A_2044 : vector<16xi32>
    %ne3A_2046 = arith.constant 0 : i32
    %ne3A_2047 = vector.broadcast %ne3A_2046 : i32 to vector<16xi32>
    %ne3A_2048 = arith.cmpi ne, %rem3A_2045, %ne3A_2047 : vector<16xi32>
    %lt3A_2049 = arith.constant 0 : i32
    %lt3A_2050 = vector.broadcast %lt3A_2049 : i32 to vector<16xi32>
    %lt3A_2051 = arith.cmpi slt, %rem3A_2045, %lt3A_2050 : vector<16xi32>
    %lt3A_2052 = arith.constant 0 : i32
    %lt3A_2053 = arith.cmpi slt, %select_n3A_2043, %lt3A_2052 : i32
    %ne3A_2054 = vector.broadcast %lt3A_2053 : i1 to vector<16xi1>
    %ne3A_2055 = vector.broadcast %ne3A_2054 : vector<16xi1> to vector<16xi1>
    %ne3A_2056 = arith.xori %lt3A_2051, %ne3A_2055 : vector<16xi1>
    %and3A_2057 = arith.andi %ne3A_2056, %ne3A_2048 : vector<16xi1>
    %add3A_2058 = vector.broadcast %select_n3A_2043 : i32 to vector<16xi32>
    %add3A_2059 = arith.addi %rem3A_2045, %add3A_2058 : vector<16xi32>
    %select_n3A_2060 = arith.select %and3A_2057, %add3A_2059, %rem3A_2045 : vector<16xi1>, vector<16xi32>
    %mul3A_2061 = arith.constant 2 : i32
    %mul3A_2062 = vector.broadcast %mul3A_2061 : i32 to vector<16xi32>
    %mul3A_2063 = arith.muli %select_n3A_2060, %mul3A_2062 : vector<16xi32>
    %add3A_2064 = arith.addi %mul3A_2038, %mul3A_2063 : vector<16xi32>
    %jit3A_2065 = arith.constant 16 : i32
    %div3A_2066 = vector.broadcast %jit3A_2065 : i32 to vector<16xi32>
    %div3A_2067 = arith.divsi %neg3A_1627, %div3A_2066 : vector<16xi32>
    %sign3A_2068 = arith.constant 0 : i32
    %sign3A_2069 = vector.broadcast %sign3A_2068 : i32 to vector<16xi32>
    %sign3A_2070 = arith.cmpi sgt, %neg3A_1627, %sign3A_2069 : vector<16xi32>
    %sign3A_2071 = arith.extui %sign3A_2070 : vector<16xi1> to vector<16xi32>
    %sign3A_2072 = arith.constant 0 : i32
    %sign3A_2073 = vector.broadcast %sign3A_2072 : i32 to vector<16xi32>
    %sign3A_2074 = arith.cmpi slt, %neg3A_1627, %sign3A_2073 : vector<16xi32>
    %sign3A_2075 = arith.extui %sign3A_2074 : vector<16xi1> to vector<16xi32>
    %sign3A_2076 = arith.subi %sign3A_2071, %sign3A_2075 : vector<16xi32>
    %sign3A_2077 = arith.constant 0 : i32
    %sign3A_2078 = arith.cmpi sgt, %jit3A_2065, %sign3A_2077 : i32
    %sign3A_2079 = arith.extui %sign3A_2078 : i1 to i32
    %sign3A_2080 = arith.constant 0 : i32
    %sign3A_2081 = arith.cmpi slt, %jit3A_2065, %sign3A_2080 : i32
    %sign3A_2082 = arith.extui %sign3A_2081 : i1 to i32
    %sign3A_2083 = arith.subi %sign3A_2079, %sign3A_2082 : i32
    %ne3A_2084 = vector.broadcast %sign3A_2083 : i32 to vector<16xi32>
    %ne3A_2085 = arith.cmpi ne, %sign3A_2076, %ne3A_2084 : vector<16xi32>
    %rem3A_2086 = vector.broadcast %jit3A_2065 : i32 to vector<16xi32>
    %rem3A_2087 = arith.remsi %neg3A_1627, %rem3A_2086 : vector<16xi32>
    %ne3A_2088 = arith.constant 0 : i32
    %ne3A_2089 = vector.broadcast %ne3A_2088 : i32 to vector<16xi32>
    %ne3A_2090 = arith.cmpi ne, %rem3A_2087, %ne3A_2089 : vector<16xi32>
    %and3A_2091 = arith.andi %ne3A_2085, %ne3A_2090 : vector<16xi1>
    %sub3A_2092 = arith.constant 1 : i32
    %sub3A_2093 = vector.broadcast %sub3A_2092 : i32 to vector<16xi32>
    %sub3A_2094 = arith.subi %div3A_2067, %sub3A_2093 : vector<16xi32>
    %select_n3A_2095 = arith.select %and3A_2091, %sub3A_2094, %div3A_2067 : vector<16xi1>, vector<16xi32>
    %mul3A_2096 = arith.constant 64 : i32
    %mul3A_2097 = vector.broadcast %mul3A_2096 : i32 to vector<16xi32>
    %mul3A_2098 = arith.muli %select_n3A_2095, %mul3A_2097 : vector<16xi32>
    %jit3A_2099 = arith.constant 16 : i32
    %eq3A_2100 = arith.constant 0 : i32
    %eq3A_2101 = arith.cmpi eq, %jit3A_2099, %eq3A_2100 : i32
    %jit3A_2102 = arith.constant 1 : i32
    %select_n3A_2103 = arith.select %eq3A_2101, %jit3A_2102, %jit3A_2099 : i32
    %rem3A_2104 = vector.broadcast %select_n3A_2103 : i32 to vector<16xi32>
    %rem3A_2105 = arith.remsi %neg3A_1627, %rem3A_2104 : vector<16xi32>
    %ne3A_2106 = arith.constant 0 : i32
    %ne3A_2107 = vector.broadcast %ne3A_2106 : i32 to vector<16xi32>
    %ne3A_2108 = arith.cmpi ne, %rem3A_2105, %ne3A_2107 : vector<16xi32>
    %lt3A_2109 = arith.constant 0 : i32
    %lt3A_2110 = vector.broadcast %lt3A_2109 : i32 to vector<16xi32>
    %lt3A_2111 = arith.cmpi slt, %rem3A_2105, %lt3A_2110 : vector<16xi32>
    %lt3A_2112 = arith.constant 0 : i32
    %lt3A_2113 = arith.cmpi slt, %select_n3A_2103, %lt3A_2112 : i32
    %ne3A_2114 = vector.broadcast %lt3A_2113 : i1 to vector<16xi1>
    %ne3A_2115 = vector.broadcast %ne3A_2114 : vector<16xi1> to vector<16xi1>
    %ne3A_2116 = arith.xori %lt3A_2111, %ne3A_2115 : vector<16xi1>
    %and3A_2117 = arith.andi %ne3A_2116, %ne3A_2108 : vector<16xi1>
    %add3A_2118 = vector.broadcast %select_n3A_2103 : i32 to vector<16xi32>
    %add3A_2119 = arith.addi %rem3A_2105, %add3A_2118 : vector<16xi32>
    %select_n3A_2120 = arith.select %and3A_2117, %add3A_2119, %rem3A_2105 : vector<16xi1>, vector<16xi32>
    %mul3A_2121 = arith.constant 2 : i32
    %mul3A_2122 = vector.broadcast %mul3A_2121 : i32 to vector<16xi32>
    %mul3A_2123 = arith.muli %select_n3A_2120, %mul3A_2122 : vector<16xi32>
    %add3A_2124 = arith.addi %mul3A_2098, %mul3A_2123 : vector<16xi32>
    %jit3A_2125 = arith.constant 16 : i32
    %div3A_2126 = vector.broadcast %jit3A_2125 : i32 to vector<16xi32>
    %div3A_2127 = arith.divsi %neg3A_1876, %div3A_2126 : vector<16xi32>
    %sign3A_2128 = arith.constant 0 : i32
    %sign3A_2129 = vector.broadcast %sign3A_2128 : i32 to vector<16xi32>
    %sign3A_2130 = arith.cmpi sgt, %neg3A_1876, %sign3A_2129 : vector<16xi32>
    %sign3A_2131 = arith.extui %sign3A_2130 : vector<16xi1> to vector<16xi32>
    %sign3A_2132 = arith.constant 0 : i32
    %sign3A_2133 = vector.broadcast %sign3A_2132 : i32 to vector<16xi32>
    %sign3A_2134 = arith.cmpi slt, %neg3A_1876, %sign3A_2133 : vector<16xi32>
    %sign3A_2135 = arith.extui %sign3A_2134 : vector<16xi1> to vector<16xi32>
    %sign3A_2136 = arith.subi %sign3A_2131, %sign3A_2135 : vector<16xi32>
    %sign3A_2137 = arith.constant 0 : i32
    %sign3A_2138 = arith.cmpi sgt, %jit3A_2125, %sign3A_2137 : i32
    %sign3A_2139 = arith.extui %sign3A_2138 : i1 to i32
    %sign3A_2140 = arith.constant 0 : i32
    %sign3A_2141 = arith.cmpi slt, %jit3A_2125, %sign3A_2140 : i32
    %sign3A_2142 = arith.extui %sign3A_2141 : i1 to i32
    %sign3A_2143 = arith.subi %sign3A_2139, %sign3A_2142 : i32
    %ne3A_2144 = vector.broadcast %sign3A_2143 : i32 to vector<16xi32>
    %ne3A_2145 = arith.cmpi ne, %sign3A_2136, %ne3A_2144 : vector<16xi32>
    %rem3A_2146 = vector.broadcast %jit3A_2125 : i32 to vector<16xi32>
    %rem3A_2147 = arith.remsi %neg3A_1876, %rem3A_2146 : vector<16xi32>
    %ne3A_2148 = arith.constant 0 : i32
    %ne3A_2149 = vector.broadcast %ne3A_2148 : i32 to vector<16xi32>
    %ne3A_2150 = arith.cmpi ne, %rem3A_2147, %ne3A_2149 : vector<16xi32>
    %and3A_2151 = arith.andi %ne3A_2145, %ne3A_2150 : vector<16xi1>
    %sub3A_2152 = arith.constant 1 : i32
    %sub3A_2153 = vector.broadcast %sub3A_2152 : i32 to vector<16xi32>
    %sub3A_2154 = arith.subi %div3A_2127, %sub3A_2153 : vector<16xi32>
    %select_n3A_2155 = arith.select %and3A_2151, %sub3A_2154, %div3A_2127 : vector<16xi1>, vector<16xi32>
    %mul3A_2156 = arith.constant 64 : i32
    %mul3A_2157 = vector.broadcast %mul3A_2156 : i32 to vector<16xi32>
    %mul3A_2158 = arith.muli %select_n3A_2155, %mul3A_2157 : vector<16xi32>
    %jit3A_2159 = arith.constant 16 : i32
    %eq3A_2160 = arith.constant 0 : i32
    %eq3A_2161 = arith.cmpi eq, %jit3A_2159, %eq3A_2160 : i32
    %jit3A_2162 = arith.constant 1 : i32
    %select_n3A_2163 = arith.select %eq3A_2161, %jit3A_2162, %jit3A_2159 : i32
    %rem3A_2164 = vector.broadcast %select_n3A_2163 : i32 to vector<16xi32>
    %rem3A_2165 = arith.remsi %neg3A_1876, %rem3A_2164 : vector<16xi32>
    %ne3A_2166 = arith.constant 0 : i32
    %ne3A_2167 = vector.broadcast %ne3A_2166 : i32 to vector<16xi32>
    %ne3A_2168 = arith.cmpi ne, %rem3A_2165, %ne3A_2167 : vector<16xi32>
    %lt3A_2169 = arith.constant 0 : i32
    %lt3A_2170 = vector.broadcast %lt3A_2169 : i32 to vector<16xi32>
    %lt3A_2171 = arith.cmpi slt, %rem3A_2165, %lt3A_2170 : vector<16xi32>
    %lt3A_2172 = arith.constant 0 : i32
    %lt3A_2173 = arith.cmpi slt, %select_n3A_2163, %lt3A_2172 : i32
    %ne3A_2174 = vector.broadcast %lt3A_2173 : i1 to vector<16xi1>
    %ne3A_2175 = vector.broadcast %ne3A_2174 : vector<16xi1> to vector<16xi1>
    %ne3A_2176 = arith.xori %lt3A_2171, %ne3A_2175 : vector<16xi1>
    %and3A_2177 = arith.andi %ne3A_2176, %ne3A_2168 : vector<16xi1>
    %add3A_2178 = vector.broadcast %select_n3A_2163 : i32 to vector<16xi32>
    %add3A_2179 = arith.addi %rem3A_2165, %add3A_2178 : vector<16xi32>
    %select_n3A_2180 = arith.select %and3A_2177, %add3A_2179, %rem3A_2165 : vector<16xi1>, vector<16xi32>
    %mul3A_2181 = arith.constant 2 : i32
    %mul3A_2182 = vector.broadcast %mul3A_2181 : i32 to vector<16xi32>
    %mul3A_2183 = arith.muli %select_n3A_2180, %mul3A_2182 : vector<16xi32>
    %add3A_2184 = arith.addi %mul3A_2158, %mul3A_2183 : vector<16xi32>
    %jit3A_2185 = arith.constant 4 : i32
    %eq3A_2186 = arith.constant 0 : i32
    %eq3A_2187 = arith.cmpi eq, %jit3A_2185, %eq3A_2186 : i32
    %jit3A_2188 = arith.constant 1 : i32
    %select_n3A_2189 = arith.select %eq3A_2187, %jit3A_2188, %jit3A_2185 : i32
    %rem3A_2190 = vector.broadcast %select_n3A_2189 : i32 to vector<16xi32>
    %rem3A_2191 = arith.remsi %iota3A, %rem3A_2190 : vector<16xi32>
    %ne3A_2192 = arith.constant 0 : i32
    %ne3A_2193 = vector.broadcast %ne3A_2192 : i32 to vector<16xi32>
    %ne3A_2194 = arith.cmpi ne, %rem3A_2191, %ne3A_2193 : vector<16xi32>
    %lt3A_2195 = arith.constant 0 : i32
    %lt3A_2196 = vector.broadcast %lt3A_2195 : i32 to vector<16xi32>
    %lt3A_2197 = arith.cmpi slt, %rem3A_2191, %lt3A_2196 : vector<16xi32>
    %lt3A_2198 = arith.constant 0 : i32
    %lt3A_2199 = arith.cmpi slt, %select_n3A_2189, %lt3A_2198 : i32
    %ne3A_2200 = vector.broadcast %lt3A_2199 : i1 to vector<16xi1>
    %ne3A_2201 = vector.broadcast %ne3A_2200 : vector<16xi1> to vector<16xi1>
    %ne3A_2202 = arith.xori %lt3A_2197, %ne3A_2201 : vector<16xi1>
    %and3A_2203 = arith.andi %ne3A_2202, %ne3A_2194 : vector<16xi1>
    %add3A_2204 = vector.broadcast %select_n3A_2189 : i32 to vector<16xi32>
    %add3A_2205 = arith.addi %rem3A_2191, %add3A_2204 : vector<16xi32>
    %select_n3A_2206 = arith.select %and3A_2203, %add3A_2205, %rem3A_2191 : vector<16xi1>, vector<16xi32>
    %jit3A_2207 = arith.constant 2 : i32
    %eq3A_2208 = arith.constant 0 : i32
    %eq3A_2209 = arith.cmpi eq, %jit3A_2207, %eq3A_2208 : i32
    %jit3A_2210 = arith.constant 1 : i32
    %select_n3A_2211 = arith.select %eq3A_2209, %jit3A_2210, %jit3A_2207 : i32
    %rem3A_2212 = vector.broadcast %select_n3A_2211 : i32 to vector<16xi32>
    %rem3A_2213 = arith.remsi %select_n3A_2206, %rem3A_2212 : vector<16xi32>
    %ne3A_2214 = arith.constant 0 : i32
    %ne3A_2215 = vector.broadcast %ne3A_2214 : i32 to vector<16xi32>
    %ne3A_2216 = arith.cmpi ne, %rem3A_2213, %ne3A_2215 : vector<16xi32>
    %lt3A_2217 = arith.constant 0 : i32
    %lt3A_2218 = vector.broadcast %lt3A_2217 : i32 to vector<16xi32>
    %lt3A_2219 = arith.cmpi slt, %rem3A_2213, %lt3A_2218 : vector<16xi32>
    %lt3A_2220 = arith.constant 0 : i32
    %lt3A_2221 = arith.cmpi slt, %select_n3A_2211, %lt3A_2220 : i32
    %ne3A_2222 = vector.broadcast %lt3A_2221 : i1 to vector<16xi1>
    %ne3A_2223 = vector.broadcast %ne3A_2222 : vector<16xi1> to vector<16xi1>
    %ne3A_2224 = arith.xori %lt3A_2219, %ne3A_2223 : vector<16xi1>
    %and3A_2225 = arith.andi %ne3A_2224, %ne3A_2216 : vector<16xi1>
    %add3A_2226 = vector.broadcast %select_n3A_2211 : i32 to vector<16xi32>
    %add3A_2227 = arith.addi %rem3A_2213, %add3A_2226 : vector<16xi32>
    %select_n3A_2228 = arith.select %and3A_2225, %add3A_2227, %rem3A_2213 : vector<16xi1>, vector<16xi32>
    %jit3A_2229 = arith.constant 2 : i32
    %div3A_2230 = vector.broadcast %jit3A_2229 : i32 to vector<16xi32>
    %div3A_2231 = arith.divsi %select_n3A_2206, %div3A_2230 : vector<16xi32>
    %sign3A_2232 = arith.constant 0 : i32
    %sign3A_2233 = vector.broadcast %sign3A_2232 : i32 to vector<16xi32>
    %sign3A_2234 = arith.cmpi sgt, %select_n3A_2206, %sign3A_2233 : vector<16xi32>
    %sign3A_2235 = arith.extui %sign3A_2234 : vector<16xi1> to vector<16xi32>
    %sign3A_2236 = arith.constant 0 : i32
    %sign3A_2237 = vector.broadcast %sign3A_2236 : i32 to vector<16xi32>
    %sign3A_2238 = arith.cmpi slt, %select_n3A_2206, %sign3A_2237 : vector<16xi32>
    %sign3A_2239 = arith.extui %sign3A_2238 : vector<16xi1> to vector<16xi32>
    %sign3A_2240 = arith.subi %sign3A_2235, %sign3A_2239 : vector<16xi32>
    %sign3A_2241 = arith.constant 0 : i32
    %sign3A_2242 = arith.cmpi sgt, %jit3A_2229, %sign3A_2241 : i32
    %sign3A_2243 = arith.extui %sign3A_2242 : i1 to i32
    %sign3A_2244 = arith.constant 0 : i32
    %sign3A_2245 = arith.cmpi slt, %jit3A_2229, %sign3A_2244 : i32
    %sign3A_2246 = arith.extui %sign3A_2245 : i1 to i32
    %sign3A_2247 = arith.subi %sign3A_2243, %sign3A_2246 : i32
    %ne3A_2248 = vector.broadcast %sign3A_2247 : i32 to vector<16xi32>
    %ne3A_2249 = arith.cmpi ne, %sign3A_2240, %ne3A_2248 : vector<16xi32>
    %rem3A_2250 = vector.broadcast %jit3A_2229 : i32 to vector<16xi32>
    %rem3A_2251 = arith.remsi %select_n3A_2206, %rem3A_2250 : vector<16xi32>
    %ne3A_2252 = arith.constant 0 : i32
    %ne3A_2253 = vector.broadcast %ne3A_2252 : i32 to vector<16xi32>
    %ne3A_2254 = arith.cmpi ne, %rem3A_2251, %ne3A_2253 : vector<16xi32>
    %and3A_2255 = arith.andi %ne3A_2249, %ne3A_2254 : vector<16xi1>
    %sub3A_2256 = arith.constant 1 : i32
    %sub3A_2257 = vector.broadcast %sub3A_2256 : i32 to vector<16xi32>
    %sub3A_2258 = arith.subi %div3A_2231, %sub3A_2257 : vector<16xi32>
    %select_n3A_2259 = arith.select %and3A_2255, %sub3A_2258, %div3A_2231 : vector<16xi1>, vector<16xi32>
    %mul3A_2260 = arith.constant 32 : i32
    %mul3A_2261 = vector.broadcast %mul3A_2260 : i32 to vector<16xi32>
    %mul3A_2262 = arith.muli %mul3A_2261, %select_n3A_2259 : vector<16xi32>
    %add3A_2263 = arith.addi %select_n3A_2228, %mul3A_2262 : vector<16xi32>
    %lt3A_2264 = arith.constant 4 : i32
    %lt3A_2265 = vector.broadcast %lt3A_2264 : i32 to vector<16xi32>
    %lt3A_2266 = arith.cmpi slt, %iota3A, %lt3A_2265 : vector<16xi32>
    %lt3A_2267 = arith.constant 8 : i32
    %lt3A_2268 = vector.broadcast %lt3A_2267 : i32 to vector<16xi32>
    %lt3A_2269 = arith.cmpi slt, %iota3A, %lt3A_2268 : vector<16xi32>
    %select_n3A_2270 = arith.select %lt3A_2269, %add3A_2124, %add3A_2184 : vector<16xi1>, vector<16xi32>
    %select_n3A_2271 = arith.select %lt3A_2266, %add3A_2064, %select_n3A_2270 : vector<16xi1>, vector<16xi32>
    %mul3A_2272 = arith.constant 1024 : i32
    %mul3A_2273 = arith.muli %add3A, %mul3A_2272 : i32
    %add3A_2274 = vector.broadcast %mul3A_2273 : i32 to vector<16xi32>
    %add3A_2275 = arith.addi %add3A_2274, %select_n3A_2271 : vector<16xi32>
    %add3A_2276 = arith.addi %add3A_2275, %add3A_2263 : vector<16xi32>
    %dma_start3A = arith.constant 0 : i32
    %dma_start3A_2277 = arith.constant 0 : i32
    %dma_start3A_2278 = tpu.memref_slice %arg3[%dma_start3A, %dma_start3A_2277] : memref<32768x768xf32, #tpu.memory_space<hbm>> -> memref<32768x768xf32, #tpu.memory_space<hbm>>
    tpu.enqueue_indirect_dma source(%dma_start3A_2278 : memref<32768x768xf32, #tpu.memory_space<hbm>>) target(%arg6 : memref<16x768xf32, #tpu.memory_space<vmem>>) offsets(%add3A_2276 : vector<16xi32>) semaphore(%arg7 : memref<!tpu.dma_semaphore, #tpu.memory_space<semaphore_mem>>)
    %dma_wait3A = arith.constant 0 : i32
    %dma_wait3A_2279 = arith.constant 0 : i32
    %dma_wait3A_2280 = tpu.memref_slice %arg3[%dma_wait3A, %dma_wait3A_2279] : memref<32768x768xf32, #tpu.memory_space<hbm>> -> memref<32768x768xf32, #tpu.memory_space<hbm>>
    tpu.wait_indirect_dma semaphore(%arg7 : memref<!tpu.dma_semaphore, #tpu.memory_space<semaphore_mem>>) src(%dma_wait3A_2280 : memref<32768x768xf32, #tpu.memory_space<hbm>>) dst(%arg6 : memref<16x768xf32, #tpu.memory_space<vmem>>)
    "tpu.region"() ({
      %run_scoped3A = tpu.sem_alloc : memref<!tpu.dma_semaphore, #tpu.memory_space<semaphore_mem>>
      %dma_start3A_2281 = arith.constant 0 : i32
      %dma_start3A_2282 = arith.constant 0 : i32
      %dma_start3A_2283 = tpu.memref_slice %arg4[%add3A, %dma_start3A_2281, %dma_start3A_2282] : memref<32x16x768xf32, #tpu.memory_space<hbm>> -> memref<1x16x768xf32, #tpu.memory_space<hbm>>
      %dma_start3A_2284 = tpu.memref_squeeze %dma_start3A_2283 : memref<1x16x768xf32, #tpu.memory_space<hbm>> -> memref<16x768xf32, #tpu.memory_space<hbm>>
      %dma_start3A_2285 = arith.constant 0 : i32
      %dma_start3A_2286 = arith.constant 0 : i32
      %dma_start3A_2287 = tpu.memref_slice %arg4[%add3A, %dma_start3A_2285, %dma_start3A_2286] : memref<32x16x768xf32, #tpu.memory_space<hbm>> -> memref<1x16x768xf32, #tpu.memory_space<hbm>>
      %dma_start3A_2288 = tpu.memref_squeeze %dma_start3A_2287 : memref<1x16x768xf32, #tpu.memory_space<hbm>> -> memref<16x768xf32, #tpu.memory_space<hbm>>
      tpu.enqueue_dma source(%arg6 : memref<16x768xf32, #tpu.memory_space<vmem>>) target(%dma_start3A_2288 : memref<16x768xf32, #tpu.memory_space<hbm>>) target_semaphore(%run_scoped3A : memref<!tpu.dma_semaphore, #tpu.memory_space<semaphore_mem>>)
      %dma_wait3A_2289 = arith.constant 0 : i32
      %dma_wait3A_2290 = arith.constant 0 : i32
      %dma_wait3A_2291 = tpu.memref_slice %arg4[%add3A, %dma_wait3A_2289, %dma_wait3A_2290] : memref<32x16x768xf32, #tpu.memory_space<hbm>> -> memref<1x16x768xf32, #tpu.memory_space<hbm>>
      %dma_wait3A_2292 = tpu.memref_squeeze %dma_wait3A_2291 : memref<1x16x768xf32, #tpu.memory_space<hbm>> -> memref<16x768xf32, #tpu.memory_space<hbm>>
      %dma_wait3A_2293 = arith.constant 0 : i32
      %dma_wait3A_2294 = arith.constant 0 : i32
      %dma_wait3A_2295 = tpu.memref_slice %arg4[%add3A, %dma_wait3A_2293, %dma_wait3A_2294] : memref<32x16x768xf32, #tpu.memory_space<hbm>> -> memref<1x16x768xf32, #tpu.memory_space<hbm>>
      %dma_wait3A_2296 = tpu.memref_squeeze %dma_wait3A_2295 : memref<1x16x768xf32, #tpu.memory_space<hbm>> -> memref<16x768xf32, #tpu.memory_space<hbm>>
      tpu.wait_dma2 semaphore(%run_scoped3A : memref<!tpu.dma_semaphore, #tpu.memory_space<semaphore_mem>>) src(%arg6 : memref<16x768xf32, #tpu.memory_space<vmem>>) dst(%dma_wait3A_2296 : memref<16x768xf32, #tpu.memory_space<hbm>>)
      tpu.yield
    }) : () -> ()
    return
  }
}

</mosaic_0001>

<sc_bundles>
// kernel: _topk_gather.3.cloned.1.call-start
scs
__scs_entry_jumppad:
0x0: {  	(pc) =	sbr.rel $0x88, $3  }
0x1: {  	(tag) =	ssettag $0x0;
	lr =	simm.s32 $0x1  }
0x2: {  	[smem:$0x3F9F] =	sst lr;
	_ =	strace $0xD0000000  }
0x3: {  	_ = 	snop  }
0x4: {  	_ = 	snop  }
0x5: {  	_ = 	snop  }
0x6: {  	_ = 	snop  }
0x7: {  	_ = 	snop  }
__scs_overlays_trampoline_lowered:
0x8: {  	[smem:$0x3FAE] =	sst s0  }
0x9: {  	[smem:$0x3FAF] =	sst s1  }
0xa: {  	[smem:$0x3FB0] =	sst s2  }
0xb: {  	[smem:$0x3FB1] =	sst s3  }
0xc: {  	[smem:$0x3FB2] =	sst s4  }
0xd: {  	[smem:$0x3FB3] =	sst s5  }
0xe: {  	[smem:$0x3FB4] =	sst s6  }
0xf: {  	[smem:$0x3FB5] =	sst s7  }
0x10: {  	[smem:$0x3FB6] =	sst s8  }
0x11: {  	[smem:$0x3FB7] =	sst s9;
	s0 =	simm.s32 @!p0 $0x0  }
0x12: {  	s1 =	sld [smem:$0x3F9D];
	s0 =	simm.s32 @p0 $0x1  }
0x13: {  	[smem:$0x3FB8] =	sst s0;
	s0 =	simm.s32 @!p1 $0x0  }
0x14: {  	s2 =	sld [smem:$0x3F9C];
	s0 =	simm.s32 @p1 $0x1  }
0x15: {  	[smem:$0x3FB9] =	sst s0;
	s0 =	simm.s32 @!p2 $0x0  }
0x16: {  	s3 =	sld [smem:$0x3FDB];
	s0 =	simm.s32 @p2 $0x1  }
0x17: {  	s4 =	simm.s32 $0x1BF5;
	[smem:$0x3FBB] =	sst s0  }
0x18: {  	s0 =	sld [smem:$0x3F9E];
	_ =	swait.ge [sflag:s4], $0x0  }
0x19: {  	s7 =	sld [smem:$0x3F9F]  }
0x1a: {  	s8 =	sadd.s32 $0xFFFFE003, lr  }
0x1b: {  	s9 =	sadd.s32 $0xFFFFFEF7, lr;
	s5 =	simm.s32 $0xFFFFFFFF;
	p2 =	slt.u32 s8, $0xFFFFF086  }
0x1c: {  	p1 =	slt.u32 s9, $0xF7A;
	s5 =	simm.s32 @!p2 $0x0  }
0x1d: {  	s5 =	simm.s32 @p1 $0x1;
	p0 =	seq.s32 s7, s2  }
0x1e: {  	s7 =	smul.u32 @!p0 $0xF7A, s2;
	p2 =	seq.s32 @!p0 s5, $0x0  }
0x1f: {  	s9 =	smul.u32 $0xF7A, s1;
	s8 =	simm.s32 @!p0 $0x1BF5;
	p2 =	por !p2, p0  }
0x20: {  	[sflag:s8] =	ssyncset.s32 @!p0 $0xFFFFF086;
	s6 =	sadd.s32 @!p0 s3, s7;
	s7 =	simm.s32 @!p0 $0x108  }
0x21: {  	s3 =	sadd.s32 s3, s9;
	s6 =	sadd.s32 @!p0 $0x88, s6;
	s7 =	simm.s32 @p2 $0x1082  }
0x22: {  	[simem:s7], [sflag:s8] =	dma.local @!p0 [hbm:s6], $0xF7A  }
0x23: {  	s9 =	sor.u32 $0xD0000000, s2;
	s6 =	simm.s32 $0x108;
	_ =	swait.ge @!p0 [sflag:s8], $0x0  }
0x24: {  	s3 =	sadd.s32 $0x88, s3;
	s6 =	simm.s32 @!p1 $0x1082;
	[sflag:s4] =	ssyncset.s32 $0xFFFFF086  }
0x25: {  	[simem:s6], [sflag:s4] =	dma.local [hbm:s3], $0xF7A  }
0x26: {  	[smem:$0x3F9F] =	sst s1;
	(tag) =	ssettag s2;
	_ =	strace s9  }
0x27: {  	s1 =	sld [smem:$0x3FAF]  }
0x28: {  	s2 =	sld [smem:$0x3FB0]  }
0x29: {  	s4 =	sld [smem:$0x3FB2]  }
0x2a: {  	p0 =	seq.s32 s5, $0x0;
	s5 =	sld [smem:$0x3FB3]  }
0x2b: {  	s6 =	sld [smem:$0x3FB4]  }
0x2c: {  	s7 =	sld [smem:$0x3FB5]  }
0x2d: {  	s3 =	simm.s32 $0x108;
	s8 =	sld [smem:$0x3FB6]  }
0x2e: {  	s3 =	simm.s32 @!p0 $0x1082;
	s9 =	sld [smem:$0x3FB7]  }
0x2f: {  	lr =	sadd.s32 s0, s3;
	s0 =	sld [smem:$0x3FAE]  }
0x30: {  	s3 =	sld [smem:$0x3FB1]  }
0x31: {  	[smem:$0x3FBA] =	sst s10  }
0x32: {  	s10 =	sld [smem:$0x3FB8];
	_ =	sdelay $0x3  }
0x33: {  	p0 =	seq.s32 s10, $0x1;
	s10 =	sld [smem:$0x3FBA];
	_ =	sdelay $0x3  }
0x34: {  	[smem:$0x3FBA] =	sst s10  }
0x35: {  	s10 =	sld [smem:$0x3FB9];
	_ =	sdelay $0x3  }
0x36: {  	p1 =	seq.s32 s10, $0x1;
	s10 =	sld [smem:$0x3FBA];
	_ =	sdelay $0x3  }
0x37: {  	[smem:$0x3FBA] =	sst s10  }
0x38: {  	s10 =	sld [smem:$0x3FBB]  }
0x39: {  	_ = 	snop;
	(pc) =	sbr.ind lr, $3  }
0x3a: {  	_ = 	snop  }
0x3b: {  	_ = 	snop  }
0x3c: {  	p2 =	seq.s32 s10, $0x1;
	s10 =	sld [smem:$0x3FBA]  }
0x3d: {  	_ =	shalt  }
0x3e: {  	_ =	shalt  }
0x3f: {  	_ =	shalt  }
0x40: {  	_ =	shalt  }
0x41: {  	_ =	shalt  }
0x42: {  	_ =	shalt  }
0x43: {  	_ =	shalt  }
0x44: {  	_ =	shalt  }
0x45: {  	_ =	shalt  }
0x46: {  	_ =	shalt  }
0x47: {  	_ =	shalt  }
0x48: {  	_ =	shalt  }
0x49: {  	_ =	shalt  }
0x4a: {  	_ =	shalt  }
0x4b: {  	_ =	shalt  }
0x4c: {  	_ =	shalt  }
0x4d: {  	_ =	shalt  }
0x4e: {  	_ =	shalt  }
0x4f: {  	_ =	shalt  }
0x50: {  	_ =	shalt  }
0x51: {  	_ =	shalt  }
0x52: {  	_ =	shalt  }
0x53: {  	_ =	shalt  }
0x54: {  	_ =	shalt  }
0x55: {  	_ =	shalt  }
0x56: {  	_ =	shalt  }
0x57: {  	_ =	shalt  }
0x58: {  	_ =	shalt  }
0x59: {  	_ =	shalt  }
0x5a: {  	_ =	shalt  }
0x5b: {  	_ =	shalt  }
0x5c: {  	_ =	shalt  }
0x5d: {  	_ =	shalt  }
0x5e: {  	_ =	shalt  }
0x5f: {  	_ =	shalt  }
0x60: {  	_ =	shalt  }
0x61: {  	_ =	shalt  }
0x62: {  	_ =	shalt  }
0x63: {  	_ =	shalt  }
0x64: {  	_ =	shalt  }
0x65: {  	_ =	shalt  }
0x66: {  	_ =	shalt  }
0x67: {  	_ =	shalt  }
0x68: {  	_ =	shalt  }
0x69: {  	_ =	shalt  }
0x6a: {  	_ =	shalt  }
0x6b: {  	_ =	shalt  }
0x6c: {  	_ =	shalt  }
0x6d: {  	_ =	shalt  }
0x6e: {  	_ =	shalt  }
0x6f: {  	_ =	shalt  }
0x70: {  	_ =	shalt  }
0x71: {  	_ =	shalt  }
0x72: {  	_ =	shalt  }
0x73: {  	_ =	shalt  }
0x74: {  	_ =	shalt  }
0x75: {  	_ =	shalt  }
0x76: {  	_ =	shalt  }
0x77: {  	_ =	shalt  }
0x78: {  	_ =	shalt  }
0x79: {  	_ =	shalt  }
0x7a: {  	_ =	shalt  }
0x7b: {  	_ =	shalt  }
0x7c: {  	_ =	shalt  }
0x7d: {  	_ =	shalt  }
0x7e: {  	_ =	shalt  }
0x7f: {  	_ =	shalt  }
0x80: {  	_ =	shalt  }
0x81: {  	_ =	shalt  }
0x82: {  	_ =	shalt  }
0x83: {  	_ =	shalt  }
0x84: {  	_ =	shalt  }
0x85: {  	_ =	shalt  }
0x86: {  	_ =	shalt  }
0x87: {  	_ =	shalt  }
.Lfunc_end0:
.L_simem_size_0:
called_computation_lowered:
.L_overlay_start_0:
0x88: {  	s2 =	sld [smem:$0x3FD9]  }
0x89: {  	s3 =	sld [smem:$0x3FFE];
	_ =	sdelay $0x1  }
0x8a: {  	s1 =	srdreg.scid  }
0x8b: {  	s0 =	sand.u32 $0x1, s1  }
0x8c: {  	s18 =	sshll.u32 s0, $0xA;
	s2 =	sadd.s32 s3, s2  }
0x8d: {  	s2 =	sadd.s32 s2, s18  }
0x8e: {  	[smem:$0x3FC6] =	sst s2  }
0x8f: {  	_ = 	snop  }
0x90: {  	s2 =	sld [smem:$0x3FC9]  }
0x91: {  	s19 =	sld [smem:$0x3FC8]  }
0x92: {  	s4 =	sld [smem:$0x3FD0];
	(tm) =	ssettm $0x1  }
0x93: {  	s5 =	sld [smem:$0x3FFB];
	_ =	sdelay $0x3  }
0x94: {  	_ =	strace s5  }
0x95: {  	s5 =	sld [smem:$0x3FFC];
	_ =	sdelay $0x3  }
0x96: {  	_ =	strace s5  }
0x97: {  	s5 =	sld [smem:$0x3FFD];
	_ =	sdelay $0x3  }
0x98: {  	_ =	strace s5  }
0x99: {  	_ =	strace $0x8FFFFFFF  }
0x9a: {  	s20 =	sld [smem:$0x3FDB];
	_ =	sdelay $0x1  }
0x9b: {  	s6 =	simm.s32 $_scs_section_size  }
0x9c: {  	s7 =	simm.s32 $_size__tile_overlayer_lowered;
	s8 =	simm.s32 $_tile_overlayer_lowered  }
0x9d: {  	s23 =	simm.s32 $0x1BFF;
	s22 =	sshll.u32 s8, $0x1;
	s5 =	sadd.s32 s6, s20  }
0x9e: {  	s9 =	simm.s32 $0x0;
	s21 =	sshll.u32 s7, $0x1;
	s7 =	sadd.s32 s22, s5  }
0x9f: {  	[timem:s9], [sflag:s23] =	dma.local [hbm:s7], s21  }
0xa0: {  	_ =	swait.ge [sflag:s23], s21  }
0xa1: {  	s6 =	ssub.s32 $0x0, s21;
	[sflag:s23] =	ssyncset.done $0x0  }
0xa2: {  	[sflag:s23] =	ssyncadd.s32 s6;
	_ =	sdelay $0x1  }
0xa3: {  	s24 =	simm.s32 $0x1B8B  }
0xa4: {  	_ =	swait.ge [sflag:s24], $0x1  }
0xa5: {  	[sflag:s24] =	ssyncset.done $0x0  }
0xa6: {  	s25 =	simm.s32 $0x1B8E;
	[sflag:s24] =	ssyncadd.s32 $0xFFFFFFFF  }
0xa7: {  	s26 =	simm.s32 $execute0_lowered;
	[smem:$0x3FD2] =	sst s25  }
0xa8: {  	s6 =	sshll.u32 s26, $0x1;
	_ =	strace $0x80000046;
	[dreg:$0x1] =	wrdreg $0xFFFFFFFF  }
0xa9: {  	s28 =	simm.s32 $_size_execute0_lowered;
	s5 =	sadd.s32 s5, s6;
	[dreg:$0x0] =	wrdreg $0x0  }
0xaa: {  	s6 =	sshll.u32 s28, $0x1;
	[dreg:$0x2] =	wrdreg s5  }
0xab: {  	[dreg:$0x3] =	wrdreg s6  }
0xac: {  	[dreg:$0x4] =	wrdreg $0xC0  }
0xad: {  	_ =	task [dreg:s9], $0x5FFFF  }
0xae: {  	[dreg:$0x1] =	wrdreg $0xFFFFFFFF  }
0xaf: {  	[dreg:$0x0] =	wrdreg $0x60  }
0xb0: {  	[dreg:$0x2] =	wrdreg s2  }
0xb1: {  	[dreg:$0x3] =	wrdreg s19  }
0xb2: {  	[dreg:$0x4] =	wrdreg s4  }
0xb3: {  	[dreg:$0x5] =	wrdreg $0x9  }
0xb4: {  	_ =	task.clear_ibuf [dreg:s9], $0x6FFFF;
	_ =	strace $0x90000046  }
0xb5: {  	s29 =	simm.s32 $0x9;
	_ =	strace $0x80000048  }
0xb6: {  	_ =	swait.ge [sflag:s29], $0x1  }
0xb7: {  	[sflag:s29] =	ssyncadd.s32 $0xFFFFFFFF  }
0xb8: {  	_ =	strace $0x90000048  }
0xb9: {  	_ =	sfence  }
0xba: {  	s30 =	sld [smem:$0x0];
	_ =	sdelay $0x2  }
0xbb: {  	s31 =	sshll.u32 s1, $0xD;
	s1 =	sshrl.u32 s1, $0x2  }
0xbc: {  	s3 =	sand.u32 $0x4000, s31;
	s1 =	sadd.s32 s1, s30  }
0xbd: {  	s0 =	sor.u32 s3, s0;
	s1 =	sshll.u32 s1, $0x11  }
0xbe: {  	s0 =	sor.u32 s1, s0  }
0xbf: {  	s0 =	sadd.s32 $0x8F2B, s0  }
0xc0: {  	[sflag:s0] =	ssyncadd.remote.s32 $0x1  }
0xc1: {  	_ =	sfence.sel $0xFFFF  }
0xc2: {  	[dreg:$0x0] =	wrdreg $0xFFFFFFFF;
	(pc) =	sbr.abs _section_cstart, $3  }
0xc3: {  	[dreg:$0x1] =	wrdreg $0xFFFFFFFF  }
0xc4: {  	_ =	task.clear_ibuf [dreg:s9], $0x2FFFF;
	_ =	strace $0x9FFFFFFF  }
0xc5: {  	(tm) =	ssettm $0x7FFFFFFF  }
tec
execute0_lowered:
.L_overlay_start_1:
0x0: {  	(tag) =	ssettag $0x1  }
0x1: {  	s1 =	srdreg.scid;
	s0 =	stileid.u32  }
0x2: {  	s4 =	rddreg [dreg:$0x0];
	s15 =	sand.u32 $0x1, s1;
	s30 =	sshll.u32 s0, $0x1  }
0x3: {  	s2 =	rddreg [dreg:$0x1];
	s16 =	sor.u32 s15, s30  }
0x4: {  	s17 =	rddreg [dreg:$0x2];
	s8 =	sshll.u32 s16, $0xA  }
0x5: {  	s1 =	sshll.u32 s16, $0xF;
	s5 =	sshll.u32 s16, $0x7;
	s3 =	sand.u32 $0x6000, s8  }
0x6: {  	s7 =	simm.s32 $0x400;
	s5 =	sand.u32 $0x380, s5;
	s6 =	sor.u32 s1, s3  }
0x7: {  	s1 =	rddreg [dreg:$0x3];
	s3 =	simm.s32 $0x0;
	s5 =	sor.u32 s5, s6  }
0x8: {  	[smem:$0x7FF] =	sst s3;
	s6 =	simm.s32 $0x80;
	s5 =	sshrl.u32 s5, $0x3  }
0x9: {  	_ =	strace $0x80000047;
	s4 =	sadd.s32 s4, s5;
	s5 =	simm.s32 $0x2  }
0xa: {  	[tilespmem:s3], [sflag:$0x2] =	stream.strided.gather [hbm4b:s4+s6], $0x400, s7, s6, $0x38;
	[tilespmem:$0x3400] =	vst v63  }
0xb: {  	_ =	swait.ge [sflag:s5], $0x400  }
0xc: {  	vm0 =	vcmask $0xB08;
	vm1 =	vcmask $0x300;
	[sflag:s5] =	ssyncset.done $0x0  }
0xd: {  	vm5 =	vcmask $0x1310;
	vm0 =	vmor vm1, vm0;
	[sflag:s5] =	ssyncadd.s32 $0xFFFFFC00  }
0xe: {  	vm6 =	vcmask $0x1B18;
	vm0 =	vmor vm0, vm5;
	v0 =	vld [tilespmem:$0x0]  }
0xf: {  	vm7 =	vcmask $0x2320;
	vm0 =	vmor vm0, vm6;
	v1 =	vld [tilespmem:$0x10]  }
0x10: {  	vm8 =	vcmask $0x2B28;
	vm0 =	vmor vm0, vm7  }
0x11: {  	vm9 =	vcmask $0x3330;
	vm0 =	vmor vm0, vm8;
	v2 =	vld [tilespmem:$0x40]  }
0x12: {  	vm10 =	vcmask $0x3B38;
	vm0 =	vmor vm0, vm9  }
0x13: {  	vm15 =	vmor vm0, vm10;
	v3 =	vld [tilespmem:$0x50]  }
0x14: {  	v59 =	vnsel vm15, $0xF149F2CA, v0;
	v60 =	vnsel vm15, $0xF149F2CA, v1  }
0x15: {  	v25 =	vld [tilespmem:$0x80];
	vm7 =	vgt.f32 v60, v59  }
0x16: {  	v63 =	vnsel vm15, $0xF149F2CA, v2;
	v1 =	vsel vm7, v60, v59  }
0x17: {  	v26 =	vld [tilespmem:$0x90];
	vm9 =	vgt.f32 v63, v1  }
0x18: {  	v34 =	vnsel vm15, $0xF149F2CA, v3;
	v1 =	vsel vm9, v63, v1  }
0x19: {  	v27 =	vld [tilespmem:$0xC0];
	vm11 =	vgt.f32 v34, v1  }
0x1a: {  	v31 =	vnsel vm15, $0xF149F2CA, v25;
	v32 =	vsel vm11, v34, v1  }
0x1b: {  	v33 =	vld [tilespmem:$0xD0];
	vm13 =	vgt.f32 v31, v32  }
0x1c: {  	v47 =	vnsel vm15, $0xF149F2CA, v26;
	v0 =	vsel vm13, v31, v32  }
0x1d: {  	v35 =	vld [tilespmem:$0x100];
	vm14 =	vgt.f32 v47, v0  }
0x1e: {  	v37 =	vnsel vm15, $0xF149F2CA, v27;
	v0 =	vsel vm14, v47, v0  }
0x1f: {  	v36 =	vld [tilespmem:$0x110];
	vm12 =	vgt.f32 v37, v0  }
0x20: {  	v42 =	vnsel vm15, $0xF149F2CA, v33;
	v0 =	vsel vm12, v37, v0  }
0x21: {  	v38 =	vld [tilespmem:$0x140];
	vm10 =	vgt.f32 v42, v0  }
0x22: {  	v40 =	vnsel vm15, $0xF149F2CA, v35;
	v0 =	vsel vm10, v42, v0  }
0x23: {  	v43 =	vld [tilespmem:$0x150];
	vm8 =	vgt.f32 v40, v0  }
0x24: {  	v3 =	vnsel vm15, $0xF149F2CA, v36;
	v0 =	vsel vm8, v40, v0  }
0x25: {  	v4 =	vld [tilespmem:$0x180];
	vm6 =	vgt.f32 v3, v0  }
0x26: {  	v5 =	vnsel vm15, $0xF149F2CA, v38;
	v0 =	vsel vm6, v3, v0  }
0x27: {  	v44 =	vld [tilespmem:$0x190];
	vm4 =	vgt.f32 v5, v0  }
0x28: {  	v2 =	vnsel vm15, $0xF149F2CA, v43;
	v0 =	vsel vm4, v5, v0  }
0x29: {  	v45 =	vld [tilespmem:$0x1C0];
	vm2 =	vgt.f32 v2, v0  }
0x2a: {  	v7 =	vnsel vm15, $0xF149F2CA, v4;
	v46 =	vsel vm2, v2, v0  }
0x2b: {  	v6 =	vld [tilespmem:$0x1D0];
	vm0 =	vgt.f32 v7, v46  }
0x2c: {  	v50 =	vld [tilespmem:$0x200];
	v0 =	vnsel vm15, $0xF149F2CA, v44;
	v48 =	vsel vm0, v7, v46  }
0x2d: {  	vm1 =	vgt.f32 v0, v48  }
0x2e: {  	v49 =	vlaneseq.u32;
	v51 =	vnsel vm15, $0xF149F2CA, v45;
	v52 =	vsel vm1, v0, v48  }
0x2f: {  	v56 =	vshrl.u32 v49, $0x1;
	v8 =	vld [tilespmem:$0x210];
	vm3 =	vgt.f32 v51, v52  }
0x30: {  	v33 =	vmul.u32 $0xFFFFFFFF, v56;
	v9 =	vnsel vm15, $0xF149F2CA, v6;
	[tilespmem:$0x1FA40] =	vst v5;
	v5 =	vsel vm3, v51, v52  }
0x31: {  	v54 =	vld [tilespmem:$0x240];
	v38 =	vnsel vm15, $0xF149F2CA, v50;
	vm5 =	vgt.f32 v9, v5  }
0x32: {  	v53 =	vadd.s32 $0x80000000, v33;
	v55 =	vadd.s32 $0x7FFFFFF8, v33;
	v57 =	vsel vm5, v9, v5  }
0x33: {  	v58 =	vld [tilespmem:$0x250];
	v10 =	vsel vm7, v55, v53;
	vm7 =	vgt.f32 v38, v57  }
0x34: {  	[tilespmem:$0x1FA50] =	vst v7;
	v61 =	vadd.s32 $0x7FFFFFF0, v33;
	v1 =	vnsel vm15, $0xF149F2CA, v8;
	v7 =	vsel vm7, v38, v57  }
0x35: {  	v62 =	vld [tilespmem:$0x280];
	v10 =	vsel vm9, v61, v10;
	vm9 =	vgt.f32 v1, v7  }
0x36: {  	v45 =	vnsel vm15, $0xF149F2CA, v54;
	v12 =	vadd.s32 $0x7FFFFFE8, v33;
	v13 =	vsel vm9, v1, v7  }
0x37: {  	v11 =	vld [tilespmem:$0x290];
	v14 =	vsel vm11, v12, v10;
	vm11 =	vgt.f32 v45, v13  }
0x38: {  	v41 =	vnsel vm15, $0xF149F2CA, v58;
	v15 =	vadd.s32 $0x7FFFFFE0, v33;
	v16 =	vsel vm11, v45, v13  }
0x39: {  	v17 =	vld [tilespmem:$0x2C0];
	v7 =	vsel vm13, v15, v14;
	vm13 =	vgt.f32 v41, v16  }
0x3a: {  	v18 =	vadd.s32 $0x7FFFFFD8, v33;
	[tilespmem:$0x1FCA0] =	vst v53;
	v53 =	vnsel vm15, $0xF149F2CA, v62;
	v19 =	vsel vm13, v41, v16  }
0x3b: {  	[tilespmem:$0x1FCE0] =	vst v12;
	v12 =	vld [tilespmem:$0x2D0];
	v20 =	vsel vm14, v18, v7;
	vm14 =	vgt.f32 v53, v19  }
0x3c: {  	v21 =	vadd.s32 $0x7FFFFFD0, v33;
	v48 =	vnsel vm15, $0xF149F2CA, v11;
	v22 =	vsel vm14, v53, v19  }
0x3d: {  	[tilespmem:$0x1FA70] =	vst v9;
	v23 =	vadd.s32 $0x7FFFFFC8, v33;
	v13 =	vld [tilespmem:$0x300];
	v9 =	vsel vm12, v21, v20;
	vm12 =	vgt.f32 v48, v22  }
0x3e: {  	v26 =	vadd.s32 $0x7FFFFFC0, v33;
	[tilespmem:$0x1FCC0] =	vst v61;
	v61 =	vnsel vm15, $0xF149F2CA, v17;
	v24 =	vsel vm12, v48, v22  }
0x3f: {  	v28 =	vadd.s32 $0x7FFFFFA8, v33;
	v14 =	vld [tilespmem:$0x310];
	v25 =	vsel vm10, v23, v9;
	vm10 =	vgt.f32 v61, v24  }
0x40: {  	v29 =	vadd.s32 $0x7FFFFFA0, v33;
	v57 =	vnsel vm15, $0xF149F2CA, v12;
	v27 =	vsel vm10, v61, v24  }
0x41: {  	v30 =	vadd.s32 $0x7FFFFF98, v33;
	[tilespmem:$0x1FCF0] =	vst v15;
	v16 =	vld [tilespmem:$0x340];
	v15 =	vsel vm8, v26, v25;
	vm8 =	vgt.f32 v57, v27  }
0x42: {  	v8 =	vadd.s32 $0x7FFFFFB8, v33;
	v58 =	vnsel vm15, $0xF149F2CA, v13;
	v17 =	vsel vm8, v57, v27  }
0x43: {  	v35 =	vadd.s32 $0x7FFFFF88, v33;
	[tilespmem:$0x1FD20] =	vst v18;
	v18 =	vld [tilespmem:$0x350];
	v15 =	vsel vm6, v8, v15;
	vm6 =	vgt.f32 v58, v17  }
0x44: {  	v7 =	vadd.s32 $0x7FFFFFB0, v33;
	v54 =	vnsel vm15, $0xF149F2CA, v14;
	v17 =	vsel vm6, v58, v17  }
0x45: {  	v36 =	vadd.s32 $0x7FFFFF80, v33;
	[tilespmem:$0x1FCB0] =	vst v55;
	v19 =	vld [tilespmem:$0x380];
	v20 =	vsel vm4, v7, v15;
	vm4 =	vgt.f32 v54, v17  }
0x46: {  	v39 =	vadd.s32 $0x7FFFFF78, v33;
	[tilespmem:$0x1FD40] =	vst v21;
	v5 =	vmovc v55;
	v55 =	vnsel vm15, $0xF149F2CA, v16;
	v21 =	vsel vm4, v54, v17  }
0x47: {  	v50 =	vadd.s32 $0x7FFFFF70, v33;
	v20 =	vsel vm2, v28, v20;
	v22 =	vld [tilespmem:$0x390];
	vm2 =	vgt.f32 v55, v21  }
0x48: {  	[tilespmem:$0x1FA60] =	vst v51;
	v62 =	vadd.s32 $0x7FFFFF68, v33;
	v51 =	vnsel vm15, $0xF149F2CA, v18;
	v21 =	vsel vm2, v55, v21  }
0x49: {  	[tilespmem:$0x1FD70] =	vst v23;
	v32 =	vadd.s32 $0x7FFFFF90, v33;
	v9 =	vmovc v23;
	v23 =	vld [tilespmem:$0x3C0];
	v20 =	vsel vm0, v29, v20;
	vm0 =	vgt.f32 v51, v21  }
0x4a: {  	v20 =	vsel vm1, v30, v20;
	v49 =	vnsel vm15, $0xF149F2CA, v19;
	v21 =	vsel vm0, v51, v21  }
0x4b: {  	v14 =	vimm.s32 $0x0;
	v24 =	vld [tilespmem:$0x3D0];
	v20 =	vsel vm3, v32, v20;
	vm1 =	vgt.f32 v49, v21  }
0x4c: {  	v52 =	vsel vm5, v35, v20;
	v46 =	vnsel vm15, $0xF149F2CA, v22;
	v21 =	vsel vm1, v49, v21  }
0x4d: {  	v4 =	vsel vm15, $0xFFFFFFFF, v14;
	v22 =	vsel vm7, v36, v52;
	vm3 =	vgt.f32 v46, v21  }
0x4e: {  	v43 =	vnsel vm15, $0xF149F2CA, v23;
	v22 =	vsel vm9, v39, v22;
	v12 =	vsel vm3, v46, v21  }
0x4f: {  	v13 =	vadd.s32 $0x7FFFFF60, v33;
	v22 =	vsel vm11, v50, v22;
	vm11 =	vgt.f32 v43, v12  }
0x50: {  	[tilespmem:$0x1FEA0] =	vst v39;
	v39 =	vnsel vm15, $0xF149F2CA, v24;
	v15 =	vsel vm13, v62, v22;
	v25 =	vsel vm11, v43, v12  }
0x51: {  	[tilespmem:$0x1FD90] =	vst v26;
	v16 =	vadd.s32 $0x7FFFFF58, v33;
	v24 =	vsel vm14, v13, v15;
	vm15 =	vgt.f32 v39, v25  }
0x52: {  	[tilespmem:$0x1FE70] =	vst v35;
	v17 =	vadd.s32 $0x7FFFFF50, v33;
	v26 =	vsel vm12, v16, v24;
	v35 =	vsel vm15, v39, v25  }
0x53: {  	v18 =	vadd.s32 $0x7FFFFF48, v33;
	v26 =	vsel vm10, v17, v26;
	(xrf0) =	vmax.scan.msk.f32 $0xffff, v35  }
0x54: {  	v19 =	vadd.s32 $0x7FFFFF40, v33;
	v27 =	vsel vm8, v18, v26  }
0x55: {  	[tilespmem:$0x1FE00] =	vst v28;
	v20 =	vadd.s32 $0x7FFFFF38, v33;
	v28 =	vsel vm6, v19, v27  }
0x56: {  	[tilespmem:$0x1FE20] =	vst v29;
	v28 =	vsel vm4, v20, v28;
	v21 =	vadd.s32 $0x7FFFFF30, v33  }
0x57: {  	[tilespmem:$0x1FE40] =	vst v30;
	v22 =	vadd.s32 $0x7FFFFF28, v33;
	v29 =	vsel vm2, v21, v28  }
0x58: {  	[tilespmem:$0x1FE90] =	vst v36;
	v23 =	vadd.s32 $0x7FFFFF20, v33;
	v30 =	vsel vm0, v22, v29  }
0x59: {  	[tilespmem:$0x1FE60] =	vst v32;
	v24 =	vimm.s32 $0xF;
	v32 =	vsel vm1, v23, v30;
	v25 =	vadd.s32 $0x7FFFFF18, v33;
	v36, _, _ =	vpop (xrf0)  }
0x5a: {  	[tilespmem:$0x1FED0] =	vst v62;
	v26 =	vadd.s32 $0x7FFFFF10, v33;
	v62 =	vsel vm3, v25, v32;
	v36 =	vperm.xlane v36, v24  }
0x5b: {  	v27 =	vadd.s32 $0x7FFFFF08, v33;
	v62 =	vsel vm11, v26, v62  }
0x5c: {  	v28 =	vsel vm15, v27, v62;
	vm6 =	veq.f32 v35, v36  }
0x5d: {  	v35 =	vnsel vm6, $0x7FFFF000, v28  }
0x5e: {  	(xrf0) =	vmax.scan.msk.u32 $0xffff, v35;
	_ =	sdelay $0x4  }
0x5f: {  	[tilespmem:$0x1FEC0] =	vst v50  }
0x60: {  	v11 =	vimm.s32 $0x0;
	v14 =	vimm.s32 $0x0;
	[tilespmem:$0x1FA30] =	vst v4;
	v35, _, _ =	vpop (xrf0)  }
0x61: {  	[tilespmem:$0x1FEF0] =	vst v16;
	v52 =	vor.u32 $0x10, v56;
	v50 =	vor.u32 $0x18, v56;
	v35 =	vxor.u32 $0x80000000, v35  }
0x62: {  	[tilespmem:$0x1FF60] =	vst v23;
	v16 =	vimm.s32 $0x0;
	v29 =	vor.u32 $0x8, v56;
	v4 =	vperm.xlane v35, v24  }
0x63: {  	v12 =	vimm.s32 $0x0;
	v23 =	vor.u32 $0x70, v56;
	[tilespmem:$0x1FF70] =	vst v25;
	v25 =	vor.u32 $0x58, v56  }
0x64: {  	[tilespmem:$0x1FAD0] =	vst v27;
	v27 =	vor.u32 $0x50, v56;
	v28 =	vor.u32 $0x48, v56;
	v35 =	vsub.s32 $0x0, v4  }
0x65: {  	v24 =	vor.u32 $0x80, v56;
	vm7 =	veq.s32 v35, v56;
	vm8 =	veq.s32 v35, v29  }
0x66: {  	[tilespmem:$0x1FAF0] =	vst v29;
	vm9 =	veq.s32 v35, v52;
	vm10 =	veq.s32 v35, v50;
	v29 =	vor.u32 $0x40, v56  }
0x67: {  	vm5 =	veq.s32 v35, v24;
	v30 =	vsel vm7, $0xF149F2CA, v59;
	v60 =	vsel vm8, $0xF149F2CA, v60  }
0x68: {  	v32 =	vsel vm9, $0xF149F2CA, v63;
	v59 =	vsel vm10, $0xF149F2CA, v34;
	vm2 =	vgt.f32 v60, v30  }
0x69: {  	v63 =	vimm.s32 $0x0;
	vm7 =	veq.s32 v35, v29;
	v33 =	vsel vm2, v60, v30  }
0x6a: {  	vm9 =	veq.s32 v35, v28;
	vm10 =	veq.s32 v35, v27;
	v44 =	vmovc v32;
	vm3 =	vgt.f32 v32, v33  }
0x6b: {  	v40 =	vsel vm7, $0xF149F2CA, v40;
	v36 =	vsel vm3, v44, v33;
	v44 =	vor.u32 $0x20, v56  }
0x6c: {  	[tilespmem:$0x1FB00] =	vst v30;
	v62 =	vmovc v59;
	v30 =	vor.u32 $0x38, v56;
	vm11 =	veq.s32 v35, v44;
	vm12 =	vgt.f32 v59, v36  }
0x6d: {  	[tilespmem:$0x1FF40] =	vst v21;
	v33 =	vor.u32 $0x28, v56;
	v10 =	vsel vm11, $0xF149F2CA, v31;
	v36 =	vsel vm12, v62, v36  }
0x6e: {  	v21 =	vld [tilespmem:$0x1FA60];
	[tilespmem:$0x1FB20] =	vst v32;
	v32 =	vor.u32 $0x30, v56;
	vm13 =	veq.s32 v35, v33;
	vm1 =	vgt.f32 v10, v36  }
0x6f: {  	vm15 =	veq.s32 v35, v30;
	v47 =	vsel vm13, $0xF149F2CA, v47;
	v36 =	vsel vm1, v10, v36  }
0x70: {  	[tilespmem:$0x1FF90] =	vst v4;
	vm14 =	veq.s32 v35, v32;
	v4 =	vsel vm1, $0xFFFFFFFF, v11;
	vm1 =	vgt.f32 v47, v36  }
0x71: {  	[tilespmem:$0x1FEE0] =	vst v13;
	v42 =	vsel vm15, $0xF149F2CA, v42;
	v13 =	vsel vm14, $0xF149F2CA, v37;
	v36 =	vsel vm1, v47, v36  }
0x72: {  	[tilespmem:$0x1FF50] =	vst v22;
	v22 =	vld [tilespmem:$0x1FA70];
	vm15 =	veq.s32 v35, v23;
	v37 =	vsel vm9, $0xF149F2CA, v3;
	vm6 =	vgt.f32 v13, v36  }
0x73: {  	[tilespmem:$0x1FF80] =	vst v26;
	v26 =	vsel vm15, $0xF149F2CA, v21;
	v21 =	vor.u32 $0x90, v56;
	v36 =	vsel vm6, v13, v36  }
0x74: {  	[tilespmem:$0x1FF00] =	vst v17;
	v17 =	vld [tilespmem:$0x1FA40];
	v6 =	vsel vm12, $0xFFFFFFFF, v63;
	vm12 =	veq.s32 v35, v25;
	vm8 =	vgt.f32 v42, v36  }
0x75: {  	v34 =	vsel vm12, $0xF149F2CA, v2;
	v2 =	vor.u32 $0x78, v56;
	v36 =	vsel vm8, v42, v36  }
0x76: {  	[tilespmem:$0x1FF10] =	vst v18;
	vm15 =	veq.s32 v35, v21;
	vm4 =	veq.s32 v35, v2;
	vm7 =	vgt.f32 v40, v36  }
0x77: {  	[tilespmem:$0x1FB90] =	vst v13;
	v63 =	vsel vm4, $0xF149F2CA, v22;
	v22 =	vsel vm5, $0xF149F2CA, v38;
	v15 =	vsel vm7, v40, v36  }
0x78: {  	v18 =	vld [tilespmem:$0x1FA50];
	[tilespmem:$0x1FA90] =	vst v4;
	v4 =	vsel vm1, $0xFFFFFFFF, v12;
	v13 =	vor.u32 $0xB8, v56;
	vm11 =	vgt.f32 v37, v15  }
0x79: {  	[tilespmem:$0x1FAA0] =	vst v4;
	v4 =	vsel vm8, $0xFFFFFFFF, v14;
	v36 =	vsel vm10, $0xF149F2CA, v17;
	v62 =	vsel vm11, v37, v15  }
0x7a: {  	v14 =	vor.u32 $0xA8, v56;
	[tilespmem:$0x1FAB0] =	vst v4;
	v3 =	vsel vm11, $0xFFFFFFFF, v16;
	vm8 =	vgt.f32 v36, v62  }
0x7b: {  	v4 =	vor.u32 $0x68, v56;
	[tilespmem:$0x1FAC0] =	vst v3;
	v3 =	vor.u32 $0x60, v56;
	v62 =	vsel vm8, v36, v62  }
0x7c: {  	vm0 =	veq.s32 v35, v14;
	vm13 =	veq.s32 v35, v3;
	vm9 =	vgt.f32 v34, v62  }
0x7d: {  	[tilespmem:$0x1FF20] =	vst v19;
	vm14 =	veq.s32 v35, v4;
	v31 =	vsel vm13, $0xF149F2CA, v18;
	v19 =	vsel vm9, v34, v62  }
0x7e: {  	[tilespmem:$0x1FB40] =	vst v59;
	v59 =	vld [tilespmem:$0x1FCA0];
	v15 =	vor.u32 $0x98, v56;
	v18 =	vor.u32 $0xA0, v56;
	vm10 =	vgt.f32 v31, v19  }
0x7f: {  	[tilespmem:$0x1FF30] =	vst v20;
	v62 =	vsel vm14, $0xF149F2CA, v0;
	vm5 =	veq.s32 v35, v18;
	v20 =	vsel vm10, v31, v19  }
0x80: {  	vm4 =	veq.s32 v35, v15;
	v38 =	vsel vm5, $0xF149F2CA, v53;
	vm12 =	vgt.f32 v62, v20  }
0x81: {  	[tilespmem:$0x1FA80] =	vst v6;
	v53 =	vsel vm0, $0xF149F2CA, v48;
	v19 =	vor.u32 $0xB0, v56;
	v0 =	vsel vm12, v62, v20  }
0x82: {  	[tilespmem:$0x1FB60] =	vst v10;
	v10 =	vld [tilespmem:$0x1FCC0];
	v20 =	vsel vm15, $0xF149F2CA, v45;
	v45 =	vsel vm4, $0xF149F2CA, v41;
	vm4 =	veq.s32 v35, v19  }
0x83: {  	vm0 =	veq.s32 v35, v13;
	v41 =	vsel vm4, $0xF149F2CA, v61;
	v61 =	vsel vm2, v5, v59;
	v59 =	vld [tilespmem:$0x1FA80]  }
0x84: {  	v48 =	vsel vm0, $0xF149F2CA, v57;
	v57 =	vld [tilespmem:$0x1FCE0];
	_ =	sdelay $0x3  }
0x85: {  	v11 =	vsel vm3, v10, v61;
	v10 =	vld [tilespmem:$0x1FCF0];
	vm0 =	vnez.u8 v59  }
0x86: {  	v12 =	vor.u32 $0xC0, v56;
	v61 =	vsel vm0, v57, v11;
	v11 =	vld [tilespmem:$0x1FA90]  }
0x87: {  	v17 =	vor.u32 $0x88, v56;
	v59 =	vld [tilespmem:$0x1FAA0];
	vm0 =	veq.s32 v35, v12  }
0x88: {  	vm11 =	veq.s32 v35, v17;
	v57 =	vsel vm0, $0xF149F2CA, v58;
	v58 =	vld [tilespmem:$0x1FD20]  }
0x89: {  	v16 =	vsel vm11, $0xF149F2CA, v1;
	v1 =	vld [tilespmem:$0x1FD40];
	_ =	sdelay $0x1  }
0x8a: {  	vm1 =	vnez.u8 v11  }
0x8b: {  	v6 =	vld [tilespmem:$0x1FAB0];
	vm0 =	vnez.u8 v59;
	v61 =	vsel vm1, v10, v61  }
0x8c: {  	v59 =	vld [tilespmem:$0x1FD90];
	v61 =	vsel vm0, v58, v61  }
0x8d: {  	v58 =	vsel vm6, v1, v61;
	v61 =	vld [tilespmem:$0x1FAC0]  }
0x8e: {  	v11 =	vor.u32 $0xC8, v56  }
0x8f: {  	vm0 =	veq.s32 v35, v11  }
0x90: {  	v10 =	vor.u32 $0xD0, v56;
	v54 =	vsel vm0, $0xF149F2CA, v54;
	vm0 =	vnez.u8 v6  }
0x91: {  	v58 =	vsel vm0, v9, v58;
	vm0 =	veq.s32 v35, v10  }
0x92: {  	v5 =	vld [tilespmem:$0x1FE00];
	v58 =	vsel vm7, v59, v58;
	v55 =	vsel vm0, $0xF149F2CA, v55;
	vm0 =	vnez.u8 v61  }
0x93: {  	v6 =	vld [tilespmem:$0x1FE20];
	v58 =	vsel vm0, v8, v58  }
0x94: {  	[tilespmem:$0x1FDE0] =	vst v7;
	v58 =	vsel vm8, v7, v58;
	v7 =	vld [tilespmem:$0x1FE40]  }
0x95: {  	v59 =	vld [tilespmem:$0x1FE60]  }
0x96: {  	v61 =	vld [tilespmem:$0x1FE70]  }
0x97: {  	vm14 =	vgt.f32 v26, v0;
	v58 =	vsel vm9, v5, v58  }
0x98: {  	v0 =	vsel vm14, v26, v0;
	v58 =	vsel vm10, v6, v58  }
0x99: {  	vm13 =	vgt.f32 v63, v0;
	v5 =	vld [tilespmem:$0x1FE90];
	v58 =	vsel vm12, v7, v58  }
0x9a: {  	v0 =	vsel vm13, v63, v0;
	v58 =	vsel vm14, v59, v58;
	v59 =	vld [tilespmem:$0x1FEA0]  }
0x9b: {  	vm15 =	vgt.f32 v22, v0;
	v58 =	vsel vm13, v61, v58;
	v61 =	vld [tilespmem:$0x1FEC0]  }
0x9c: {  	v0 =	vsel vm15, v22, v0  }
0x9d: {  	vm11 =	vgt.f32 v16, v0  }
0x9e: {  	v0 =	vsel vm11, v16, v0;
	v58 =	vsel vm15, v5, v58;
	v5 =	vor.u32 $0xF8, v56  }
0x9f: {  	vm5 =	vgt.f32 v20, v0;
	vm13 =	veq.s32 v35, v5;
	v58 =	vsel vm11, v59, v58  }
0xa0: {  	v0 =	vsel vm5, v20, v0;
	v61 =	vsel vm5, v61, v58;
	v58 =	vsel vm13, $0xF149F2CA, v39;
	v39 =	vld [tilespmem:$0x1FED0]  }
0xa1: {  	vm4 =	vgt.f32 v45, v0  }
0xa2: {  	v0 =	vsel vm4, v45, v0  }
0xa3: {  	vm3 =	vgt.f32 v38, v0  }
0xa4: {  	v0 =	vsel vm3, v38, v0  }
0xa5: {  	vm2 =	vgt.f32 v53, v0;
	v59 =	vsel vm4, v39, v61;
	v61 =	vld [tilespmem:$0x1FEE0]  }
0xa6: {  	v0 =	vsel vm2, v53, v0  }
0xa7: {  	vm1 =	vgt.f32 v41, v0  }
0xa8: {  	v0 =	vsel vm1, v41, v0  }
0xa9: {  	vm6 =	vgt.f32 v48, v0  }
0xaa: {  	v0 =	vsel vm6, v48, v0;
	v39 =	vsel vm3, v61, v59;
	v59 =	vld [tilespmem:$0x1FEF0]  }
0xab: {  	vm7 =	vgt.f32 v57, v0  }
0xac: {  	v0 =	vsel vm7, v57, v0  }
0xad: {  	v9 =	vor.u32 $0xD8, v56;
	vm8 =	vgt.f32 v54, v0;
	v61 =	vld [tilespmem:$0x1FF00]  }
0xae: {  	vm0 =	veq.s32 v35, v9;
	v0 =	vsel vm8, v54, v0  }
0xaf: {  	[tilespmem:$0x1FDC0] =	vst v8;
	v8 =	vor.u32 $0xE0, v56;
	vm9 =	vgt.f32 v55, v0;
	v39 =	vsel vm2, v59, v39;
	v59 =	vld [tilespmem:$0x1FF10]  }
0xb0: {  	v51 =	vsel vm0, $0xF149F2CA, v51;
	vm0 =	veq.s32 v35, v8;
	v0 =	vsel vm9, v55, v0  }
0xb1: {  	v49 =	vsel vm0, $0xF149F2CA, v49;
	vm10 =	vgt.f32 v51, v0;
	v7 =	vor.u32 $0xE8, v56  }
0xb2: {  	v0 =	vsel vm10, v51, v0;
	vm12 =	veq.s32 v35, v7;
	v39 =	vsel vm1, v61, v39;
	v61 =	vld [tilespmem:$0x1FF20]  }
0xb3: {  	v6 =	vor.u32 $0xF0, v56;
	v46 =	vsel vm12, $0xF149F2CA, v46;
	vm0 =	vgt.f32 v49, v0  }
0xb4: {  	vm12 =	veq.s32 v35, v6;
	v0 =	vsel vm0, v49, v0;
	v39 =	vsel vm6, v59, v39;
	v59 =	vld [tilespmem:$0x1FF30]  }
0xb5: {  	v43 =	vsel vm12, $0xF149F2CA, v43;
	vm12 =	vgt.f32 v46, v0  }
0xb6: {  	v0 =	vsel vm12, v46, v0  }
0xb7: {  	vm14 =	vgt.f32 v43, v0;
	v39 =	vsel vm7, v61, v39;
	v61 =	vld [tilespmem:$0x1FF40]  }
0xb8: {  	v0 =	vsel vm14, v43, v0  }
0xb9: {  	vm15 =	vgt.f32 v58, v0;
	v39 =	vsel vm8, v59, v39;
	v59 =	vld [tilespmem:$0x1FF50]  }
0xba: {  	v0 =	vsel vm15, v58, v0  }
0xbb: {  	(xrf0) =	vmax.scan.msk.f32 $0xffff, v0  }
0xbc: {  	v39 =	vsel vm9, v61, v39;
	v61 =	vld [tilespmem:$0x1FF60];
	_ =	sdelay $0x1  }
0xbd: {  	v39 =	vsel vm10, v59, v39;
	v59 =	vld [tilespmem:$0x1FF70];
	_ =	sdelay $0x2  }
0xbe: {  	v1 =	vimm.s32 $0xF;
	v39 =	vsel vm0, v61, v39;
	v61, _, _ =	vpop (xrf0)  }
0xbf: {  	v61 =	vperm.xlane v61, v1  }
0xc0: {  	v39 =	vsel vm12, v59, v39;
	v59 =	vld [tilespmem:$0x1FF80]  }
0xc1: {  	vm8 =	veq.f32 v0, v61;
	v61 =	vld [tilespmem:$0x1FAD0];
	_ =	sdelay $0x3  }
0xc2: {  	v39 =	vsel vm14, v59, v39  }
0xc3: {  	v39 =	vsel vm15, v61, v39  }
0xc4: {  	v0 =	vnsel vm8, $0x7FFFF000, v39  }
0xc5: {  	(xrf0) =	vmax.scan.msk.u32 $0xffff, v0;
	_ =	sdelay $0x5  }
0xc6: {  	v0, _, _ =	vpop (xrf0)  }
0xc7: {  	v0 =	vxor.u32 $0x80000000, v0  }
0xc8: {  	v39 =	vperm.xlane v0, v1;
	_ =	sdelay $0x1  }
0xc9: {  	v0 =	vsub.s32 $0x0, v39  }
0xca: {  	[tilespmem:$0x1FAE0] =	vst v56;
	vm9 =	veq.s32 v0, v56;
	v56 =	vld [tilespmem:$0x1FAF0]  }
0xcb: {  	v59 =	vld [tilespmem:$0x1FB00];
	_ =	sdelay $0x3  }
0xcc: {  	vm10 =	veq.s32 v0, v56  }
0xcd: {  	v1 =	vsel vm9, $0xF149F2CA, v59;
	v60 =	vsel vm10, $0xF149F2CA, v60  }
0xce: {  	vm1 =	vgt.f32 v60, v1  }
0xcf: {  	v59 =	vsel vm1, v60, v1;
	v60 =	vld [tilespmem:$0x1FB20];
	_ =	sdelay $0x3  }
0xd0: {  	[tilespmem:$0x1FB10] =	vst v52;
	vm11 =	veq.s32 v0, v52;
	v52 =	vld [tilespmem:$0x1FB40]  }
0xd1: {  	v1 =	vsel vm11, $0xF149F2CA, v60;
	v60 =	vld [tilespmem:$0x1FB60];
	_ =	sdelay $0x2  }
0xd2: {  	vm12 =	veq.s32 v0, v50;
	vm2 =	vgt.f32 v1, v59  }
0xd3: {  	vm13 =	veq.s32 v0, v44;
	v56 =	vsel vm2, v1, v59;
	v59 =	vsel vm12, $0xF149F2CA, v52  }
0xd4: {  	[tilespmem:$0x1FB50] =	vst v44;
	vm3 =	vgt.f32 v59, v56;
	v44 =	vsel vm13, $0xF149F2CA, v60;
	v60 =	vld [tilespmem:$0x1FB90]  }
0xd5: {  	v52 =	vsel vm3, v59, v56  }
0xd6: {  	vm14 =	veq.s32 v0, v33;
	vm15 =	vgt.f32 v44, v52  }
0xd7: {  	[tilespmem:$0x1FB30] =	vst v50;
	vm8 =	veq.s32 v0, v32;
	v47 =	vsel vm14, $0xF149F2CA, v47;
	v50 =	vsel vm15, v44, v52  }
0xd8: {  	v56 =	vimm.s32 $0x0;
	v59 =	vimm.s32 $0x0;
	vm4 =	vgt.f32 v47, v50  }
0xd9: {  	[tilespmem:$0x1FB80] =	vst v32;
	v1 =	vsel vm15, $0xFFFFFFFF, v56;
	v47 =	vsel vm4, v47, v50;
	v32 =	vsel vm8, $0xF149F2CA, v60  }
0xda: {  	vm9 =	veq.s32 v0, v30;
	[tilespmem:$0x1FD00] =	vst v1;
	v1 =	vsel vm4, $0xFFFFFFFF, v59;
	vm4 =	vgt.f32 v32, v47  }
0xdb: {  	[tilespmem:$0x1FB70] =	vst v33;
	v33 =	vimm.s32 $0x0;
	v42 =	vsel vm9, $0xF149F2CA, v42;
	v44 =	vsel vm4, v32, v47  }
0xdc: {  	vm10 =	veq.s32 v0, v29;
	[tilespmem:$0x1FD30] =	vst v1;
	v1 =	vsel vm4, $0xFFFFFFFF, v33;
	vm4 =	vgt.f32 v42, v44  }
0xdd: {  	v40 =	vsel vm10, $0xF149F2CA, v40;
	v47 =	vimm.s32 $0x0;
	v42 =	vsel vm4, v42, v44  }
0xde: {  	vm11 =	veq.s32 v0, v28;
	[tilespmem:$0x1FD50] =	vst v1;
	v1 =	vsel vm4, $0xFFFFFFFF, v47;
	vm4 =	vgt.f32 v40, v42  }
0xdf: {  	v37 =	vsel vm11, $0xF149F2CA, v37;
	v50 =	vimm.s32 $0x0;
	v40 =	vsel vm4, v40, v42  }
0xe0: {  	vm12 =	veq.s32 v0, v27;
	[tilespmem:$0x1FD80] =	vst v1;
	v1 =	vsel vm4, $0xFFFFFFFF, v50;
	vm4 =	vgt.f32 v37, v40  }
0xe1: {  	v36 =	vsel vm12, $0xF149F2CA, v36;
	v37 =	vsel vm4, v37, v40  }
0xe2: {  	vm13 =	veq.s32 v0, v25;
	vm9 =	vgt.f32 v36, v37  }
0xe3: {  	v34 =	vsel vm13, $0xF149F2CA, v34;
	v36 =	vsel vm9, v36, v37  }
0xe4: {  	vm14 =	veq.s32 v0, v3;
	vm15 =	vgt.f32 v34, v36  }
0xe5: {  	[tilespmem:$0x1FBF0] =	vst v3;
	v3 =	vsel vm14, $0xF149F2CA, v31;
	v34 =	vsel vm15, v34, v36  }
0xe6: {  	vm5 =	veq.s32 v0, v4;
	vm12 =	vgt.f32 v3, v34  }
0xe7: {  	v59 =	vsel vm5, $0xF149F2CA, v62;
	v3 =	vsel vm12, v3, v34  }
0xe8: {  	vm6 =	veq.s32 v0, v23;
	vm11 =	vgt.f32 v59, v3  }
0xe9: {  	[tilespmem:$0x1FBE0] =	vst v25;
	v60 =	vsel vm6, $0xF149F2CA, v26;
	v3 =	vsel vm11, v59, v3  }
0xea: {  	[tilespmem:$0x1FBC0] =	vst v28;
	vm7 =	veq.s32 v0, v2;
	vm0 =	veq.s32 v0, v18;
	vm13 =	vgt.f32 v60, v3  }
0xeb: {  	[tilespmem:$0x1FBB0] =	vst v29;
	v52 =	vimm.s32 $0x0;
	v62 =	vsel vm7, $0xF149F2CA, v63;
	v3 =	vsel vm13, v60, v3  }
0xec: {  	[tilespmem:$0x1FBA0] =	vst v30;
	v30 =	vld [tilespmem:$0x1FCC0];
	v56 =	vimm.s32 $0x0;
	vm8 =	veq.s32 v0, v24;
	vm14 =	vgt.f32 v62, v3  }
0xed: {  	v29 =	vld [tilespmem:$0x1FCB0];
	v63 =	vsel vm8, $0xF149F2CA, v22;
	[tilespmem:$0x1FDA0] =	vst v1;
	v1 =	vsel vm4, $0xFFFFFFFF, v52;
	v3 =	vsel vm14, v62, v3  }
0xee: {  	vm10 =	veq.s32 v0, v17;
	v28 =	vld [tilespmem:$0x1FCA0];
	[tilespmem:$0x1FDD0] =	vst v1;
	v1 =	vsel vm15, $0xFFFFFFFF, v56;
	vm15 =	vgt.f32 v63, v3  }
0xef: {  	[tilespmem:$0x1FC20] =	vst v2;
	v25 =	vsel vm0, $0xF149F2CA, v38;
	v22 =	vsel vm10, $0xF149F2CA, v16;
	v38 =	vld [tilespmem:$0x1FD30];
	v2 =	vsel vm15, v63, v3  }
0xf0: {  	[tilespmem:$0x1FC10] =	vst v23;
	vm0 =	veq.s32 v0, v14;
	v32 =	vld [tilespmem:$0x1FCE0];
	vm4 =	veq.s32 v0, v21;
	vm10 =	vgt.f32 v22, v2  }
0xf1: {  	vm5 =	veq.s32 v0, v15;
	v33 =	vld [tilespmem:$0x1FCF0];
	v23 =	vsel vm4, $0xF149F2CA, v20;
	[tilespmem:$0x1FE10] =	vst v1;
	v1 =	vsel vm10, v22, v2  }
0xf2: {  	[tilespmem:$0x1FBD0] =	vst v27;
	v26 =	vsel vm0, $0xF149F2CA, v53;
	vm0 =	veq.s32 v0, v19;
	v34 =	vld [tilespmem:$0x1FD00];
	vm8 =	vgt.f32 v23, v1  }
0xf3: {  	[tilespmem:$0x1FC30] =	vst v24;
	v24 =	vsel vm5, $0xF149F2CA, v45;
	v27 =	vsel vm0, $0xF149F2CA, v41;
	v41 =	vld [tilespmem:$0x1FD50];
	v1 =	vsel vm8, v23, v1  }
0xf4: {  	v44 =	vld [tilespmem:$0x1FD70];
	vm7 =	vgt.f32 v24, v1  }
0xf5: {  	[tilespmem:$0x1FC00] =	vst v4;
	v4 =	vsel vm1, v29, v28;
	vm0 =	veq.s32 v0, v13;
	v37 =	vld [tilespmem:$0x1FD20];
	v1 =	vsel vm7, v24, v1  }
0xf6: {  	v31 =	vsel vm0, $0xF149F2CA, v48;
	v40 =	vld [tilespmem:$0x1FD40];
	v2 =	vsel vm2, v30, v4;
	vm6 =	vgt.f32 v25, v1  }
0xf7: {  	v45 =	vld [tilespmem:$0x1FD80];
	vm0 =	vnez.u8 v34;
	v2 =	vsel vm3, v32, v2;
	v1 =	vsel vm6, v25, v1  }
0xf8: {  	v48 =	vld [tilespmem:$0x1FDA0];
	v2 =	vsel vm0, v33, v2;
	vm0 =	veq.s32 v0, v12;
	vm5 =	vgt.f32 v26, v1  }
0xf9: {  	v47 =	vld [tilespmem:$0x1FD90];
	v36 =	vsel vm0, $0xF149F2CA, v57;
	vm0 =	vnez.u8 v38;
	v1 =	vsel vm5, v26, v1  }
0xfa: {  	v53 =	vld [tilespmem:$0x1FDD0];
	v2 =	vsel vm0, v37, v2;
	vm0 =	vnez.u8 v41;
	vm4 =	vgt.f32 v27, v1  }
0xfb: {  	v52 =	vld [tilespmem:$0x1FDC0];
	v2 =	vsel vm0, v40, v2;
	vm0 =	veq.s32 v0, v11;
	v1 =	vsel vm4, v27, v1  }
0xfc: {  	v42 =	vsel vm0, $0xF149F2CA, v54;
	vm0 =	vnez.u8 v45;
	v54 =	vld [tilespmem:$0x1FDE0];
	vm3 =	vgt.f32 v31, v1  }
0xfd: {  	v57 =	vld [tilespmem:$0x1FE10];
	v2 =	vsel vm0, v44, v2;
	vm0 =	vnez.u8 v48;
	v1 =	vsel vm3, v31, v1  }
0xfe: {  	v56 =	vld [tilespmem:$0x1FE00];
	v2 =	vsel vm0, v47, v2;
	vm0 =	veq.s32 v0, v10;
	vm2 =	vgt.f32 v36, v1  }
0xff: {  	v59 =	vld [tilespmem:$0x1FE20];
	v50 =	vsel vm0, $0xF149F2CA, v55;
	vm0 =	vnez.u8 v53;
	v1 =	vsel vm2, v36, v1  }
0x100: {  	v62 =	vld [tilespmem:$0x1FE40];
	v2 =	vsel vm0, v52, v2;
	vm1 =	vgt.f32 v42, v1  }
0x101: {  	[tilespmem:$0x1FD10] =	vst v12;
	v63 =	vld [tilespmem:$0x1FE60];
	vm0 =	veq.s32 v0, v9;
	v2 =	vsel vm9, v54, v2;
	v1 =	vsel vm1, v42, v1  }
0x102: {  	[tilespmem:$0x1FDF0] =	vst v9;
	v9 =	vld [tilespmem:$0x1FE70];
	v55 =	vsel vm0, $0xF149F2CA, v51;
	vm0 =	vnez.u8 v57;
	vm9 =	vgt.f32 v50, v1  }
0x103: {  	[tilespmem:$0x1FDB0] =	vst v10;
	v10 =	vld [tilespmem:$0x1FE90];
	v2 =	vsel vm0, v56, v2;
	v1 =	vsel vm9, v50, v1  }
0x104: {  	[tilespmem:$0x1FCD0] =	vst v13;
	v12 =	vld [tilespmem:$0x1FEA0];
	vm0 =	veq.s32 v0, v8;
	v2 =	vsel vm12, v59, v2;
	vm12 =	vgt.f32 v55, v1  }
0x105: {  	[tilespmem:$0x1FC40] =	vst v17;
	v13 =	vld [tilespmem:$0x1FEC0];
	v60 =	vsel vm0, $0xF149F2CA, v49;
	v2 =	vsel vm11, v62, v2;
	v1 =	vsel vm12, v55, v1  }
0x106: {  	[tilespmem:$0x1FC60] =	vst v15;
	v15 =	vld [tilespmem:$0x1FED0];
	vm0 =	veq.s32 v0, v7;
	v2 =	vsel vm13, v63, v2;
	vm11 =	vgt.f32 v60, v1  }
0x107: {  	[tilespmem:$0x1FE30] =	vst v8;
	v16 =	vld [tilespmem:$0x1FEE0];
	v8 =	vsel vm0, $0xF149F2CA, v46;
	v2 =	vsel vm14, v9, v2;
	v1 =	vsel vm11, v60, v1  }
0x108: {  	[tilespmem:$0x1FC70] =	vst v18;
	v17 =	vld [tilespmem:$0x1FEF0];
	vm0 =	veq.s32 v0, v6;
	v2 =	vsel vm15, v10, v2;
	vm13 =	vgt.f32 v8, v1  }
0x109: {  	[tilespmem:$0x1FD60] =	vst v11;
	v18 =	vld [tilespmem:$0x1FF00];
	v11 =	vsel vm0, $0xF149F2CA, v43;
	v2 =	vsel vm10, v12, v2;
	v1 =	vsel vm13, v8, v1  }
0x10a: {  	[tilespmem:$0x1FC90] =	vst v19;
	v19 =	vld [tilespmem:$0x1FF10];
	vm14 =	veq.s32 v0, v5;
	v2 =	vsel vm8, v13, v2;
	vm15 =	vgt.f32 v11, v1  }
0x10b: {  	[tilespmem:$0x1FC80] =	vst v14;
	v20 =	vld [tilespmem:$0x1FF20];
	v14 =	vsel vm14, $0xF149F2CA, v58;
	v2 =	vsel vm7, v15, v2;
	v1 =	vsel vm15, v11, v1  }
0x10c: {  	[tilespmem:$0x1FC50] =	vst v21;
	v21 =	vld [tilespmem:$0x1FF30];
	v2 =	vsel vm6, v16, v2;
	vm0 =	vgt.f32 v14, v1  }
0x10d: {  	v22 =	vld [tilespmem:$0x1FF40];
	v2 =	vsel vm5, v17, v2;
	v1 =	vsel vm0, v14, v1  }
0x10e: {  	v23 =	vld [tilespmem:$0x1FF50];
	v2 =	vsel vm4, v18, v2;
	(xrf0) =	vmax.scan.msk.f32 $0xffff, v1  }
0x10f: {  	v24 =	vld [tilespmem:$0x1FF60];
	v2 =	vsel vm3, v19, v2  }
0x110: {  	v26 =	vld [tilespmem:$0x1FF70];
	v2 =	vsel vm2, v20, v2  }
0x111: {  	v28 =	vld [tilespmem:$0x1FF80];
	v2 =	vsel vm1, v21, v2  }
0x112: {  	v2 =	vsel vm9, v22, v2  }
0x113: {  	v2 =	vsel vm12, v23, v2  }
0x114: {  	v27 =	vimm.s32 $0xF;
	v2 =	vsel vm11, v24, v2;
	v25, _, _ =	vpop (xrf0)  }
0x115: {  	v2 =	vsel vm13, v26, v2;
	v3 =	vperm.xlane v25, v27  }
0x116: {  	v2 =	vsel vm15, v28, v2  }
0x117: {  	v29 =	vsel vm0, v61, v2;
	vm14 =	veq.f32 v1, v3  }
0x118: {  	v37 =	vshra.s32 v0, $0x1F;
	v1 =	vnsel vm14, $0x7FFFF000, v29  }
0x119: {  	v40 =	vshrl.u32 v37, $0x1C;
	(xrf0) =	vmax.scan.msk.u32 $0xffff, v1  }
0x11a: {  	[tilespmem:$0x1FEB0] =	vst v5;
	v30 =	vimm.s32 $0x0;
	v32 =	vld [tilespmem:$0x1FF90];
	v5 =	vsub.s32 v40, v39  }
0x11b: {  	v53 =	vimm.s32 $0x21200100;
	v43 =	vand.u32 $0xFFFFFFF0, v5;
	v50 =	vimm.s32 $0xFFFFFFF0  }
0x11c: {  	v31 =	vshra.s32 v35, $0x1F;
	vm8 =	vne.s32 v0, v43;
	v0 =	vsub.s32 v0, v50  }
0x11d: {  	v54 =	vunpack.c.0.s8.s32 v53;
	v33 =	vshrl.u32 v31, $0x1C;
	v0 =	vshll.u32 v0, $0x1  }
0x11e: {  	v5 =	vshrl.u32 v5, $0x4;
	vm6 =	vne.s32 v30, v39;
	v0 =	vand.u32 $0x1E, v0  }
0x11f: {  	v38 =	vsel vm6, $0x1, v30;
	vm13 =	vcmask $0x1F10;
	v2 =	vsub.s32 v33, v32;
	v41, _, _ =	vpop (xrf0)  }
0x120: {  	vm15 =	vne.s32 v30, v32;
	v2 =	vshra.s32 v2, $0x4;
	v42 =	vxor.u32 $0x80000000, v41  }
0x121: {  	v36 =	vshll.u32 v2, $0x4;
	v3 =	vor.u32 v38, v37;
	v4 =	vperm.xlane v42, v27  }
0x122: {  	v34 =	vsel vm15, $0x1, v30;
	vm5 =	vne.s32 v35, v36;
	vm7 =	vne.s32 v3, $0x1  }
0x123: {  	v1 =	vor.u32 v34, v31;
	vm9 =	vmand vm8, vm7;
	v45 =	vsub.s32 $0x0, v4  }
0x124: {  	vm4 =	vne.s32 v1, $0x1;
	v1 =	vsub.s32 v35, v36;
	v46 =	vshra.s32 v45, $0x1F  }
0x125: {  	v47 =	vsel vm9, $0xFFFFFFFF, v30;
	vm10 =	vne.s32 v30, v4;
	v49 =	vshrl.u32 v46, $0x1C  }
0x126: {  	vm0 =	vmand vm5, vm4;
	v48 =	vsel vm10, $0x1, v30;
	v4 =	vsub.s32 v49, v4  }
0x127: {  	v5 =	vadd.s32 v47, v5;
	v35 =	vor.u32 v48, v46;
	v51 =	vand.u32 $0xFFFFFFF0, v4  }
0x128: {  	v1 =	vshll.u32 v1, $0x1;
	vm11 =	vne.s32 v35, $0x1;
	vm12 =	vne.s32 v45, v51  }
0x129: {  	v44 =	vsel vm0, $0xFFFFFFFF, v30;
	v5 =	vshll.u32 v5, $0x6;
	vm0 =	vmand vm12, vm11  }
0x12a: {  	v3 =	vsub.s32 v45, v50;
	v4 =	vshrl.u32 v4, $0x4;
	v52 =	vsel vm0, $0xFFFFFFFF, v30  }
0x12b: {  	v1 =	vand.u32 $0x1E, v1;
	v3 =	vshll.u32 v3, $0x1;
	v4 =	vadd.s32 v52, v4  }
0x12c: {  	v2 =	vadd.s32 v44, v2;
	v3 =	vand.u32 $0x1E, v3;
	v4 =	vshll.u32 v4, $0x6  }
0x12d: {  	v0 =	vor.u32 v0, v5;
	v2 =	vshll.u32 v2, $0x6;
	v3 =	vor.u32 v3, v4  }
0x12e: {  	vm14 =	vmmov $0xf;
	v1 =	vor.u32 v1, v2;
	v0 =	vsel vm13, v0, v3  }
0x12f: {  	v56 =	vor.u32 s8, v54;
	v0 =	vsel vm14, v1, v0  }
0x130: {  	v0 =	vadd.s32 v56, v0  }
0x131: {  	v1 =	vshrl.u32 v0, $0x3  }
0x132: {  	v1 =	vmul.u32 $0x30, v1  }
0x133: {  	v57 =	vlaneseq.u32;
	v0 =	vand.u32 $0x7, v0  }
0x134: {  	v58 =	vand.u32 $0x7, v57;
	v0 =	vor.u32 v0, v1;
	v1 =	vshrl.u32 v57, $0x3  }
0x135: {  	v60 =	vmul.u32 $0x8, v1;
	v61 =	vperm.xlane v0, v58;
	_ =	sdelay $0x1  }
0x136: {  	v1 =	vadd.s32 v60, v61;
	_ =	sdelay $0x1  }
0x137: {  	[tilespmem:$0x1FE80] =	vst v6;
	v59 =	vlaneseq.u32  }
0x138: {  	[tilespmem:$0x1FE50] =	vst v7;
	v62 =	vor.u32 $0x8, v59  }
0x139: {  	[tilespmem:$0x1FFB0] =	vst v56;
	vm15 =	vmmov $0xffff;
	v0 =	vperm.xlane v0, v62  }
0x13a: {  	[tilespmem:s7], [sflag:$0x1] =	stream.indirect_vreg.gather [hbm4b:s2+s3], $0x80, v1, vm15, $0xb8;
	[tilespmem:$0x3400] =	vst v63  }
0x13b: {  	s9 =	simm.s32 $0xC00;
	s18 =	ssub.s32 $0x2, s15;
	s8 =	sadd.s32 $0x100, s2;
	[tilespmem:$0x1FFD0] =	vst v62;
	v0 =	vadd.s32 v60, v0  }
0x13c: {  	[tilespmem:s9], [sflag:$0x1] =	stream.indirect_vreg.gather [hbm4b:s8+s3], $0x80, v1, vm15, $0xb8;
	[tilespmem:$0x3400] =	vst v63  }
0x13d: {  	s11 =	simm.s32 $0x1400;
	s10 =	sadd.s32 $0x200, s2;
	s19 =	sshrl.u32 s18, $0x1;
	[tilespmem:$0x1FFC0] =	vst v58;
	v55 =	vimm.s32 $0x0  }
0x13e: {  	v2 =	vsel vm14, $0xFFFFFFFF, v55;
	[tilespmem:s11], [sflag:$0x1] =	stream.indirect_vreg.gather [hbm4b:s10+s3], $0x80, v1, vm15, $0xb8;
	[tilespmem:$0x3400] =	vst v63  }
0x13f: {  	s12 =	simm.s32 $0x1C00;
	s18 =	ssub.s32 s18, s19;
	[tilespmem:$0x1FFA0] =	vst v2  }
0x140: {  	[tilespmem:s12], [sflag:$0x1] =	stream.indirect_vreg.gather [hbm4b:s2+s3], $0x80, v0, vm15, $0xb8;
	[tilespmem:$0x3400] =	vst v63  }
0x141: {  	s13 =	simm.s32 $0x2400;
	s14 =	simm.s32 $0x2C00;
	s31 =	smax.u32 s18, $0x1;
	v63 =	vimm.s32 $0x0;
	[tilespmem:$0x1FFE0] =	vst v60  }
0x142: {  	v1 =	vsel vm15, $0xFFFFFFFF, v63;
	[tilespmem:s13], [sflag:$0x1] =	stream.indirect_vreg.gather [hbm4b:s8+s3], $0x80, v0, vm15, $0xb8;
	[tilespmem:$0x3400] =	vst v63  }
0x143: {  	s15 =	simm.s32 $0x1;
	s16 =	smul.u32 $0x600, s16;
	p0 =	sne.s32 s31, $0x1;
	[tilespmem:$0x1FFF0] =	vst v1  }
0x144: {  	[tilespmem:s14], [sflag:$0x1] =	stream.indirect_vreg.gather [hbm4b:s10+s3], $0x80, v0, vm15, $0xb8;
	[tilespmem:$0x3400] =	vst v63  }
.Ltmp0:
0x145: {  	_ =	swait.ge [sflag:s15], $0x3000;
	(pc) =	sbr.rel @!p0 .LBB2_3-.Ltmp0, $4  }
0x146: {  	[sflag:s15] =	ssyncset.done $0x0  }
0x147: {  	s16 =	sadd.s32 s17, s16;
	[sflag:s15] =	ssyncadd.s32 $0xFFFFD000  }
0x148: {  	[hbm4b:s16+s3] =	stream.linear.scatter [tilespmem:s7], [sflag:$0x2], $0x3000, $0x38;
	[tilespmem:$0x3400] =	vst v63  }
0x149: {  	s17 =	sadd.s32 $0xFFFFFFFF, s31;
	_ =	swait.ge [sflag:s5], $0x3000  }
0x14a: {  	v10 =	vimm.s32 $0x0  }
.LBB2_2:
0x14b: {  	[sflag:s5] =	ssyncset.done $0x0  }
0x14c: {  	[sflag:s5] =	ssyncadd.s32 $0xFFFFD000  }
0x14d: {  	[tilespmem:s3], [sflag:$0x2] =	stream.strided.gather [hbm4b:s4+s6], $0x400, s7, s6, $0x38;
	[tilespmem:$0x3400] =	vst v63  }
0x14e: {  	_ =	swait.ge [sflag:s5], $0x400  }
0x14f: {  	[sflag:s5] =	ssyncset.done $0x0  }
0x150: {  	v4 =	vld [tilespmem:$0x1FA30];
	[sflag:s5] =	ssyncadd.s32 $0xFFFFFC00  }
0x151: {  	v0 =	vld [tilespmem:$0x0]  }
0x152: {  	v1 =	vld [tilespmem:$0x10];
	_ =	sdelay $0x1  }
0x153: {  	v2 =	vld [tilespmem:$0x40];
	_ =	sdelay $0x1  }
0x154: {  	v3 =	vld [tilespmem:$0x50];
	vm0 =	vnez.u8 v4  }
0x155: {  	v7 =	vld [tilespmem:$0x1FCB0];
	v54 =	vnsel vm0, $0xF149F2CA, v0;
	v55 =	vnsel vm0, $0xF149F2CA, v1  }
0x156: {  	v47 =	vld [tilespmem:$0x80];
	vm1 =	vgt.f32 v55, v54  }
0x157: {  	v31 =	vld [tilespmem:$0x1FCC0];
	v56 =	vnsel vm0, $0xF149F2CA, v2;
	v49 =	vsel vm1, v55, v54  }
0x158: {  	v48 =	vld [tilespmem:$0x90];
	vm2 =	vgt.f32 v56, v49  }
0x159: {  	v50 =	vld [tilespmem:$0xC0];
	v57 =	vnsel vm0, $0xF149F2CA, v3;
	v2 =	vsel vm2, v56, v49  }
0x15a: {  	v51 =	vld [tilespmem:$0xD0];
	vm3 =	vgt.f32 v57, v2  }
0x15b: {  	v53 =	vld [tilespmem:$0x100];
	v58 =	vnsel vm0, $0xF149F2CA, v47;
	v2 =	vsel vm3, v57, v2  }
0x15c: {  	v13 =	vld [tilespmem:$0x110];
	vm4 =	vgt.f32 v58, v2  }
0x15d: {  	v52 =	vimm.s32 $0x0;
	v15 =	vld [tilespmem:$0x140];
	v59 =	vnsel vm0, $0xF149F2CA, v48;
	v2 =	vsel vm4, v58, v2  }
0x15e: {  	v5 =	vld [tilespmem:$0x150];
	v1 =	vsel vm4, $0xFFFFFFFF, v52;
	vm4 =	vgt.f32 v59, v2  }
0x15f: {  	v12 =	vimm.s32 $0x0;
	v19 =	vld [tilespmem:$0x180];
	v60 =	vnsel vm0, $0xF149F2CA, v50;
	v2 =	vsel vm4, v59, v2  }
0x160: {  	v36 =	vld [tilespmem:$0x190];
	v3 =	vsel vm4, $0xFFFFFFFF, v12;
	vm4 =	vgt.f32 v60, v2  }
0x161: {  	v14 =	vimm.s32 $0x0;
	v21 =	vld [tilespmem:$0x1C0];
	v61 =	vnsel vm0, $0xF149F2CA, v51;
	v16 =	vsel vm4, v60, v2  }
0x162: {  	v23 =	vld [tilespmem:$0x1D0];
	v0 =	vsel vm4, $0xFFFFFFFF, v14;
	vm4 =	vgt.f32 v61, v16  }
0x163: {  	v17 =	vimm.s32 $0x0;
	v37 =	vld [tilespmem:$0x200];
	v2 =	vnsel vm0, $0xF149F2CA, v53;
	v4 =	vsel vm4, v61, v16  }
0x164: {  	v25 =	vld [tilespmem:$0x210];
	[tilespmem:$0x1F6C0] =	vst v1;
	v1 =	vsel vm4, $0xFFFFFFFF, v17;
	vm4 =	vgt.f32 v2, v4  }
0x165: {  	v18 =	vimm.s32 $0x0;
	v26 =	vld [tilespmem:$0x240];
	[tilespmem:$0x1F6F0] =	vst v1;
	v1 =	vnsel vm0, $0xF149F2CA, v13;
	v4 =	vsel vm4, v2, v4  }
0x166: {  	v40 =	vld [tilespmem:$0x250];
	[tilespmem:$0x1F6D0] =	vst v3;
	v3 =	vsel vm4, $0xFFFFFFFF, v18;
	vm4 =	vgt.f32 v1, v4  }
0x167: {  	v6 =	vimm.s32 $0x0;
	v27 =	vld [tilespmem:$0x280];
	[tilespmem:$0x1F6E0] =	vst v0;
	v0 =	vnsel vm0, $0xF149F2CA, v15;
	v4 =	vsel vm4, v1, v4  }
0x168: {  	v28 =	vld [tilespmem:$0x290];
	v6 =	vsel vm4, $0xFFFFFFFF, v6;
	vm4 =	vgt.f32 v0, v4  }
0x169: {  	v20 =	vimm.s32 $0x0;
	v44 =	vld [tilespmem:$0x2C0];
	v52 =	vnsel vm0, $0xF149F2CA, v5;
	v4 =	vsel vm4, v0, v4  }
0x16a: {  	v29 =	vld [tilespmem:$0x2D0];
	v5 =	vsel vm4, $0xFFFFFFFF, v20;
	vm4 =	vgt.f32 v52, v4  }
0x16b: {  	v22 =	vimm.s32 $0x0;
	v30 =	vld [tilespmem:$0x300];
	v49 =	vnsel vm0, $0xF149F2CA, v19;
	v4 =	vsel vm4, v52, v4  }
0x16c: {  	v35 =	vld [tilespmem:$0x350];
	[tilespmem:$0x1F700] =	vst v3;
	v3 =	vsel vm4, $0xFFFFFFFF, v22;
	vm4 =	vgt.f32 v49, v4  }
0x16d: {  	v62 =	vld [tilespmem:$0x390];
	v46 =	vnsel vm0, $0xF149F2CA, v36;
	v4 =	vsel vm4, v49, v4  }
0x16e: {  	v63 =	vld [tilespmem:$0x3D0];
	vm12 =	vgt.f32 v46, v4  }
0x16f: {  	v43 =	vnsel vm0, $0xF149F2CA, v21;
	v48 =	vld [tilespmem:$0x310];
	v4 =	vsel vm12, v46, v4  }
0x170: {  	v50 =	vld [tilespmem:$0x340];
	vm11 =	vgt.f32 v43, v4  }
0x171: {  	v36 =	vnsel vm0, $0xF149F2CA, v23;
	v21 =	vld [tilespmem:$0x1FE00];
	v4 =	vsel vm11, v43, v4  }
0x172: {  	v19 =	vld [tilespmem:$0x1FDC0];
	vm14 =	vgt.f32 v36, v4  }
0x173: {  	v37 =	vnsel vm0, $0xF149F2CA, v37;
	v12 =	vld [tilespmem:$0x1FCA0];
	v4 =	vsel vm14, v36, v4  }
0x174: {  	v33 =	vld [tilespmem:$0x1F6C0];
	vm15 =	vgt.f32 v37, v4  }
0x175: {  	v38 =	vnsel vm0, $0xF149F2CA, v25;
	v14 =	vld [tilespmem:$0x1FCF0];
	v4 =	vsel vm15, v37, v4  }
0x176: {  	v34 =	vld [tilespmem:$0x1F6D0];
	vm13 =	vgt.f32 v38, v4  }
0x177: {  	v39 =	vnsel vm0, $0xF149F2CA, v26;
	v53 =	vld [tilespmem:$0x380];
	v4 =	vsel vm13, v38, v4  }
0x178: {  	v15 =	vld [tilespmem:$0x1FD20];
	vm7 =	vgt.f32 v39, v4  }
0x179: {  	v40 =	vnsel vm0, $0xF149F2CA, v40;
	v16 =	vld [tilespmem:$0x1FD40];
	v4 =	vsel vm7, v39, v4  }
0x17a: {  	v23 =	vld [tilespmem:$0x1F6E0];
	vm8 =	vgt.f32 v40, v4  }
0x17b: {  	v24 =	vimm.s32 $0x0;
	v41 =	vnsel vm0, $0xF149F2CA, v27;
	v17 =	vld [tilespmem:$0x1FD70];
	v4 =	vsel vm8, v40, v4  }
0x17c: {  	v42 =	vnsel vm0, $0xF149F2CA, v28;
	v44 =	vnsel vm0, $0xF149F2CA, v44;
	v13 =	vld [tilespmem:$0x1FCE0];
	vm5 =	vgt.f32 v41, v4  }
0x17d: {  	v51 =	vnsel vm0, $0xF149F2CA, v35;
	v48 =	vnsel vm0, $0xF149F2CA, v48;
	v18 =	vld [tilespmem:$0x1FD90];
	v4 =	vsel vm5, v41, v4  }
0x17e: {  	v50 =	vnsel vm0, $0xF149F2CA, v50;
	v45 =	vsel vm1, v7, v12;
	v25 =	vld [tilespmem:$0x1F700];
	vm6 =	vgt.f32 v42, v4  }
0x17f: {  	vm10 =	vnez.u8 v33;
	[tilespmem:$0x1F710] =	vst v6;
	v6 =	vsel vm4, $0xFFFFFFFF, v24;
	v24 =	vld [tilespmem:$0x1F6F0];
	v4 =	vsel vm6, v42, v4  }
0x180: {  	v47 =	vsel vm2, v31, v45;
	v45 =	vnsel vm0, $0xF149F2CA, v29;
	v26 =	vld [tilespmem:$0x1F710];
	vm4 =	vgt.f32 v44, v4  }
0x181: {  	vm9 =	vnez.u8 v34;
	v32 =	vsel vm3, v13, v47;
	v20 =	vld [tilespmem:$0x1FDE0];
	[tilespmem:$0x1F720] =	vst v5;
	v4 =	vsel vm4, v44, v4  }
0x182: {  	v47 =	vnsel vm0, $0xF149F2CA, v30;
	v5 =	vsel vm10, v14, v32;
	v27 =	vld [tilespmem:$0x1F720];
	[tilespmem:$0x1F730] =	vst v3;
	vm3 =	vgt.f32 v45, v4  }
0x183: {  	vm10 =	vnez.u8 v23;
	v3 =	vsel vm9, v15, v5;
	v28 =	vld [tilespmem:$0x1F730];
	[tilespmem:$0x1F740] =	vst v6;
	v4 =	vsel vm3, v45, v4  }
0x184: {  	v3 =	vsel vm10, v16, v3;
	v30 =	vld [tilespmem:$0x1F740];
	vm9 =	vnez.u8 v24;
	vm2 =	vgt.f32 v47, v4  }
0x185: {  	v22 =	vld [tilespmem:$0x1FE20];
	vm10 =	vnez.u8 v25;
	v3 =	vsel vm9, v17, v3;
	v4 =	vsel vm2, v47, v4  }
0x186: {  	v23 =	vld [tilespmem:$0x1FE40];
	vm9 =	vnez.u8 v26;
	v3 =	vsel vm10, v18, v3;
	vm1 =	vgt.f32 v48, v4  }
0x187: {  	v24 =	vld [tilespmem:$0x1FE60];
	v3 =	vsel vm9, v19, v3;
	vm9 =	vnez.u8 v27;
	v4 =	vsel vm1, v48, v4  }
0x188: {  	v29 =	vld [tilespmem:$0x3C0];
	vm10 =	vnez.u8 v28;
	v3 =	vsel vm9, v20, v3;
	vm9 =	vgt.f32 v50, v4  }
0x189: {  	v25 =	vld [tilespmem:$0x1FE70];
	v3 =	vsel vm10, v21, v3;
	vm10 =	vnez.u8 v30;
	v4 =	vsel vm9, v50, v4  }
0x18a: {  	v26 =	vld [tilespmem:$0x1FE90];
	v3 =	vsel vm10, v22, v3;
	vm10 =	vgt.f32 v51, v4  }
0x18b: {  	v53 =	vnsel vm0, $0xF149F2CA, v53;
	v27 =	vld [tilespmem:$0x1FEA0];
	v3 =	vsel vm12, v23, v3;
	v4 =	vsel vm10, v51, v4  }
0x18c: {  	v28 =	vld [tilespmem:$0x1FEC0];
	v31 =	vsel vm11, v24, v3;
	vm11 =	vgt.f32 v53, v4  }
0x18d: {  	v32 =	vsel vm11, v53, v4;
	v4 =	vnsel vm0, $0xF149F2CA, v29;
	v29 =	vld [tilespmem:$0x1FED0]  }
0x18e: {  	v30 =	vld [tilespmem:$0x1FEE0];
	v3 =	vnsel vm0, $0xF149F2CA, v62;
	v6 =	vsel vm14, v25, v31  }
0x18f: {  	v31 =	vld [tilespmem:$0x1FEF0];
	v6 =	vsel vm15, v26, v6;
	vm12 =	vgt.f32 v3, v32  }
0x190: {  	v33 =	vsel vm13, v27, v6;
	v34 =	vsel vm12, v3, v32;
	v32 =	vld [tilespmem:$0x1FF00]  }
0x191: {  	v5 =	vnsel vm0, $0xF149F2CA, v63;
	v35 =	vsel vm7, v28, v33;
	v33 =	vld [tilespmem:$0x1FF10];
	vm0 =	vgt.f32 v4, v34  }
0x192: {  	v6 =	vsel vm0, v4, v34;
	v34 =	vld [tilespmem:$0x1FF20];
	v62 =	vsel vm8, v29, v35  }
0x193: {  	v35 =	vld [tilespmem:$0x1FF30];
	v62 =	vsel vm5, v30, v62  }
0x194: {  	v11 =	vld [tilespmem:$0x1FF40];
	v62 =	vsel vm6, v31, v62  }
0x195: {  	v63 =	vld [tilespmem:$0x1FF50];
	v62 =	vsel vm4, v32, v62  }
0x196: {  	v62 =	vsel vm3, v33, v62  }
0x197: {  	v62 =	vsel vm2, v34, v62  }
0x198: {  	v62 =	vsel vm1, v35, v62  }
0x199: {  	v62 =	vsel vm9, v11, v62  }
0x19a: {  	v62 =	vsel vm10, v63, v62;
	v63 =	vld [tilespmem:$0x1FF60];
	_ =	sdelay $0x4  }
0x19b: {  	vm8 =	vgt.f32 v5, v6;
	v62 =	vsel vm11, v63, v62;
	v63 =	vld [tilespmem:$0x1FF70]  }
0x19c: {  	v8 =	vld [tilespmem:$0x1FF80];
	v6 =	vsel vm8, v5, v6  }
0x19d: {  	(xrf0) =	vmax.scan.msk.f32 $0xffff, v6;
	_ =	sdelay $0x2  }
0x19e: {  	v62 =	vsel vm12, v63, v62  }
0x19f: {  	v62 =	vsel vm0, v8, v62;
	v8 =	vld [tilespmem:$0x1FAD0];
	_ =	sdelay $0x1  }
0x1a0: {  	v7 =	vimm.s32 $0xF;
	v63, _, _ =	vpop (xrf0)  }
0x1a1: {  	v63 =	vperm.xlane v63, v7;
	_ =	sdelay $0x1  }
0x1a2: {  	vm9 =	veq.f32 v6, v63;
	v62 =	vsel vm8, v8, v62  }
0x1a3: {  	v6 =	vnsel vm9, $0x7FFFF000, v62  }
0x1a4: {  	(xrf0) =	vmax.scan.msk.u32 $0xffff, v6;
	_ =	sdelay $0x5  }
0x1a5: {  	v8 =	vld [tilespmem:$0x1FAE0];
	v6, _, _ =	vpop (xrf0)  }
0x1a6: {  	v7 =	vimm.s32 $0xF;
	v6 =	vxor.u32 $0x80000000, v6  }
0x1a7: {  	v6 =	vperm.xlane v6, v7;
	_ =	sdelay $0x1  }
0x1a8: {  	v7 =	vsub.s32 $0x0, v6  }
0x1a9: {  	vm10 =	veq.s32 v7, v8;
	v8 =	vld [tilespmem:$0x1FAF0];
	_ =	sdelay $0x4  }
0x1aa: {  	vm11 =	veq.s32 v7, v8;
	v8 =	vld [tilespmem:$0x1FB10];
	_ =	sdelay $0x4  }
0x1ab: {  	vm12 =	veq.s32 v7, v8;
	v8 =	vld [tilespmem:$0x1FB30];
	_ =	sdelay $0x4  }
0x1ac: {  	vm13 =	veq.s32 v7, v8;
	v8 =	vld [tilespmem:$0x1FB50];
	_ =	sdelay $0x3  }
0x1ad: {  	v54 =	vsel vm10, $0xF149F2CA, v54;
	v55 =	vsel vm11, $0xF149F2CA, v55  }
0x1ae: {  	vm14 =	vgt.f32 v55, v54;
	vm1 =	veq.s32 v7, v8;
	v8 =	vimm.s32 $0x0  }
0x1af: {  	v8 =	vsel vm14, $0xFFFFFFFF, v8  }
0x1b0: {  	[tilespmem:$0x1F790] =	vst v8;
	v8 =	vld [tilespmem:$0x1FB70];
	_ =	sdelay $0x4  }
0x1b1: {  	vm15 =	veq.s32 v7, v8;
	v8 =	vld [tilespmem:$0x1FB80];
	_ =	sdelay $0x4  }
0x1b2: {  	v56 =	vsel vm12, $0xF149F2CA, v56;
	vm12 =	veq.s32 v7, v8;
	v8 =	vld [tilespmem:$0x1FBA0];
	_ =	sdelay $0x3  }
0x1b3: {  	v62 =	vsel vm14, v55, v54;
	v57 =	vsel vm13, $0xF149F2CA, v57  }
0x1b4: {  	vm13 =	vgt.f32 v56, v62;
	vm10 =	veq.s32 v7, v8;
	v8 =	vimm.s32 $0x0  }
0x1b5: {  	v8 =	vsel vm13, $0xFFFFFFFF, v8  }
0x1b6: {  	[tilespmem:$0x1F7A0] =	vst v8;
	v8 =	vld [tilespmem:$0x1FBB0];
	_ =	sdelay $0x4  }
0x1b7: {  	vm9 =	veq.s32 v7, v8;
	v8 =	vld [tilespmem:$0x1FBC0];
	_ =	sdelay $0x4  }
0x1b8: {  	vm8 =	veq.s32 v7, v8;
	v8 =	vld [tilespmem:$0x1FBD0];
	_ =	sdelay $0x3  }
0x1b9: {  	v62 =	vsel vm13, v56, v62  }
0x1ba: {  	vm0 =	vgt.f32 v57, v62;
	vm6 =	veq.s32 v7, v8;
	v8 =	vimm.s32 $0x0  }
0x1bb: {  	v8 =	vsel vm0, $0xFFFFFFFF, v8  }
0x1bc: {  	[tilespmem:$0x1F7B0] =	vst v8;
	v8 =	vld [tilespmem:$0x1FBE0];
	_ =	sdelay $0x4  }
0x1bd: {  	vm5 =	veq.s32 v7, v8;
	v8 =	vld [tilespmem:$0x1FBF0];
	_ =	sdelay $0x4  }
0x1be: {  	vm4 =	veq.s32 v7, v8;
	v8 =	vld [tilespmem:$0x1FC00];
	_ =	sdelay $0x3  }
0x1bf: {  	v62 =	vsel vm0, v57, v62;
	v58 =	vsel vm1, $0xF149F2CA, v58  }
0x1c0: {  	vm0 =	vgt.f32 v58, v62;
	vm3 =	veq.s32 v7, v8;
	v8 =	vimm.s32 $0x0  }
0x1c1: {  	v8 =	vsel vm0, $0xFFFFFFFF, v8  }
0x1c2: {  	[tilespmem:$0x1F7C0] =	vst v8;
	v8 =	vld [tilespmem:$0x1FC10];
	_ =	sdelay $0x4  }
0x1c3: {  	vm2 =	veq.s32 v7, v8;
	v8 =	vld [tilespmem:$0x1FC20];
	_ =	sdelay $0x4  }
0x1c4: {  	vm1 =	veq.s32 v7, v8;
	v8 =	vld [tilespmem:$0x1FC30];
	_ =	sdelay $0x3  }
0x1c5: {  	v59 =	vsel vm15, $0xF149F2CA, v59;
	v62 =	vsel vm0, v58, v62  }
0x1c6: {  	vm11 =	vgt.f32 v59, v62;
	vm0 =	veq.s32 v7, v8;
	v8 =	vimm.s32 $0x0  }
0x1c7: {  	v8 =	vsel vm11, $0xFFFFFFFF, v8  }
0x1c8: {  	[tilespmem:$0x1F7E0] =	vst v8;
	v8 =	vld [tilespmem:$0x1FC40];
	_ =	sdelay $0x4  }
0x1c9: {  	vm7 =	veq.s32 v7, v8;
	v8 =	vld [tilespmem:$0x1FC50];
	_ =	sdelay $0x4  }
0x1ca: {  	v60 =	vsel vm12, $0xF149F2CA, v60;
	vm12 =	veq.s32 v7, v8;
	v8 =	vld [tilespmem:$0x1FC60]  }
0x1cb: {  	v62 =	vsel vm11, v59, v62  }
0x1cc: {  	vm15 =	vgt.f32 v60, v62  }
0x1cd: {  	v63 =	vsel vm15, v60, v62;
	v62 =	vsel vm9, $0xF149F2CA, v2;
	v2 =	vld [tilespmem:$0x1FC90];
	_ =	sdelay $0x1  }
0x1ce: {  	vm14 =	veq.s32 v7, v8;
	v8 =	vimm.s32 $0x0  }
0x1cf: {  	v8 =	vsel vm14, $0xFFFFFFFF, v8  }
0x1d0: {  	[tilespmem:$0x1F750] =	vst v8;
	v8 =	vimm.s32 $0x0  }
0x1d1: {  	v8 =	vsel vm15, $0xFFFFFFFF, v8;
	vm15 =	veq.s32 v7, v2;
	v2 =	vimm.s32 $0x0  }
0x1d2: {  	v61 =	vsel vm10, $0xF149F2CA, v61;
	v2 =	vsel vm15, $0xFFFFFFFF, v2  }
0x1d3: {  	vm9 =	vgt.f32 v61, v63;
	[tilespmem:$0x1F780] =	vst v2;
	v2 =	vimm.s32 $0x0  }
0x1d4: {  	v2 =	vsel vm9, $0xFFFFFFFF, v2  }
0x1d5: {  	[tilespmem:$0x1F810] =	vst v2;
	v2 =	vld [tilespmem:$0x1FCD0];
	_ =	sdelay $0x3  }
0x1d6: {  	[tilespmem:$0x1F7F0] =	vst v8;
	v8 =	vld [tilespmem:$0x1FC70]  }
0x1d7: {  	vm15 =	veq.s32 v7, v2;
	v2 =	vld [tilespmem:$0x1FD10];
	_ =	sdelay $0x3  }
0x1d8: {  	vm13 =	veq.s32 v7, v8;
	v8 =	vimm.s32 $0x0  }
0x1d9: {  	v8 =	vsel vm13, $0xFFFFFFFF, v8;
	vm13 =	veq.s32 v7, v2;
	v2 =	vimm.s32 $0x0  }
0x1da: {  	[tilespmem:$0x1F760] =	vst v8;
	v8 =	vld [tilespmem:$0x1FC80];
	v2 =	vsel vm13, $0xFFFFFFFF, v2  }
0x1db: {  	[tilespmem:$0x1F7D0] =	vst v2;
	v2 =	vsel vm9, v61, v63;
	v63 =	vsel vm8, $0xF149F2CA, v1;
	v1 =	vld [tilespmem:$0x1FD60];
	_ =	sdelay $0x3  }
0x1dc: {  	vm14 =	veq.s32 v7, v8;
	v8 =	vimm.s32 $0x0  }
0x1dd: {  	v8 =	vsel vm14, $0xFFFFFFFF, v8;
	vm14 =	veq.s32 v7, v1;
	v1 =	vimm.s32 $0x0  }
0x1de: {  	v1 =	vsel vm14, $0xFFFFFFFF, v1  }
0x1df: {  	vm9 =	vgt.f32 v62, v2;
	[tilespmem:$0x1F800] =	vst v1;
	v1 =	vimm.s32 $0x0  }
0x1e0: {  	v1 =	vsel vm9, $0xFFFFFFFF, v1  }
0x1e1: {  	[tilespmem:$0x1F820] =	vst v1;
	v1 =	vld [tilespmem:$0x1FDB0];
	_ =	sdelay $0x4  }
0x1e2: {  	vm13 =	veq.s32 v7, v1;
	v1 =	vimm.s32 $0x0  }
0x1e3: {  	v1 =	vsel vm13, $0xFFFFFFFF, v1  }
0x1e4: {  	[tilespmem:$0x1F830] =	vst v1;
	v1 =	vld [tilespmem:$0x1FDF0];
	_ =	sdelay $0x4  }
0x1e5: {  	vm14 =	veq.s32 v7, v1;
	v1 =	vimm.s32 $0x0  }
0x1e6: {  	v1 =	vsel vm14, $0xFFFFFFFF, v1  }
0x1e7: {  	[tilespmem:$0x1F860] =	vst v1;
	v1 =	vsel vm9, v62, v2;
	v2 =	vld [tilespmem:$0x1FE30];
	_ =	sdelay $0x4  }
0x1e8: {  	vm11 =	veq.s32 v7, v2;
	v2 =	vimm.s32 $0x0  }
0x1e9: {  	v2 =	vsel vm11, $0xFFFFFFFF, v2  }
0x1ea: {  	vm8 =	vgt.f32 v63, v1;
	[tilespmem:$0x1F870] =	vst v2;
	v2 =	vimm.s32 $0x0  }
0x1eb: {  	v2 =	vsel vm8, $0xFFFFFFFF, v2  }
0x1ec: {  	[tilespmem:$0x1F840] =	vst v2;
	v2 =	vld [tilespmem:$0x1FE50];
	_ =	sdelay $0x4  }
0x1ed: {  	vm13 =	veq.s32 v7, v2;
	v2 =	vimm.s32 $0x0  }
0x1ee: {  	v2 =	vsel vm13, $0xFFFFFFFF, v2  }
0x1ef: {  	[tilespmem:$0x1F880] =	vst v2;
	v2 =	vld [tilespmem:$0x1FE80];
	_ =	sdelay $0x4  }
0x1f0: {  	vm14 =	veq.s32 v7, v2;
	v2 =	vimm.s32 $0x0  }
0x1f1: {  	v2 =	vsel vm14, $0xFFFFFFFF, v2  }
0x1f2: {  	[tilespmem:$0x1F890] =	vst v2;
	v2 =	vld [tilespmem:$0x1FEB0];
	_ =	sdelay $0x4  }
0x1f3: {  	vm9 =	veq.s32 v7, v2;
	v2 =	vimm.s32 $0x0  }
0x1f4: {  	v0 =	vsel vm6, $0xF149F2CA, v0;
	v1 =	vsel vm8, v63, v1;
	v2 =	vsel vm9, $0xFFFFFFFF, v2  }
0x1f5: {  	vm10 =	vgt.f32 v0, v1;
	[tilespmem:$0x1F8A0] =	vst v2;
	v2 =	vimm.s32 $0x0  }
0x1f6: {  	v2 =	vsel vm10, $0xFFFFFFFF, v2  }
0x1f7: {  	[tilespmem:$0x1F850] =	vst v2;
	v2 =	vshra.s32 v7, $0x1F  }
0x1f8: {  	[tilespmem:$0x1F770] =	vst v8;
	v8 =	vshrl.u32 v2, $0x1C  }
0x1f9: {  	vm11 =	vne.s32 v10, v6;
	v6 =	vsub.s32 v8, v6  }
0x1fa: {  	v8 =	vsel vm11, $0x1, v10;
	v6 =	vshra.s32 v6, $0x4  }
0x1fb: {  	v2 =	vor.u32 v8, v2;
	v8 =	vshll.u32 v6, $0x4  }
0x1fc: {  	vm6 =	vne.s32 v2, $0x1;
	v2 =	vsub.s32 v7, v8  }
0x1fd: {  	v2 =	vshll.u32 v2, $0x1  }
0x1fe: {  	[tilespmem:$0x1FA10] =	vst v2;
	v2 =	vsel vm0, $0xF149F2CA, v37;
	v37 =	vld [tilespmem:$0x1F750]  }
0x1ff: {  	v52 =	vsel vm5, $0xF149F2CA, v52;
	v1 =	vsel vm10, v0, v1  }
0x200: {  	v49 =	vsel vm4, $0xF149F2CA, v49;
	v46 =	vsel vm3, $0xF149F2CA, v46;
	vm14 =	vgt.f32 v52, v1  }
0x201: {  	v43 =	vsel vm2, $0xF149F2CA, v43;
	v1 =	vsel vm14, v52, v1;
	vm2 =	vne.s32 v7, v8  }
0x202: {  	v38 =	vsel vm7, $0xF149F2CA, v38;
	vm13 =	vgt.f32 v49, v1;
	vm6 =	vmand vm2, vm6  }
0x203: {  	v1 =	vsel vm13, v49, v1;
	v8 =	vsel vm6, $0xFFFFFFFF, v10;
	vm7 =	vnez.u8 v37;
	v37 =	vld [tilespmem:$0x1F770]  }
0x204: {  	vm11 =	vgt.f32 v46, v1;
	v6 =	vadd.s32 v8, v6;
	v8 =	vld [tilespmem:$0x1F790]  }
0x205: {  	v9 =	vsel vm11, v46, v1  }
0x206: {  	vm10 =	vgt.f32 v43, v9  }
0x207: {  	v1 =	vsel vm1, $0xF149F2CA, v36;
	v36 =	vsel vm10, v43, v9;
	v9 =	vld [tilespmem:$0x1F7A0]  }
0x208: {  	vm5 =	vnez.u8 v37;
	v37 =	vld [tilespmem:$0x1FCB0]  }
0x209: {  	vm0 =	vnez.u8 v8;
	v8 =	vld [tilespmem:$0x1FCC0]  }
0x20a: {  	vm9 =	vgt.f32 v1, v36  }
0x20b: {  	v7 =	vsel vm9, v1, v36  }
0x20c: {  	vm8 =	vgt.f32 v2, v7;
	v6 =	vshll.u32 v6, $0x6  }
0x20d: {  	[tilespmem:$0x1FA20] =	vst v6;
	v6 =	vsel vm8, v2, v7;
	v7 =	vsel vm0, v37, v12;
	vm0 =	vnez.u8 v9  }
0x20e: {  	v7 =	vsel vm0, v8, v7;
	v8 =	vld [tilespmem:$0x1F7B0];
	_ =	sdelay $0x4  }
0x20f: {  	v45 =	vsel vm15, $0xF149F2CA, v45;
	vm15 =	vnez.u8 v8;
	v8 =	vld [tilespmem:$0x1F7C0];
	_ =	sdelay $0x4  }
0x210: {  	v7 =	vsel vm15, v13, v7;
	vm15 =	vnez.u8 v8;
	v8 =	vld [tilespmem:$0x1F7D0];
	_ =	sdelay $0x4  }
0x211: {  	v7 =	vsel vm15, v14, v7;
	vm15 =	vnez.u8 v8;
	v8 =	vld [tilespmem:$0x1F7E0];
	_ =	sdelay $0x4  }
0x212: {  	v47 =	vsel vm15, $0xF149F2CA, v47;
	vm15 =	vnez.u8 v8;
	v8 =	vld [tilespmem:$0x1F7F0];
	_ =	sdelay $0x4  }
0x213: {  	v7 =	vsel vm15, v15, v7;
	vm15 =	vnez.u8 v8;
	v8 =	vld [tilespmem:$0x1F800];
	_ =	sdelay $0x4  }
0x214: {  	v7 =	vsel vm15, v16, v7;
	vm15 =	vnez.u8 v8;
	v8 =	vld [tilespmem:$0x1F810];
	_ =	sdelay $0x4  }
0x215: {  	v48 =	vsel vm15, $0xF149F2CA, v48;
	vm15 =	vnez.u8 v8;
	v8 =	vld [tilespmem:$0x1F820];
	_ =	sdelay $0x4  }
0x216: {  	v7 =	vsel vm15, v17, v7;
	vm15 =	vnez.u8 v8;
	v8 =	vld [tilespmem:$0x1F830];
	_ =	sdelay $0x4  }
0x217: {  	v7 =	vsel vm15, v18, v7;
	vm15 =	vnez.u8 v8;
	v8 =	vld [tilespmem:$0x1F840];
	_ =	sdelay $0x4  }
0x218: {  	v50 =	vsel vm15, $0xF149F2CA, v50;
	vm15 =	vnez.u8 v8;
	v8 =	vld [tilespmem:$0x1F850];
	_ =	sdelay $0x2  }
0x219: {  	v36 =	vld [tilespmem:$0x1F760];
	_ =	sdelay $0x1  }
0x21a: {  	v7 =	vsel vm15, v19, v7;
	vm15 =	vnez.u8 v8;
	v8 =	vld [tilespmem:$0x1F860]  }
0x21b: {  	v39 =	vsel vm12, $0xF149F2CA, v39;
	vm12 =	vgt.f32 v38, v6  }
0x21c: {  	v6 =	vsel vm12, v38, v6  }
0x21d: {  	vm4 =	vnez.u8 v36;
	v36 =	vld [tilespmem:$0x1F780];
	v40 =	vsel vm7, $0xF149F2CA, v40;
	vm7 =	vgt.f32 v39, v6  }
0x21e: {  	v6 =	vsel vm7, v39, v6  }
0x21f: {  	vm6 =	vgt.f32 v40, v6;
	v7 =	vsel vm15, v20, v7;
	vm15 =	vnez.u8 v8;
	v8 =	vld [tilespmem:$0x1F870]  }
0x220: {  	v41 =	vsel vm4, $0xF149F2CA, v41;
	v6 =	vsel vm6, v40, v6  }
0x221: {  	v42 =	vsel vm5, $0xF149F2CA, v42;
	vm5 =	vgt.f32 v41, v6  }
0x222: {  	vm4 =	vnez.u8 v36;
	v6 =	vsel vm5, v41, v6  }
0x223: {  	v44 =	vsel vm4, $0xF149F2CA, v44;
	vm4 =	vgt.f32 v42, v6;
	v7 =	vsel vm14, v21, v7  }
0x224: {  	v6 =	vsel vm4, v42, v6;
	v7 =	vsel vm13, v22, v7;
	vm13 =	vnez.u8 v8;
	v8 =	vld [tilespmem:$0x1F880]  }
0x225: {  	vm3 =	vgt.f32 v44, v6  }
0x226: {  	v6 =	vsel vm3, v44, v6  }
0x227: {  	vm2 =	vgt.f32 v45, v6  }
0x228: {  	v6 =	vsel vm2, v45, v6  }
0x229: {  	vm1 =	vgt.f32 v47, v6;
	v7 =	vsel vm11, v23, v7;
	vm14 =	vnez.u8 v8;
	v8 =	vld [tilespmem:$0x1F890]  }
0x22a: {  	v6 =	vsel vm1, v47, v6;
	v7 =	vsel vm10, v24, v7  }
0x22b: {  	vm0 =	vgt.f32 v48, v6;
	v7 =	vsel vm9, v25, v7  }
0x22c: {  	v6 =	vsel vm0, v48, v6;
	v7 =	vsel vm8, v26, v7  }
0x22d: {  	v51 =	vsel vm15, $0xF149F2CA, v51;
	vm15 =	vgt.f32 v50, v6;
	v7 =	vsel vm12, v27, v7  }
0x22e: {  	v7 =	vsel vm7, v28, v7;
	v3 =	vsel vm14, $0xF149F2CA, v3;
	vm14 =	vnez.u8 v8;
	v8 =	vld [tilespmem:$0x1F8A0]  }
0x22f: {  	v6 =	vsel vm15, v50, v6;
	v7 =	vsel vm6, v29, v7  }
0x230: {  	v53 =	vsel vm13, $0xF149F2CA, v53;
	vm13 =	vgt.f32 v51, v6;
	v7 =	vsel vm5, v30, v7  }
0x231: {  	v6 =	vsel vm13, v51, v6;
	v7 =	vsel vm4, v31, v7  }
0x232: {  	v37 =	vld [tilespmem:$0x1FF50];
	vm10 =	vgt.f32 v53, v6;
	v7 =	vsel vm3, v32, v7  }
0x233: {  	v6 =	vsel vm10, v53, v6;
	v7 =	vsel vm2, v33, v7;
	vm11 =	vnez.u8 v8;
	v8 =	vld [tilespmem:$0x1FF60]  }
0x234: {  	v7 =	vsel vm1, v34, v7;
	vm8 =	vgt.f32 v3, v6  }
0x235: {  	v7 =	vsel vm0, v35, v7;
	v6 =	vsel vm8, v3, v6;
	v4 =	vsel vm14, $0xF149F2CA, v4  }
0x236: {  	v7 =	vsel vm15, v11, v7;
	vm12 =	vgt.f32 v4, v6  }
0x237: {  	v7 =	vsel vm13, v37, v7;
	v6 =	vsel vm12, v4, v6;
	v5 =	vsel vm11, $0xF149F2CA, v5  }
0x238: {  	vm14 =	vgt.f32 v5, v6;
	v7 =	vsel vm10, v8, v7;
	v8 =	vld [tilespmem:$0x1FF70]  }
0x239: {  	v36 =	vmov v11;
	v11 =	vld [tilespmem:$0x1FF80];
	v6 =	vsel vm14, v5, v6  }
0x23a: {  	(xrf0) =	vmax.scan.msk.f32 $0xffff, v6;
	_ =	sdelay $0x2  }
0x23b: {  	v7 =	vsel vm8, v8, v7  }
0x23c: {  	v7 =	vsel vm12, v11, v7;
	v11 =	vld [tilespmem:$0x1FAD0];
	_ =	sdelay $0x1  }
0x23d: {  	v9 =	vimm.s32 $0xF;
	v8, _, _ =	vpop (xrf0)  }
0x23e: {  	v8 =	vperm.xlane v8, v9;
	_ =	sdelay $0x1  }
0x23f: {  	vm8 =	veq.f32 v6, v8;
	v7 =	vsel vm14, v11, v7  }
0x240: {  	v6 =	vnsel vm8, $0x7FFFF000, v7  }
0x241: {  	(xrf0) =	vmax.scan.msk.u32 $0xffff, v6;
	_ =	sdelay $0x5  }
0x242: {  	v8 =	vld [tilespmem:$0x1FAE0];
	v6, _, _ =	vpop (xrf0)  }
0x243: {  	v6 =	vxor.u32 $0x80000000, v6  }
0x244: {  	v6 =	vperm.xlane v6, v9;
	_ =	sdelay $0x1  }
0x245: {  	v7 =	vsub.s32 $0x0, v6  }
0x246: {  	vm9 =	veq.s32 v7, v8;
	v8 =	vld [tilespmem:$0x1FAF0];
	_ =	sdelay $0x4  }
0x247: {  	vm10 =	veq.s32 v7, v8;
	v8 =	vld [tilespmem:$0x1FB10]  }
0x248: {  	v9 =	vsel vm10, $0xF149F2CA, v55;
	v55 =	vld [tilespmem:$0x1FB50];
	_ =	sdelay $0x3  }
0x249: {  	vm11 =	veq.s32 v7, v8;
	v8 =	vsel vm9, $0xF149F2CA, v54  }
0x24a: {  	v54 =	vld [tilespmem:$0x1FB30];
	vm1 =	veq.s32 v7, v55;
	vm13 =	vgt.f32 v9, v8;
	v55 =	vimm.s32 $0x0  }
0x24b: {  	v55 =	vsel vm13, $0xFFFFFFFF, v55  }
0x24c: {  	[tilespmem:$0x1F8F0] =	vst v55;
	v55 =	vld [tilespmem:$0x1FB70];
	_ =	sdelay $0x2  }
0x24d: {  	vm12 =	veq.s32 v7, v54  }
0x24e: {  	v8 =	vsel vm13, v9, v8;
	v9 =	vsel vm12, $0xF149F2CA, v57;
	v57 =	vld [tilespmem:$0x1FBA0]  }
0x24f: {  	vm3 =	veq.s32 v7, v55;
	v55 =	vld [tilespmem:$0x1FB80];
	_ =	sdelay $0x2  }
0x250: {  	v54 =	vsel vm11, $0xF149F2CA, v56  }
0x251: {  	vm14 =	vgt.f32 v54, v8;
	vm12 =	veq.s32 v7, v57;
	v57 =	vimm.s32 $0x0  }
0x252: {  	vm7 =	veq.s32 v7, v55;
	v55 =	vsel vm14, $0xFFFFFFFF, v57;
	v57 =	vld [tilespmem:$0x1FBB0];
	_ =	sdelay $0x4  }
0x253: {  	vm10 =	veq.s32 v7, v57;
	v57 =	vld [tilespmem:$0x1FBC0];
	_ =	sdelay $0x1  }
0x254: {  	v8 =	vsel vm14, v54, v8  }
0x255: {  	v54 =	vsel vm1, $0xF149F2CA, v58;
	v58 =	vimm.s32 $0x0;
	vm0 =	vgt.f32 v9, v8  }
0x256: {  	[tilespmem:$0x1F900] =	vst v55;
	v55 =	vsel vm0, $0xFFFFFFFF, v58;
	v58 =	vld [tilespmem:$0x1FBF0]  }
0x257: {  	vm9 =	veq.s32 v7, v57;
	v57 =	vld [tilespmem:$0x1FBD0];
	_ =	sdelay $0x2  }
0x258: {  	v8 =	vsel vm0, v9, v8;
	v9 =	vsel vm3, $0xF149F2CA, v59;
	v59 =	vld [tilespmem:$0x1FC00]  }
0x259: {  	vm5 =	veq.s32 v7, v58;
	v58 =	vld [tilespmem:$0x1FC10]  }
0x25a: {  	vm0 =	vgt.f32 v54, v8;
	vm8 =	veq.s32 v7, v57;
	v57 =	vld [tilespmem:$0x1FBE0]  }
0x25b: {  	v8 =	vsel vm0, v54, v8;
	v54 =	vsel vm7, $0xF149F2CA, v60;
	v60 =	vld [tilespmem:$0x1FC30];
	_ =	sdelay $0x1  }
0x25c: {  	vm4 =	veq.s32 v7, v59;
	v59 =	vld [tilespmem:$0x1FC20];
	_ =	sdelay $0x1  }
0x25d: {  	vm3 =	veq.s32 v7, v58;
	v58 =	vld [tilespmem:$0x1FC40];
	vm6 =	veq.s32 v7, v57;
	v57 =	vimm.s32 $0x0  }
0x25e: {  	[tilespmem:$0x1F910] =	vst v55;
	v55 =	vsel vm0, $0xFFFFFFFF, v57;
	vm0 =	veq.s32 v7, v60;
	v60 =	vld [tilespmem:$0x1FC60];
	_ =	sdelay $0x1  }
0x25f: {  	vm1 =	veq.s32 v7, v59;
	v59 =	vld [tilespmem:$0x1FC50];
	_ =	sdelay $0x1  }
0x260: {  	vm13 =	vgt.f32 v9, v8;
	vm7 =	veq.s32 v7, v58;
	v58 =	vld [tilespmem:$0x1FC70]  }
0x261: {  	v8 =	vsel vm13, v9, v8;
	v9 =	vsel vm12, $0xF149F2CA, v61;
	vm12 =	veq.s32 v7, v60;
	v60 =	vld [tilespmem:$0x1FC80]  }
0x262: {  	v61 =	vimm.s32 $0x0;
	v57 =	vimm.s32 $0x0  }
0x263: {  	vm11 =	veq.s32 v7, v59;
	v59 =	vimm.s32 $0x0;
	[tilespmem:$0x1F920] =	vst v55;
	v55 =	vsel vm13, $0xFFFFFFFF, v57  }
0x264: {  	v57 =	vimm.s32 $0x0;
	[tilespmem:$0x1F940] =	vst v55;
	v55 =	vsel vm12, $0xFFFFFFFF, v61;
	vm12 =	vgt.f32 v54, v8  }
0x265: {  	vm13 =	veq.s32 v7, v58;
	v61 =	vimm.s32 $0x0;
	[tilespmem:$0x1F8B0] =	vst v55;
	v55 =	vsel vm12, $0xFFFFFFFF, v57;
	v57 =	vld [tilespmem:$0x1FC90]  }
0x266: {  	v8 =	vsel vm12, v54, v8;
	[tilespmem:$0x1F950] =	vst v55;
	v55 =	vsel vm13, $0xFFFFFFFF, v59;
	vm13 =	veq.s32 v7, v60  }
0x267: {  	v54 =	vsel vm10, $0xF149F2CA, v62;
	vm10 =	vgt.f32 v9, v8;
	[tilespmem:$0x1F8C0] =	vst v55;
	v55 =	vsel vm13, $0xFFFFFFFF, v61;
	v61 =	vld [tilespmem:$0x1FD10]  }
0x268: {  	v8 =	vsel vm10, v9, v8;
	v9 =	vsel vm9, $0xF149F2CA, v63;
	v63 =	vld [tilespmem:$0x1FD60];
	_ =	sdelay $0x1  }
0x269: {  	v58 =	vimm.s32 $0x0;
	v60 =	vld [tilespmem:$0x1FCD0];
	vm15 =	veq.s32 v7, v57  }
0x26a: {  	vm2 =	vne.s32 v10, v6;
	v59 =	vimm.s32 $0x0;
	[tilespmem:$0x1F8D0] =	vst v55;
	v55 =	vsel vm15, $0xFFFFFFFF, v58  }
0x26b: {  	v62 =	vimm.s32 $0x0;
	[tilespmem:$0x1F8E0] =	vst v55;
	v55 =	vsel vm10, $0xFFFFFFFF, v59;
	v59 =	vld [tilespmem:$0x1FDB0];
	vm12 =	veq.s32 v7, v61  }
0x26c: {  	v56 =	vimm.s32 $0x0;
	[tilespmem:$0x1F970] =	vst v55;
	v55 =	vsel vm12, $0xFFFFFFFF, v62;
	vm12 =	veq.s32 v7, v63;
	v63 =	vld [tilespmem:$0x1FE30]  }
0x26d: {  	v49 =	vsel vm5, $0xF149F2CA, v49;
	v0 =	vsel vm8, $0xF149F2CA, v0;
	v57 =	vimm.s32 $0x0  }
0x26e: {  	v58 =	vimm.s32 $0x0;
	vm10 =	vgt.f32 v54, v8;
	vm15 =	veq.s32 v7, v60;
	v61 =	vld [tilespmem:$0x1FDF0]  }
0x26f: {  	v60 =	vimm.s32 $0x0;
	v8 =	vsel vm10, v54, v8;
	v62 =	vimm.s32 $0x0  }
0x270: {  	[tilespmem:$0x1F930] =	vst v55;
	v55 =	vsel vm12, $0xFFFFFFFF, v57;
	v57 =	vimm.s32 $0x0;
	vm13 =	veq.s32 v7, v59;
	v59 =	vld [tilespmem:$0x1FE50]  }
0x271: {  	[tilespmem:$0x1F960] =	vst v55;
	v55 =	vsel vm10, $0xFFFFFFFF, v58;
	v58 =	vimm.s32 $0x0;
	vm12 =	veq.s32 v7, v63;
	v63 =	vld [tilespmem:$0x1FEB0]  }
0x272: {  	[tilespmem:$0x1F980] =	vst v55;
	v55 =	vsel vm13, $0xFFFFFFFF, v60;
	vm13 =	vgt.f32 v9, v8;
	v60 =	vimm.s32 $0x0  }
0x273: {  	vm14 =	veq.s32 v7, v61;
	v61 =	vld [tilespmem:$0x1FE80];
	v8 =	vsel vm13, v9, v8;
	v9 =	vsel vm6, $0xF149F2CA, v52  }
0x274: {  	[tilespmem:$0x1F990] =	vst v55;
	v55 =	vsel vm14, $0xFFFFFFFF, v62;
	v62 =	vimm.s32 $0x0;
	v54 =	vsel vm12, $0xFFFFFFFF, v57  }
0x275: {  	v57 =	vimm.s32 $0x0;
	[tilespmem:$0x1F9D0] =	vst v54;
	v54 =	vsel vm13, $0xFFFFFFFF, v58;
	vm14 =	veq.s32 v7, v59  }
0x276: {  	[tilespmem:$0x1F9A0] =	vst v54;
	v54 =	vsel vm14, $0xFFFFFFFF, v60;
	vm14 =	vgt.f32 v0, v8;
	vm13 =	veq.s32 v7, v63  }
0x277: {  	v58 =	vsel vm2, $0x1, v10;
	v0 =	vsel vm14, v0, v8;
	v52 =	vsel vm13, $0xFFFFFFFF, v56  }
0x278: {  	vm12 =	veq.s32 v7, v61;
	[tilespmem:$0x1FA00] =	vst v52;
	v52 =	vsel vm14, $0xFFFFFFFF, v57;
	vm14 =	vgt.f32 v9, v0  }
0x279: {  	[tilespmem:$0x1F9E0] =	vst v54;
	v8 =	vshra.s32 v7, $0x1F;
	v54 =	vsel vm12, $0xFFFFFFFF, v62;
	v0 =	vsel vm14, v9, v0  }
0x27a: {  	v59 =	vshrl.u32 v8, $0x1C;
	v8 =	vor.u32 v58, v8;
	vm13 =	vgt.f32 v49, v0  }
0x27b: {  	v6 =	vsub.s32 v59, v6;
	v9 =	vsel vm4, $0xF149F2CA, v46;
	v0 =	vsel vm13, v49, v0  }
0x27c: {  	vm9 =	vne.s32 v8, $0x1;
	v60 =	vand.u32 $0xFFFFFFF0, v6;
	vm12 =	vgt.f32 v9, v0  }
0x27d: {  	v8 =	vsel vm3, $0xF149F2CA, v43;
	vm10 =	vne.s32 v7, v60;
	v0 =	vsel vm12, v9, v0  }
0x27e: {  	vm2 =	vmand vm10, vm9;
	vm10 =	vgt.f32 v8, v0  }
0x27f: {  	v61 =	vsel vm1, $0xF149F2CA, v1;
	v63 =	vsel vm10, v8, v0  }
0x280: {  	v6 =	vshrl.u32 v6, $0x4;
	v49 =	vld [tilespmem:$0x1F8B0];
	v9 =	vsel vm2, $0xFFFFFFFF, v10;
	vm9 =	vgt.f32 v61, v63  }
0x281: {  	v2 =	vsel vm0, $0xF149F2CA, v2;
	v62 =	vadd.s32 v9, v6;
	v6 =	vsel vm9, v61, v63  }
0x282: {  	vm8 =	vgt.f32 v2, v6  }
0x283: {  	v43 =	vsel vm7, $0xF149F2CA, v38;
	[tilespmem:$0x1F9B0] =	vst v52;
	v52 =	vld [tilespmem:$0x1F8C0];
	v2 =	vsel vm8, v2, v6  }
0x284: {  	[tilespmem:$0x1F9F0] =	vst v54;
	v54 =	vld [tilespmem:$0x1F8D0];
	v46 =	vsel vm11, $0xF149F2CA, v39;
	v9 =	vimm.s32 $0xFFFFFFF0;
	vm11 =	vgt.f32 v43, v2  }
0x285: {  	v7 =	vsub.s32 v7, v9;
	vm7 =	vnez.u8 v49;
	v2 =	vsel vm11, v43, v2  }
0x286: {  	[tilespmem:$0x1F9C0] =	vst v55;
	v55 =	vld [tilespmem:$0x1F8E0];
	v1 =	vshll.u32 v7, $0x1;
	v7 =	vsel vm7, $0xF149F2CA, v40;
	vm7 =	vgt.f32 v46, v2  }
0x287: {  	v58 =	vld [tilespmem:$0x1F900];
	v2 =	vsel vm7, v46, v2  }
0x288: {  	v56 =	vld [tilespmem:$0x1F8F0];
	vm4 =	vnez.u8 v52;
	vm6 =	vgt.f32 v7, v2  }
0x289: {  	vm5 =	vnez.u8 v54;
	v8 =	vld [tilespmem:$0x1FCB0];
	v6 =	vsel vm4, $0xF149F2CA, v41;
	v2 =	vsel vm6, v7, v2  }
0x28a: {  	v57 =	vld [tilespmem:$0x1FCC0];
	v7 =	vsel vm5, $0xF149F2CA, v42;
	vm5 =	vgt.f32 v6, v2  }
0x28b: {  	vm4 =	vnez.u8 v55;
	v2 =	vsel vm5, v6, v2  }
0x28c: {  	v6 =	vsel vm4, $0xF149F2CA, v44;
	vm4 =	vgt.f32 v7, v2  }
0x28d: {  	v59 =	vld [tilespmem:$0x1F910];
	vm0 =	vnez.u8 v56;
	v2 =	vsel vm4, v7, v2  }
0x28e: {  	v60 =	vld [tilespmem:$0x1F920];
	v8 =	vsel vm0, v8, v12;
	vm0 =	vnez.u8 v58;
	vm3 =	vgt.f32 v6, v2  }
0x28f: {  	v61 =	vld [tilespmem:$0x1F930];
	v7 =	vsel vm0, v57, v8;
	v8 =	vsel vm15, $0xF149F2CA, v45;
	v2 =	vsel vm3, v6, v2  }
0x290: {  	v0 =	vshll.u32 v62, $0x6;
	v62 =	vld [tilespmem:$0x1F940];
	vm2 =	vgt.f32 v8, v2  }
0x291: {  	v2 =	vsel vm2, v8, v2;
	v8 =	vld [tilespmem:$0x1F950]  }
0x292: {  	vm15 =	vnez.u8 v59  }
0x293: {  	v7 =	vsel vm15, v13, v7;
	vm15 =	vnez.u8 v60  }
0x294: {  	v6 =	vsel vm15, v14, v7;
	vm15 =	vnez.u8 v61  }
0x295: {  	v7 =	vsel vm15, $0xF149F2CA, v47;
	vm15 =	vnez.u8 v62  }
0x296: {  	v6 =	vsel vm15, v15, v6;
	vm15 =	vnez.u8 v8;
	v8 =	vld [tilespmem:$0x1F960]  }
0x297: {  	v63 =	vld [tilespmem:$0x1F970]  }
0x298: {  	v6 =	vsel vm15, v16, v6;
	v16 =	vld [tilespmem:$0x1F980];
	_ =	sdelay $0x2  }
0x299: {  	vm15 =	vnez.u8 v8  }
0x29a: {  	vm1 =	vgt.f32 v7, v2;
	v8 =	vsel vm15, $0xF149F2CA, v48;
	vm15 =	vnez.u8 v63  }
0x29b: {  	v2 =	vsel vm1, v7, v2;
	v6 =	vsel vm15, v17, v6;
	vm15 =	vnez.u8 v16;
	v17 =	vld [tilespmem:$0x1F990]  }
0x29c: {  	vm0 =	vgt.f32 v8, v2;
	v6 =	vsel vm15, v18, v6;
	v18 =	vld [tilespmem:$0x1F9A0]  }
0x29d: {  	v2 =	vsel vm0, v8, v2;
	v8 =	vld [tilespmem:$0x1F9B0];
	_ =	sdelay $0x2  }
0x29e: {  	vm15 =	vnez.u8 v17  }
0x29f: {  	v7 =	vsel vm15, $0xF149F2CA, v50;
	vm15 =	vnez.u8 v18  }
0x2a0: {  	v6 =	vsel vm15, v19, v6;
	vm15 =	vnez.u8 v8  }
0x2a1: {  	v8 =	vld [tilespmem:$0x1F9C0];
	v6 =	vsel vm15, v20, v6  }
0x2a2: {  	v6 =	vsel vm14, v21, v6  }
0x2a3: {  	v6 =	vsel vm13, v22, v6;
	v22 =	vld [tilespmem:$0x1F9D0];
	_ =	sdelay $0x2  }
0x2a4: {  	vm15 =	vnez.u8 v8  }
0x2a5: {  	v8 =	vsel vm15, $0xF149F2CA, v51;
	vm15 =	vgt.f32 v7, v2  }
0x2a6: {  	v2 =	vsel vm15, v7, v2;
	vm13 =	vnez.u8 v22  }
0x2a7: {  	v7 =	vsel vm13, $0xF149F2CA, v53;
	vm13 =	vgt.f32 v8, v2  }
0x2a8: {  	v2 =	vsel vm13, v8, v2;
	v8 =	vld [tilespmem:$0x1F9E0];
	_ =	sdelay $0x1  }
0x2a9: {  	v38 =	vld [tilespmem:$0x1F9F0];
	_ =	sdelay $0x1  }
0x2aa: {  	v40 =	vld [tilespmem:$0x1FA00];
	v6 =	vsel vm12, v23, v6  }
0x2ab: {  	v6 =	vsel vm10, v24, v6;
	vm10 =	vgt.f32 v7, v2;
	vm12 =	vnez.u8 v8  }
0x2ac: {  	v6 =	vsel vm9, v25, v6;
	v2 =	vsel vm10, v7, v2;
	v3 =	vsel vm12, $0xF149F2CA, v3  }
0x2ad: {  	vm14 =	vnez.u8 v38;
	v6 =	vsel vm8, v26, v6;
	vm8 =	vgt.f32 v3, v2  }
0x2ae: {  	v4 =	vsel vm14, $0xF149F2CA, v4;
	v6 =	vsel vm11, v27, v6;
	v2 =	vsel vm8, v3, v2  }
0x2af: {  	vm11 =	vnez.u8 v40;
	v39 =	vsel vm7, v28, v6;
	vm12 =	vgt.f32 v4, v2  }
0x2b0: {  	v5 =	vsel vm11, $0xF149F2CA, v5;
	v3 =	vsel vm6, v29, v39;
	v2 =	vsel vm12, v4, v2  }
0x2b1: {  	v3 =	vsel vm5, v30, v3;
	vm14 =	vgt.f32 v5, v2  }
0x2b2: {  	v3 =	vsel vm4, v31, v3;
	v2 =	vsel vm14, v5, v2  }
0x2b3: {  	v3 =	vsel vm3, v32, v3;
	(xrf0) =	vmax.scan.msk.f32 $0xffff, v2  }
0x2b4: {  	v41 =	vld [tilespmem:$0x1FF60];
	v3 =	vsel vm2, v33, v3  }
0x2b5: {  	v42 =	vld [tilespmem:$0x1FF70];
	v3 =	vsel vm1, v34, v3  }
0x2b6: {  	v45 =	vld [tilespmem:$0x1FF80];
	v3 =	vsel vm0, v35, v3  }
0x2b7: {  	v3 =	vsel vm15, v36, v3  }
0x2b8: {  	v3 =	vsel vm13, v37, v3  }
0x2b9: {  	v44 =	vimm.s32 $0xF;
	v3 =	vsel vm10, v41, v3;
	v43, _, _ =	vpop (xrf0)  }
0x2ba: {  	v3 =	vsel vm8, v42, v3;
	v4 =	vperm.xlane v43, v44  }
0x2bb: {  	v3 =	vsel vm12, v45, v3  }
0x2bc: {  	v3 =	vsel vm14, v11, v3;
	vm9 =	veq.f32 v2, v4  }
0x2bd: {  	v2 =	vnsel vm9, $0x7FFFF000, v3  }
0x2be: {  	(xrf0) =	vmax.scan.msk.u32 $0xffff, v2;
	_ =	sdelay $0x5  }
0x2bf: {  	v2, _, _ =	vpop (xrf0)  }
0x2c0: {  	v2 =	vxor.u32 $0x80000000, v2  }
0x2c1: {  	v2 =	vperm.xlane v2, v44;
	_ =	sdelay $0x1  }
0x2c2: {  	v46 =	vsub.s32 $0x0, v2  }
0x2c3: {  	v47 =	vimm.s32 $0x0;
	v48 =	vshra.s32 v46, $0x1F  }
0x2c4: {  	vm10 =	vne.s32 v47, v2;
	v50 =	vshrl.u32 v48, $0x1C  }
0x2c5: {  	v5 =	vsel vm10, $0x1, v47;
	v2 =	vsub.s32 v50, v2  }
0x2c6: {  	v56 =	vld [tilespmem:$0x1FA10];
	v4 =	vor.u32 v5, v48;
	v52 =	vand.u32 $0xFFFFFFF0, v2  }
0x2c7: {  	v58 =	vld [tilespmem:$0x1FFA0];
	vm11 =	vne.s32 v4, $0x1;
	vm12 =	vne.s32 v46, v52  }
0x2c8: {  	v57 =	vld [tilespmem:$0x1FA20];
	v8 =	vimm.s32 $0x0;
	vm0 =	vmand vm12, vm11  }
0x2c9: {  	v49 =	vsub.s32 v46, v9;
	v2 =	vshrl.u32 v2, $0x4;
	v53 =	vsel vm0, $0xFFFFFFFF, v8  }
0x2ca: {  	v1 =	vand.u32 $0x1E, v1;
	v59 =	vld [tilespmem:$0x1FFB0];
	v51 =	vshll.u32 v49, $0x1;
	v2 =	vadd.s32 v53, v2  }
0x2cb: {  	v0 =	vor.u32 v1, v0;
	v54 =	vand.u32 $0x1E, v51;
	v55 =	vshll.u32 v2, $0x6  }
0x2cc: {  	vm13 =	vcmask $0x1F10;
	v2 =	vand.u32 $0x1E, v56;
	v1 =	vor.u32 v54, v55  }
0x2cd: {  	vm14 =	vnez.u8 v58;
	v2 =	vor.u32 v2, v57;
	v0 =	vsel vm13, v0, v1  }
0x2ce: {  	v0 =	vsel vm14, v2, v0  }
0x2cf: {  	v60 =	vld [tilespmem:$0x1FFC0];
	v0 =	vadd.s32 v59, v0  }
0x2d0: {  	v1 =	vshrl.u32 v0, $0x3  }
0x2d1: {  	v62 =	vld [tilespmem:$0x1FFE0];
	v1 =	vmul.u32 $0x30, v1  }
0x2d2: {  	v0 =	vand.u32 $0x7, v0  }
0x2d3: {  	v0 =	vor.u32 v0, v1  }
0x2d4: {  	v61 =	vld [tilespmem:$0x1FFD0];
	v1 =	vperm.xlane v0, v60  }
0x2d5: {  	v63 =	vld [tilespmem:$0x1FFF0]  }
0x2d6: {  	v1 =	vadd.s32 v62, v1;
	_ =	sdelay $0x3  }
0x2d7: {  	vm15 =	vnez.u8 v63;
	v0 =	vperm.xlane v0, v61  }
0x2d8: {  	[tilespmem:s7], [sflag:$0x1] =	stream.indirect_vreg.gather [hbm4b:s2+s3], $0x80, v1, vm15, $0xb8;
	[tilespmem:$0x3400] =	vst v63  }
0x2d9: {  	v0 =	vadd.s32 v62, v0  }
0x2da: {  	[tilespmem:s9], [sflag:$0x1] =	stream.indirect_vreg.gather [hbm4b:s8+s3], $0x80, v1, vm15, $0xb8;
	[tilespmem:$0x3400] =	vst v63  }
0x2db: {  	_ = 	snop  }
0x2dc: {  	[tilespmem:s11], [sflag:$0x1] =	stream.indirect_vreg.gather [hbm4b:s10+s3], $0x80, v1, vm15, $0xb8;
	[tilespmem:$0x3400] =	vst v63  }
0x2dd: {  	_ = 	snop  }
0x2de: {  	[tilespmem:s12], [sflag:$0x1] =	stream.indirect_vreg.gather [hbm4b:s2+s3], $0x80, v0, vm15, $0xb8;
	[tilespmem:$0x3400] =	vst v63  }
0x2df: {  	_ = 	snop  }
0x2e0: {  	[tilespmem:s13], [sflag:$0x1] =	stream.indirect_vreg.gather [hbm4b:s8+s3], $0x80, v0, vm15, $0xb8;
	[tilespmem:$0x3400] =	vst v63  }
0x2e1: {  	p0 =	sne.s32 s17, $0x1  }
0x2e2: {  	[tilespmem:s14], [sflag:$0x1] =	stream.indirect_vreg.gather [hbm4b:s10+s3], $0x80, v0, vm15, $0xb8;
	[tilespmem:$0x3400] =	vst v63  }
.Ltmp1:
0x2e3: {  	_ =	swait.ge [sflag:s15], $0x3000;
	(pc) =	sbr.rel @p0 .LBB2_2-.Ltmp1, $4  }
0x2e4: {  	[sflag:s15] =	ssyncset.done $0x0  }
0x2e5: {  	[sflag:s15] =	ssyncadd.s32 $0xFFFFD000  }
0x2e6: {  	[hbm4b:s16+s3] =	stream.linear.scatter [tilespmem:s7], [sflag:$0x2], $0x3000, $0x38;
	[tilespmem:$0x3400] =	vst v63  }
0x2e7: {  	s17 =	sadd.s32 $0xFFFFFFFF, s17;
	_ =	swait.ge [sflag:s5], $0x3000  }
.LBB2_3:
0x2e8: {  	[sflag:s5] =	ssyncset.done $0x0  }
0x2e9: {  	[sflag:s5] =	ssyncadd.s32 $0xFFFFD000  }
0x2ea: {  	_ =	sfence.sel $0x180000  }
0x2eb: {  	[bflag:$0x0] =	sbarrier.arrive $0xFFFF  }
0x2ec: {  	p0 =	sne.s32 s0, $0x0;
	_ =	strace $0x90000047  }
0x2ed: {  	s0 =	sadd.s32 @!p0 $0x100000, s1;
	[bflag:$0x2] =	sbarrier.arrive $0xFFFF  }
0x2ee: {  	[sflag:s0] =	ssyncadd.tile.s32 @!p0 $0x1;
	_ =	shalt  }
.Lfunc_end2:
_tile_overlayer_lowered:
.L_overlay_start_2:
0x2ef: {  	(tag) =	ssettag $0x2  }
0x2f0: {  	s0 =	rddreg [dreg:$0x0];
	s2 =	stileid.u32  }
0x2f1: {  	s1 =	rddreg [dreg:$0x1];
	p0 =	sne.s32 s2, $0x0  }
0x2f2: {  	s3 =	rddreg [dreg:$0x2];
	[bflag:$0x3] =	sbarrier.arrive $0xFFFF;
	s2 =	simm.s32 @!p0 $0x1C02  }
0x2f3: {  	[timem:s3], [sflag:s2] =	dma.local @!p0 [hbm:s0], s1  }
0x2f4: {  	s0 =	simm.s32 @!p0 $0x2  }
0x2f5: {  	_ =	swait.ge @!p0 [sflag:s0], s1  }
0x2f6: {  	s1 =	ssub.s32 @!p0 $0x0, s1;
	[sflag:s0] =	ssyncset.done @!p0 $0x0  }
0x2f7: {  	[sflag:s0] =	ssyncadd.s32 @!p0 s1  }
0x2f8: {  	[bflag:$0x3] =	sbarrier.arrive $0xFFFF  }
0x2f9: {  	_ =	shalt  }

</sc_bundles>
